<compile_context>
chip_gen: v7x
topology: tpu7x:2x2x1
jax: 0.10.2.dev20260603
libtpu: 0.0.44.dev20260713+nightly
codegen_flags: <defaults>
</compile_context>

<pallas_src>
import functools

import jax
import jax.numpy as jnp
from jax import lax
from jax.experimental import pallas as pl
from jax.experimental.pallas import tpu as pltpu
from jax.experimental.pallas import tpu_sc as plsc

N = 10000
E = 320000
D = 128
H = 128
K = 3

NC = 2
NS = 16
CHUNK = 128
CH0 = 103
CH1 = 54
CH = max(CH0, CH1)
NPAD = 10112
RPT = NPAD // NS
ZFULL = RPT // CHUNK
ZREM = RPT % CHUNK

_mesh = plsc.VectorSubcoreMesh(core_axis_name="c", subcore_axis_name="s")



@functools.partial(
    pl.kernel,
    out_type=jax.ShapeDtypeStruct((NC, NPAD, D), jnp.float32),
    mesh=_mesh,
    scratch_types=[
        pltpu.VMEM((CH, CHUNK), jnp.int32),
        pltpu.VMEM((CHUNK, D), jnp.float32),
        pltpu.VMEM((CHUNK, D), jnp.float32),
        pltpu.VMEM_SHARED((NPAD, D), jnp.float32),
        pltpu.SemaphoreType.DMA,
    ],
)
def _deg(dstr, ones_hbm, zeros_hbm, out_hbm, dst_v, ones_v, zr_v, acc_sh, sem):
    c = lax.axis_index("c")
    s = lax.axis_index("s")
    pltpu.sync_copy(dstr.at[c, s], dst_v)
    pltpu.sync_copy(ones_hbm, ones_v)
    pltpu.sync_copy(zeros_hbm, zr_v)
    base = s * RPT
    for k in range(ZFULL):
        pltpu.sync_copy(zr_v, acc_sh.at[pl.ds(base + CHUNK * k, CHUNK)])
    pltpu.sync_copy(zr_v.at[pl.ds(0, ZREM)],
                    acc_sh.at[pl.ds(base + ZFULL * CHUNK, ZREM)])
    plsc.subcore_barrier()

    def step(j, carry):
        pltpu.sync_copy(ones_v, acc_sh.at[dst_v.at[j]], add=True)
        return carry

    lax.fori_loop(0, jnp.where(c == 0, CH0, CH1), step, 0)
    plsc.subcore_barrier()
    for k in range(ZFULL):
        pltpu.sync_copy(acc_sh.at[pl.ds(base + CHUNK * k, CHUNK)], ones_v)
        pltpu.sync_copy(ones_v, out_hbm.at[c, pl.ds(base + CHUNK * k, CHUNK)])
    pltpu.sync_copy(acc_sh.at[pl.ds(base + ZFULL * CHUNK, ZREM)],
                    ones_v.at[pl.ds(0, ZREM)])
    pltpu.sync_copy(ones_v.at[pl.ds(0, ZREM)],
                    out_hbm.at[c, pl.ds(base + ZFULL * CHUNK, ZREM)])


@functools.partial(
    pl.kernel,
    out_type=jax.ShapeDtypeStruct((NC, NPAD, D), jnp.float32),
    mesh=_mesh,
    scratch_types=[
        pltpu.VMEM((CH, CHUNK), jnp.int32),
        pltpu.VMEM((CH, CHUNK), jnp.int32),
        pltpu.VMEM((CHUNK, D), jnp.float32),
        pltpu.VMEM_SHARED((NPAD, D), jnp.float32),
        pltpu.SemaphoreType.DMA,
    ],
)
def _spmm(g_hbm, srcr, dstr, zeros_hbm, out_hbm, src_v, dst_v, rows_v, acc_sh,
          sem):
    c = lax.axis_index("c")
    s = lax.axis_index("s")
    pltpu.sync_copy(srcr.at[c, s], src_v)
    pltpu.sync_copy(dstr.at[c, s], dst_v)
    pltpu.sync_copy(zeros_hbm, rows_v)
    base = s * RPT
    for k in range(ZFULL):
        pltpu.sync_copy(rows_v, acc_sh.at[pl.ds(base + CHUNK * k, CHUNK)])
    pltpu.sync_copy(rows_v.at[pl.ds(0, ZREM)],
                    acc_sh.at[pl.ds(base + ZFULL * CHUNK, ZREM)])
    plsc.subcore_barrier()

    def step(j, carry):
        pltpu.async_copy(g_hbm.at[src_v.at[j]], rows_v, sem).wait()
        pltpu.sync_copy(rows_v, acc_sh.at[dst_v.at[j]], add=True)
        return carry

    lax.fori_loop(0, jnp.where(c == 0, CH0, CH1), step, 0)
    plsc.subcore_barrier()
    for k in range(ZFULL):
        pltpu.sync_copy(acc_sh.at[pl.ds(base + CHUNK * k, CHUNK)], rows_v)
        pltpu.sync_copy(rows_v, out_hbm.at[c, pl.ds(base + CHUNK * k, CHUNK)])
    pltpu.sync_copy(acc_sh.at[pl.ds(base + ZFULL * CHUNK, ZREM)],
                    rows_v.at[pl.ds(0, ZREM)])
    pltpu.sync_copy(rows_v.at[pl.ds(0, ZREM)],
                    out_hbm.at[c, pl.ds(base + ZFULL * CHUNK, ZREM)])



BLK = 1000
GRID = N // BLK


def _mlp_ln_relu(h, W, b, ga, be):
    z = jnp.dot(h, W, preferred_element_type=jnp.float32) + b
    m = jnp.mean(z, axis=-1, keepdims=True)
    v = jnp.mean((z - m) * (z - m), axis=-1, keepdims=True)
    zn = (z - m) * lax.rsqrt(v + 1e-5) * ga + be
    return jnp.maximum(zn, 0.0)


def _row_spec():
    return pl.BlockSpec((BLK, D), lambda i: (i, 0))


def _full_spec(shape):
    return pl.BlockSpec(shape, lambda i: tuple(0 for _ in shape))


def _hop0_body(x_ref, d0_ref, d1_ref, W_ref, b_ref, ga_ref, be_ref,
               z_ref, g_ref, dinv_ref):
    deg = 1.0 + d0_ref[:, 0:1] + d1_ref[:, 0:1]
    dinv = lax.rsqrt(deg)
    x = x_ref[...]
    z_ref[...] = _mlp_ln_relu(x, W_ref[...], b_ref[...], ga_ref[...],
                              be_ref[...])
    g_ref[...] = x * dinv
    dinv_ref[...] = dinv


_hop0 = pl.pallas_call(
    _hop0_body,
    grid=(GRID,),
    in_specs=[
        _row_spec(),
        pl.BlockSpec((BLK, 16), lambda i: (i, 0)),
        pl.BlockSpec((BLK, 16), lambda i: (i, 0)),
        _full_spec((D, H)),
        _full_spec((1, H)),
        _full_spec((1, H)),
        _full_spec((1, H)),
    ],
    out_specs=[
        _row_spec(),
        _row_spec(),
        pl.BlockSpec((BLK, 1), lambda i: (i, 0)),
    ],
    out_shape=[
        jax.ShapeDtypeStruct((N, H), jnp.float32),
        jax.ShapeDtypeStruct((N, D), jnp.float32),
        jax.ShapeDtypeStruct((N, 1), jnp.float32),
    ],
)


def _hop_body(p0_ref, p1_ref, gp_ref, dinv_ref, W_ref, b_ref, ga_ref, be_ref,
              z_ref, g_ref):
    dinv = dinv_ref[...]
    h = (p0_ref[...] + p1_ref[...] + gp_ref[...]) * dinv
    z_ref[...] = _mlp_ln_relu(h, W_ref[...], b_ref[...], ga_ref[...],
                              be_ref[...])
    g_ref[...] = h * dinv


_hop = pl.pallas_call(
    _hop_body,
    grid=(GRID,),
    in_specs=[
        _row_spec(),
        _row_spec(),
        _row_spec(),
        pl.BlockSpec((BLK, 1), lambda i: (i, 0)),
        _full_spec((D, H)),
        _full_spec((1, H)),
        _full_spec((1, H)),
        _full_spec((1, H)),
    ],
    out_specs=[_row_spec(), _row_spec()],
    out_shape=[
        jax.ShapeDtypeStruct((N, H), jnp.float32),
        jax.ShapeDtypeStruct((N, D), jnp.float32),
    ],
)


def _final_body(z0_ref, z1_ref, z2_ref, z3_ref, Wr_ref, br_ref, gr_ref,
                ber_ref, out_ref):
    Wr = Wr_ref[...]
    acc = jnp.dot(z0_ref[...], Wr[0:H], preferred_element_type=jnp.float32)
    acc += jnp.dot(z1_ref[...], Wr[H:2 * H], preferred_element_type=jnp.float32)
    acc += jnp.dot(z2_ref[...], Wr[2 * H:3 * H],
                   preferred_element_type=jnp.float32)
    acc += jnp.dot(z3_ref[...], Wr[3 * H:4 * H],
                   preferred_element_type=jnp.float32)
    z = acc + br_ref[...]
    m = jnp.mean(z, axis=-1, keepdims=True)
    v = jnp.mean((z - m) * (z - m), axis=-1, keepdims=True)
    zn = (z - m) * lax.rsqrt(v + 1e-5) * gr_ref[...] + ber_ref[...]
    out_ref[...] = jnp.maximum(zn, 0.0)


_final = pl.pallas_call(
    _final_body,
    grid=(GRID,),
    in_specs=[
        _row_spec(),
        _row_spec(),
        _row_spec(),
        _row_spec(),
        _full_spec(((K + 1) * H, H)),
        _full_spec((1, H)),
        _full_spec((1, H)),
        _full_spec((1, H)),
    ],
    out_specs=_row_spec(),
    out_shape=jax.ShapeDtypeStruct((N, H), jnp.float32),
)


def kernel(x, edge_index, Ws, bs, gammas, betas, Wr, br, gr, ber):
    e0 = NS * CH0 * CHUNK
    pad1 = NS * CH1 * CHUNK - (E - e0)
    pad_dst = N + jnp.arange(pad1, dtype=jnp.int32) % (NPAD - N)
    s0 = jnp.concatenate(
        [edge_index[0, :e0].reshape(NS, CH0, CHUNK),
         jnp.zeros((NS, CH - CH0, CHUNK), jnp.int32)], axis=1)
    d0 = jnp.concatenate(
        [edge_index[1, :e0].reshape(NS, CH0, CHUNK),
         jnp.full((NS, CH - CH0, CHUNK), N, jnp.int32)], axis=1)
    s1 = jnp.concatenate(
        [edge_index[0, e0:], jnp.zeros((pad1,), jnp.int32)]).reshape(
            NS, CH1, CHUNK)
    d1 = jnp.concatenate(
        [edge_index[1, e0:], pad_dst]).reshape(NS, CH1, CHUNK)
    srcp = jnp.stack([s0, jnp.concatenate(
        [s1, jnp.zeros((NS, CH - CH1, CHUNK), jnp.int32)], axis=1)])
    dstp = jnp.stack([d0, jnp.concatenate(
        [d1, jnp.full((NS, CH - CH1, CHUNK), N, jnp.int32)], axis=1)])

    onesD = jnp.ones((CHUNK, D), jnp.float32)
    zerosD = jnp.zeros((CHUNK, D), jnp.float32)

    d = _deg(dstp, onesD, zerosD)
    b2 = bs.reshape(K + 1, 1, H)
    ga2 = gammas.reshape(K + 1, 1, H)
    be2 = betas.reshape(K + 1, 1, H)

    z0, g, dinv = _hop0(x, d[0, :N, :16], d[1, :N, :16], Ws[0], b2[0], ga2[0],
                        be2[0])
    zs = [z0]
    for i in range(1, K + 1):
        p = _spmm(g, srcp, dstp, zerosD)
        z, g = _hop(p[0, :N], p[1, :N], g, dinv, Ws[i], b2[i], ga2[i], be2[i])
        zs.append(z)

    return _final(zs[0], zs[1], zs[2], zs[3], Wr, br.reshape(1, H),
                  gr.reshape(1, H), ber.reshape(1, H))

# --- scband reference (transcript-rebuilt; emitter-appended) ---
"""Pipeline reference for scband-flat-gnn-46170898432208 (READ-ONLY COPY).

The authoritative reference and input builder live on the scoring server;
editing this copy changes nothing except your own understanding.
"""

import jax, jax.numpy as jnp
import numpy as np

N = 10000
E = 320000
D = 128
H = 128
K = 3  # n_hops


def _layer_norm(h, g, b, eps=1e-5):
    m = jnp.mean(h, axis=-1, keepdims=True)
    v = jnp.var(h, axis=-1, keepdims=True)
    return (h - m) / jnp.sqrt(v + eps) * g + b


def setup_inputs(seed: int = 0) -> dict:
    key = jax.random.key(seed)
    ks = jax.random.split(key, 10)
    x = jax.random.normal(ks[0], (N, D), dtype=jnp.float32)
    edge_index = jax.random.randint(ks[1], (2, E), 0, N, dtype=jnp.int32)
    # per-hop node-individual-embedding MLPs (gcn-nie-nst: one MLP per hop, non-shared)
    Ws = jax.random.normal(ks[2], (K + 1, D, H), dtype=jnp.float32) / np.sqrt(D)
    bs = jnp.zeros((K + 1, H), dtype=jnp.float32)
    gammas = jnp.ones((K + 1, H), dtype=jnp.float32)
    betas = jnp.zeros((K + 1, H), dtype=jnp.float32)
    # nrl='concat' MLP: h_feats*(K+1) -> h_feats
    Wr = jax.random.normal(ks[3], (H * (K + 1), H), dtype=jnp.float32) / np.sqrt(H * (K + 1))
    br = jnp.zeros((H,), dtype=jnp.float32)
    gr = jnp.ones((H,), dtype=jnp.float32)
    ber = jnp.zeros((H,), dtype=jnp.float32)
    return {"x": x, "edge_index": edge_index, "Ws": Ws, "bs": bs,
            "gammas": gammas, "betas": betas, "Wr": Wr, "br": br,
            "gr": gr, "ber": ber}


def reference(x, edge_index, Ws, bs, gammas, betas, Wr, br, gr, ber):
    # preprocess_neighborhoods with set_diag=True, symm_norm=True:
    # nei_feats[i] = (D^-1/2 (A+I) D^-1/2)^i @ X
    loop = jnp.arange(N, dtype=edge_index.dtype)
    src = jnp.concatenate([edge_index[0], loop])
    dst = jnp.concatenate([edge_index[1], loop])
    deg = jax.ops.segment_sum(jnp.ones_like(src, dtype=jnp.float32), dst, num_segments=N)
    dinv = jnp.where(deg > 0, 1.0 / jnp.sqrt(jnp.maximum(deg, 1.0)), 0.0)
    norm = dinv[src] * dinv[dst]

    def prop(h):
        msgs = h[src] * norm[:, None]
        return jax.ops.segment_sum(msgs, dst, num_segments=N)

    ns = []
    h = x
    for i in range(K + 1):
        if i > 0:
            h = prop(h)
        z = h @ Ws[i] + bs[i]
        z = _layer_norm(z, gammas[i], betas[i])
        ns.append(jax.nn.relu(z))
    hops_feats = jnp.concatenate(ns, axis=1)
    out = hops_feats @ Wr + br
    out = _layer_norm(out, gr, ber)
    out = jax.nn.relu(out)
    return out

if __name__ == "__main__":
    import jax
    _d = setup_inputs()
    print(jax.jit(kernel)(*tuple(_d.values())))

</pallas_src>

<mosaic_0001>
#map = affine_map<(d0, d1) -> (0, 0)>
#map1 = affine_map<(d0, d1) -> (0, 0, 0, 0)>
#map2 = affine_map<(d0, d1) -> (0, 0, 0)>
module attributes {stable_mosaic.version = 14 : i64} {
  func.func @_spmm(%arg0: i32, %arg1: i32, %arg2: memref<10000x128xf32, #tpu.memory_space<hbm>>, %arg3: memref<2x16x103x128xi32, #tpu.memory_space<hbm>>, %arg4: memref<2x16x103x128xi32, #tpu.memory_space<hbm>>, %arg5: memref<128x128xf32, #tpu.memory_space<hbm>>, %arg6: memref<2x10112x128xf32, #tpu.memory_space<hbm>>, %arg7: memref<103x128xi32, #tpu.memory_space<vmem>>, %arg8: memref<103x128xi32, #tpu.memory_space<vmem>>, %arg9: memref<128x128xf32, #tpu.memory_space<vmem>>, %arg10: memref<10112x128xf32, #tpu.memory_space<vmem_shared>>, %arg11: memref<!tpu.dma_semaphore, #tpu.memory_space<semaphore_mem>>) attributes {dimension_semantics = [#tpu.dimension_semantics<core_parallel>, #tpu.dimension_semantics<subcore_parallel>], iteration_bounds = array<i64: 2, 16>, scalar_prefetch = 0 : i64, scratch_operands = 5 : i64, tpu.core_type = #tpu.core_type<sc_vector_subcore>, window_params = [{transform_indices = #map}, {transform_indices = #map1}, {transform_indices = #map1}, {transform_indices = #map}, {transform_indices = #map2}]} {
    "tpu.region"() ({
      %run_scoped3A = tpu.sem_alloc : memref<!tpu.dma_semaphore, #tpu.memory_space<semaphore_mem>>
      %dma_start3A = arith.constant 0 : i32
      %dma_start3A_42 = arith.constant 0 : i32
      %dma_start3A_43 = tpu.memref_slice %arg3[%arg0, %arg1, %dma_start3A, %dma_start3A_42] : memref<2x16x103x128xi32, #tpu.memory_space<hbm>> -> memref<1x1x103x128xi32, #tpu.memory_space<hbm>>
      %dma_start3A_44 = tpu.memref_squeeze %dma_start3A_43 : memref<1x1x103x128xi32, #tpu.memory_space<hbm>> -> memref<103x128xi32, #tpu.memory_space<hbm>>
      %dma_start3A_45 = arith.constant 0 : i32
      %dma_start3A_46 = arith.constant 0 : i32
      %dma_start3A_47 = tpu.memref_slice %arg3[%arg0, %arg1, %dma_start3A_45, %dma_start3A_46] : memref<2x16x103x128xi32, #tpu.memory_space<hbm>> -> memref<1x1x103x128xi32, #tpu.memory_space<hbm>>
      %dma_start3A_48 = tpu.memref_squeeze %dma_start3A_47 : memref<1x1x103x128xi32, #tpu.memory_space<hbm>> -> memref<103x128xi32, #tpu.memory_space<hbm>>
      tpu.enqueue_dma source(%dma_start3A_48 : memref<103x128xi32, #tpu.memory_space<hbm>>) target(%arg7 : memref<103x128xi32, #tpu.memory_space<vmem>>) target_semaphore(%run_scoped3A : memref<!tpu.dma_semaphore, #tpu.memory_space<semaphore_mem>>)
      %dma_wait3A = arith.constant 0 : i32
      %dma_wait3A_49 = arith.constant 0 : i32
      %dma_wait3A_50 = tpu.memref_slice %arg3[%arg0, %arg1, %dma_wait3A, %dma_wait3A_49] : memref<2x16x103x128xi32, #tpu.memory_space<hbm>> -> memref<1x1x103x128xi32, #tpu.memory_space<hbm>>
      %dma_wait3A_51 = tpu.memref_squeeze %dma_wait3A_50 : memref<1x1x103x128xi32, #tpu.memory_space<hbm>> -> memref<103x128xi32, #tpu.memory_space<hbm>>
      %dma_wait3A_52 = arith.constant 0 : i32
      %dma_wait3A_53 = arith.constant 0 : i32
      %dma_wait3A_54 = tpu.memref_slice %arg3[%arg0, %arg1, %dma_wait3A_52, %dma_wait3A_53] : memref<2x16x103x128xi32, #tpu.memory_space<hbm>> -> memref<1x1x103x128xi32, #tpu.memory_space<hbm>>
      %dma_wait3A_55 = tpu.memref_squeeze %dma_wait3A_54 : memref<1x1x103x128xi32, #tpu.memory_space<hbm>> -> memref<103x128xi32, #tpu.memory_space<hbm>>
      tpu.wait_dma2 semaphore(%run_scoped3A : memref<!tpu.dma_semaphore, #tpu.memory_space<semaphore_mem>>) src(%dma_wait3A_55 : memref<103x128xi32, #tpu.memory_space<hbm>>) dst(%arg7 : memref<103x128xi32, #tpu.memory_space<vmem>>)
      tpu.yield
    }) : () -> ()
    "tpu.region"() ({
      %run_scoped3A = tpu.sem_alloc : memref<!tpu.dma_semaphore, #tpu.memory_space<semaphore_mem>>
      %dma_start3A = arith.constant 0 : i32
      %dma_start3A_42 = arith.constant 0 : i32
      %dma_start3A_43 = tpu.memref_slice %arg4[%arg0, %arg1, %dma_start3A, %dma_start3A_42] : memref<2x16x103x128xi32, #tpu.memory_space<hbm>> -> memref<1x1x103x128xi32, #tpu.memory_space<hbm>>
      %dma_start3A_44 = tpu.memref_squeeze %dma_start3A_43 : memref<1x1x103x128xi32, #tpu.memory_space<hbm>> -> memref<103x128xi32, #tpu.memory_space<hbm>>
      %dma_start3A_45 = arith.constant 0 : i32
      %dma_start3A_46 = arith.constant 0 : i32
      %dma_start3A_47 = tpu.memref_slice %arg4[%arg0, %arg1, %dma_start3A_45, %dma_start3A_46] : memref<2x16x103x128xi32, #tpu.memory_space<hbm>> -> memref<1x1x103x128xi32, #tpu.memory_space<hbm>>
      %dma_start3A_48 = tpu.memref_squeeze %dma_start3A_47 : memref<1x1x103x128xi32, #tpu.memory_space<hbm>> -> memref<103x128xi32, #tpu.memory_space<hbm>>
      tpu.enqueue_dma source(%dma_start3A_48 : memref<103x128xi32, #tpu.memory_space<hbm>>) target(%arg8 : memref<103x128xi32, #tpu.memory_space<vmem>>) target_semaphore(%run_scoped3A : memref<!tpu.dma_semaphore, #tpu.memory_space<semaphore_mem>>)
      %dma_wait3A = arith.constant 0 : i32
      %dma_wait3A_49 = arith.constant 0 : i32
      %dma_wait3A_50 = tpu.memref_slice %arg4[%arg0, %arg1, %dma_wait3A, %dma_wait3A_49] : memref<2x16x103x128xi32, #tpu.memory_space<hbm>> -> memref<1x1x103x128xi32, #tpu.memory_space<hbm>>
      %dma_wait3A_51 = tpu.memref_squeeze %dma_wait3A_50 : memref<1x1x103x128xi32, #tpu.memory_space<hbm>> -> memref<103x128xi32, #tpu.memory_space<hbm>>
      %dma_wait3A_52 = arith.constant 0 : i32
      %dma_wait3A_53 = arith.constant 0 : i32
      %dma_wait3A_54 = tpu.memref_slice %arg4[%arg0, %arg1, %dma_wait3A_52, %dma_wait3A_53] : memref<2x16x103x128xi32, #tpu.memory_space<hbm>> -> memref<1x1x103x128xi32, #tpu.memory_space<hbm>>
      %dma_wait3A_55 = tpu.memref_squeeze %dma_wait3A_54 : memref<1x1x103x128xi32, #tpu.memory_space<hbm>> -> memref<103x128xi32, #tpu.memory_space<hbm>>
      tpu.wait_dma2 semaphore(%run_scoped3A : memref<!tpu.dma_semaphore, #tpu.memory_space<semaphore_mem>>) src(%dma_wait3A_55 : memref<103x128xi32, #tpu.memory_space<hbm>>) dst(%arg8 : memref<103x128xi32, #tpu.memory_space<vmem>>)
      tpu.yield
    }) : () -> ()
    "tpu.region"() ({
      %run_scoped3A = tpu.sem_alloc : memref<!tpu.dma_semaphore, #tpu.memory_space<semaphore_mem>>
      tpu.enqueue_dma source(%arg5 : memref<128x128xf32, #tpu.memory_space<hbm>>) target(%arg9 : memref<128x128xf32, #tpu.memory_space<vmem>>) target_semaphore(%run_scoped3A : memref<!tpu.dma_semaphore, #tpu.memory_space<semaphore_mem>>)
      tpu.wait_dma2 semaphore(%run_scoped3A : memref<!tpu.dma_semaphore, #tpu.memory_space<semaphore_mem>>) src(%arg5 : memref<128x128xf32, #tpu.memory_space<hbm>>) dst(%arg9 : memref<128x128xf32, #tpu.memory_space<vmem>>)
      tpu.yield
    }) : () -> ()
    %mul3A = arith.constant 632 : i32
    %mul3A_0 = arith.muli %arg1, %mul3A : i32
    %add3A = arith.constant 0 : i32
    %add3A_1 = arith.addi %mul3A_0, %add3A : i32
    "tpu.region"() ({
      %run_scoped3A = tpu.sem_alloc : memref<!tpu.dma_semaphore, #tpu.memory_space<semaphore_mem>>
      %dma_start3A = arith.constant 0 : i32
      %dma_start3A_42 = tpu.memref_slice %arg10[%add3A_1, %dma_start3A] : memref<10112x128xf32, #tpu.memory_space<vmem_shared>> -> memref<128x128xf32, #tpu.memory_space<vmem_shared>>
      %dma_start3A_43 = arith.constant 0 : i32
      %dma_start3A_44 = tpu.memref_slice %arg10[%add3A_1, %dma_start3A_43] : memref<10112x128xf32, #tpu.memory_space<vmem_shared>> -> memref<128x128xf32, #tpu.memory_space<vmem_shared>>
      tpu.enqueue_dma source(%arg9 : memref<128x128xf32, #tpu.memory_space<vmem>>) target(%dma_start3A_44 : memref<128x128xf32, #tpu.memory_space<vmem_shared>>) target_semaphore(%run_scoped3A : memref<!tpu.dma_semaphore, #tpu.memory_space<semaphore_mem>>)
      %dma_wait3A = arith.constant 0 : i32
      %dma_wait3A_45 = tpu.memref_slice %arg10[%add3A_1, %dma_wait3A] : memref<10112x128xf32, #tpu.memory_space<vmem_shared>> -> memref<128x128xf32, #tpu.memory_space<vmem_shared>>
      %dma_wait3A_46 = arith.constant 0 : i32
      %dma_wait3A_47 = tpu.memref_slice %arg10[%add3A_1, %dma_wait3A_46] : memref<10112x128xf32, #tpu.memory_space<vmem_shared>> -> memref<128x128xf32, #tpu.memory_space<vmem_shared>>
      tpu.wait_dma2 semaphore(%run_scoped3A : memref<!tpu.dma_semaphore, #tpu.memory_space<semaphore_mem>>) src(%arg9 : memref<128x128xf32, #tpu.memory_space<vmem>>) dst(%dma_wait3A_47 : memref<128x128xf32, #tpu.memory_space<vmem_shared>>)
      tpu.yield
    }) : () -> ()
    %add3A_2 = arith.constant 128 : i32
    %add3A_3 = arith.addi %mul3A_0, %add3A_2 : i32
    "tpu.region"() ({
      %run_scoped3A = tpu.sem_alloc : memref<!tpu.dma_semaphore, #tpu.memory_space<semaphore_mem>>
      %dma_start3A = arith.constant 0 : i32
      %dma_start3A_42 = tpu.memref_slice %arg10[%add3A_3, %dma_start3A] : memref<10112x128xf32, #tpu.memory_space<vmem_shared>> -> memref<128x128xf32, #tpu.memory_space<vmem_shared>>
      %dma_start3A_43 = arith.constant 0 : i32
      %dma_start3A_44 = tpu.memref_slice %arg10[%add3A_3, %dma_start3A_43] : memref<10112x128xf32, #tpu.memory_space<vmem_shared>> -> memref<128x128xf32, #tpu.memory_space<vmem_shared>>
      tpu.enqueue_dma source(%arg9 : memref<128x128xf32, #tpu.memory_space<vmem>>) target(%dma_start3A_44 : memref<128x128xf32, #tpu.memory_space<vmem_shared>>) target_semaphore(%run_scoped3A : memref<!tpu.dma_semaphore, #tpu.memory_space<semaphore_mem>>)
      %dma_wait3A = arith.constant 0 : i32
      %dma_wait3A_45 = tpu.memref_slice %arg10[%add3A_3, %dma_wait3A] : memref<10112x128xf32, #tpu.memory_space<vmem_shared>> -> memref<128x128xf32, #tpu.memory_space<vmem_shared>>
      %dma_wait3A_46 = arith.constant 0 : i32
      %dma_wait3A_47 = tpu.memref_slice %arg10[%add3A_3, %dma_wait3A_46] : memref<10112x128xf32, #tpu.memory_space<vmem_shared>> -> memref<128x128xf32, #tpu.memory_space<vmem_shared>>
      tpu.wait_dma2 semaphore(%run_scoped3A : memref<!tpu.dma_semaphore, #tpu.memory_space<semaphore_mem>>) src(%arg9 : memref<128x128xf32, #tpu.memory_space<vmem>>) dst(%dma_wait3A_47 : memref<128x128xf32, #tpu.memory_space<vmem_shared>>)
      tpu.yield
    }) : () -> ()
    %add3A_4 = arith.constant 256 : i32
    %add3A_5 = arith.addi %mul3A_0, %add3A_4 : i32
    "tpu.region"() ({
      %run_scoped3A = tpu.sem_alloc : memref<!tpu.dma_semaphore, #tpu.memory_space<semaphore_mem>>
      %dma_start3A = arith.constant 0 : i32
      %dma_start3A_42 = tpu.memref_slice %arg10[%add3A_5, %dma_start3A] : memref<10112x128xf32, #tpu.memory_space<vmem_shared>> -> memref<128x128xf32, #tpu.memory_space<vmem_shared>>
      %dma_start3A_43 = arith.constant 0 : i32
      %dma_start3A_44 = tpu.memref_slice %arg10[%add3A_5, %dma_start3A_43] : memref<10112x128xf32, #tpu.memory_space<vmem_shared>> -> memref<128x128xf32, #tpu.memory_space<vmem_shared>>
      tpu.enqueue_dma source(%arg9 : memref<128x128xf32, #tpu.memory_space<vmem>>) target(%dma_start3A_44 : memref<128x128xf32, #tpu.memory_space<vmem_shared>>) target_semaphore(%run_scoped3A : memref<!tpu.dma_semaphore, #tpu.memory_space<semaphore_mem>>)
      %dma_wait3A = arith.constant 0 : i32
      %dma_wait3A_45 = tpu.memref_slice %arg10[%add3A_5, %dma_wait3A] : memref<10112x128xf32, #tpu.memory_space<vmem_shared>> -> memref<128x128xf32, #tpu.memory_space<vmem_shared>>
      %dma_wait3A_46 = arith.constant 0 : i32
      %dma_wait3A_47 = tpu.memref_slice %arg10[%add3A_5, %dma_wait3A_46] : memref<10112x128xf32, #tpu.memory_space<vmem_shared>> -> memref<128x128xf32, #tpu.memory_space<vmem_shared>>
      tpu.wait_dma2 semaphore(%run_scoped3A : memref<!tpu.dma_semaphore, #tpu.memory_space<semaphore_mem>>) src(%arg9 : memref<128x128xf32, #tpu.memory_space<vmem>>) dst(%dma_wait3A_47 : memref<128x128xf32, #tpu.memory_space<vmem_shared>>)
      tpu.yield
    }) : () -> ()
    %add3A_6 = arith.constant 384 : i32
    %add3A_7 = arith.addi %mul3A_0, %add3A_6 : i32
    "tpu.region"() ({
      %run_scoped3A = tpu.sem_alloc : memref<!tpu.dma_semaphore, #tpu.memory_space<semaphore_mem>>
      %dma_start3A = arith.constant 0 : i32
      %dma_start3A_42 = tpu.memref_slice %arg10[%add3A_7, %dma_start3A] : memref<10112x128xf32, #tpu.memory_space<vmem_shared>> -> memref<128x128xf32, #tpu.memory_space<vmem_shared>>
      %dma_start3A_43 = arith.constant 0 : i32
      %dma_start3A_44 = tpu.memref_slice %arg10[%add3A_7, %dma_start3A_43] : memref<10112x128xf32, #tpu.memory_space<vmem_shared>> -> memref<128x128xf32, #tpu.memory_space<vmem_shared>>
      tpu.enqueue_dma source(%arg9 : memref<128x128xf32, #tpu.memory_space<vmem>>) target(%dma_start3A_44 : memref<128x128xf32, #tpu.memory_space<vmem_shared>>) target_semaphore(%run_scoped3A : memref<!tpu.dma_semaphore, #tpu.memory_space<semaphore_mem>>)
      %dma_wait3A = arith.constant 0 : i32
      %dma_wait3A_45 = tpu.memref_slice %arg10[%add3A_7, %dma_wait3A] : memref<10112x128xf32, #tpu.memory_space<vmem_shared>> -> memref<128x128xf32, #tpu.memory_space<vmem_shared>>
      %dma_wait3A_46 = arith.constant 0 : i32
      %dma_wait3A_47 = tpu.memref_slice %arg10[%add3A_7, %dma_wait3A_46] : memref<10112x128xf32, #tpu.memory_space<vmem_shared>> -> memref<128x128xf32, #tpu.memory_space<vmem_shared>>
      tpu.wait_dma2 semaphore(%run_scoped3A : memref<!tpu.dma_semaphore, #tpu.memory_space<semaphore_mem>>) src(%arg9 : memref<128x128xf32, #tpu.memory_space<vmem>>) dst(%dma_wait3A_47 : memref<128x128xf32, #tpu.memory_space<vmem_shared>>)
      tpu.yield
    }) : () -> ()
    %add3A_8 = arith.constant 512 : i32
    %add3A_9 = arith.addi %mul3A_0, %add3A_8 : i32
    "tpu.region"() ({
      %run_scoped3A = tpu.sem_alloc : memref<!tpu.dma_semaphore, #tpu.memory_space<semaphore_mem>>
      %dma_start3A = arith.constant 0 : i32
      %dma_start3A_42 = arith.constant 0 : i32
      %dma_start3A_43 = tpu.memref_slice %arg9[%dma_start3A, %dma_start3A_42] : memref<128x128xf32, #tpu.memory_space<vmem>> -> memref<120x128xf32, #tpu.memory_space<vmem>>
      %dma_start3A_44 = arith.constant 0 : i32
      %dma_start3A_45 = tpu.memref_slice %arg10[%add3A_9, %dma_start3A_44] : memref<10112x128xf32, #tpu.memory_space<vmem_shared>> -> memref<120x128xf32, #tpu.memory_space<vmem_shared>>
      %dma_start3A_46 = arith.constant 0 : i32
      %dma_start3A_47 = tpu.memref_slice %arg10[%add3A_9, %dma_start3A_46] : memref<10112x128xf32, #tpu.memory_space<vmem_shared>> -> memref<120x128xf32, #tpu.memory_space<vmem_shared>>
      %dma_start3A_48 = arith.constant 0 : i32
      %dma_start3A_49 = arith.constant 0 : i32
      %dma_start3A_50 = tpu.memref_slice %arg9[%dma_start3A_48, %dma_start3A_49] : memref<128x128xf32, #tpu.memory_space<vmem>> -> memref<120x128xf32, #tpu.memory_space<vmem>>
      tpu.enqueue_dma source(%dma_start3A_50 : memref<120x128xf32, #tpu.memory_space<vmem>>) target(%dma_start3A_47 : memref<120x128xf32, #tpu.memory_space<vmem_shared>>) target_semaphore(%run_scoped3A : memref<!tpu.dma_semaphore, #tpu.memory_space<semaphore_mem>>)
      %dma_wait3A = arith.constant 0 : i32
      %dma_wait3A_51 = arith.constant 0 : i32
      %dma_wait3A_52 = tpu.memref_slice %arg9[%dma_wait3A, %dma_wait3A_51] : memref<128x128xf32, #tpu.memory_space<vmem>> -> memref<120x128xf32, #tpu.memory_space<vmem>>
      %dma_wait3A_53 = arith.constant 0 : i32
      %dma_wait3A_54 = tpu.memref_slice %arg10[%add3A_9, %dma_wait3A_53] : memref<10112x128xf32, #tpu.memory_space<vmem_shared>> -> memref<120x128xf32, #tpu.memory_space<vmem_shared>>
      %dma_wait3A_55 = arith.constant 0 : i32
      %dma_wait3A_56 = tpu.memref_slice %arg10[%add3A_9, %dma_wait3A_55] : memref<10112x128xf32, #tpu.memory_space<vmem_shared>> -> memref<120x128xf32, #tpu.memory_space<vmem_shared>>
      %dma_wait3A_57 = arith.constant 0 : i32
      %dma_wait3A_58 = arith.constant 0 : i32
      %dma_wait3A_59 = tpu.memref_slice %arg9[%dma_wait3A_57, %dma_wait3A_58] : memref<128x128xf32, #tpu.memory_space<vmem>> -> memref<120x128xf32, #tpu.memory_space<vmem>>
      tpu.wait_dma2 semaphore(%run_scoped3A : memref<!tpu.dma_semaphore, #tpu.memory_space<semaphore_mem>>) src(%dma_wait3A_59 : memref<120x128xf32, #tpu.memory_space<vmem>>) dst(%dma_wait3A_56 : memref<120x128xf32, #tpu.memory_space<vmem_shared>>)
      tpu.yield
    }) : () -> ()
    %barrier3A = arith.constant 0 : index
    tpu.barrier barrier_id(%barrier3A)
    %eq3A = arith.constant 0 : i32
    %eq3A_10 = arith.cmpi eq, %arg0, %eq3A : i32
    %jit3A = arith.constant 103 : i32
    %jit3A_11 = arith.constant 54 : i32
    %select_n3A = arith.select %eq3A_10, %jit3A, %jit3A_11 : i32
    %while3A = arith.constant 0 : i32
    %while3A_12 = arith.constant 0 : i32
    %while3A_13 = arith.subi %select_n3A, %while3A_12 : i32
    %while3A_14 = arith.addi %while3A_12, %while3A_13 : i32
    %while3A_15 = arith.constant 1 : i32
    %while3A_16 = arith.divsi %while3A_13, %while3A_15 : i32
    %while3A_17 = arith.muli %while3A_16, %while3A_15 : i32
    %while3A_18 = arith.addi %while3A_12, %while3A_17 : i32
    %while3A_19 = arith.constant 1 : i32
    scf.for %while3A_42 = %while3A_12 to %while3A_18 step %while3A_19  : i32 {
      %dma_start3A = arith.constant 0 : i32
      %dma_start3A_43 = tpu.memref_slice %arg7[%while3A_42, %dma_start3A] : memref<103x128xi32, #tpu.memory_space<vmem>> -> memref<1x128xi32, #tpu.memory_space<vmem>>
      %dma_start3A_44 = tpu.memref_squeeze %dma_start3A_43 : memref<1x128xi32, #tpu.memory_space<vmem>> -> memref<128xi32, #tpu.memory_space<vmem>>
      %dma_start3A_45 = arith.constant 0 : i32
      %dma_start3A_46 = arith.constant 0 : i32
      %dma_start3A_47 = tpu.memref_slice %arg2[%dma_start3A_45, %dma_start3A_46] : memref<10000x128xf32, #tpu.memory_space<hbm>> -> memref<10000x128xf32, #tpu.memory_space<hbm>>
      tpu.enqueue_indirect_dma source(%dma_start3A_47 : memref<10000x128xf32, #tpu.memory_space<hbm>>) target(%arg9 : memref<128x128xf32, #tpu.memory_space<vmem>>) offsets(%dma_start3A_44 : memref<128xi32, #tpu.memory_space<vmem>>) semaphore(%arg11 : memref<!tpu.dma_semaphore, #tpu.memory_space<semaphore_mem>>)
      %dma_wait3A = arith.constant 0 : i32
      %dma_wait3A_48 = tpu.memref_slice %arg7[%while3A_42, %dma_wait3A] : memref<103x128xi32, #tpu.memory_space<vmem>> -> memref<1x128xi32, #tpu.memory_space<vmem>>
      %dma_wait3A_49 = tpu.memref_squeeze %dma_wait3A_48 : memref<1x128xi32, #tpu.memory_space<vmem>> -> memref<128xi32, #tpu.memory_space<vmem>>
      %dma_wait3A_50 = arith.constant 0 : i32
      %dma_wait3A_51 = arith.constant 0 : i32
      %dma_wait3A_52 = tpu.memref_slice %arg2[%dma_wait3A_50, %dma_wait3A_51] : memref<10000x128xf32, #tpu.memory_space<hbm>> -> memref<10000x128xf32, #tpu.memory_space<hbm>>
      tpu.wait_indirect_dma semaphore(%arg11 : memref<!tpu.dma_semaphore, #tpu.memory_space<semaphore_mem>>) src(%dma_wait3A_52 : memref<10000x128xf32, #tpu.memory_space<hbm>>) dst(%arg9 : memref<128x128xf32, #tpu.memory_space<vmem>>)
      "tpu.region"() ({
        %run_scoped3A = tpu.sem_alloc : memref<!tpu.dma_semaphore, #tpu.memory_space<semaphore_mem>>
        %dma_start3A_53 = arith.constant 0 : i32
        %dma_start3A_54 = tpu.memref_slice %arg8[%while3A_42, %dma_start3A_53] : memref<103x128xi32, #tpu.memory_space<vmem>> -> memref<1x128xi32, #tpu.memory_space<vmem>>
        %dma_start3A_55 = tpu.memref_squeeze %dma_start3A_54 : memref<1x128xi32, #tpu.memory_space<vmem>> -> memref<128xi32, #tpu.memory_space<vmem>>
        %dma_start3A_56 = arith.constant 0 : i32
        %dma_start3A_57 = arith.constant 0 : i32
        %dma_start3A_58 = tpu.memref_slice %arg10[%dma_start3A_56, %dma_start3A_57] : memref<10112x128xf32, #tpu.memory_space<vmem_shared>> -> memref<10112x128xf32, #tpu.memory_space<vmem_shared>>
        tpu.enqueue_indirect_dma source(%arg9 : memref<128x128xf32, #tpu.memory_space<vmem>>) target(%dma_start3A_58 : memref<10112x128xf32, #tpu.memory_space<vmem_shared>>) offsets(%dma_start3A_55 : memref<128xi32, #tpu.memory_space<vmem>>) semaphore(%run_scoped3A : memref<!tpu.dma_semaphore, #tpu.memory_space<semaphore_mem>>) {add = true}
        %dma_wait3A_59 = arith.constant 0 : i32
        %dma_wait3A_60 = tpu.memref_slice %arg8[%while3A_42, %dma_wait3A_59] : memref<103x128xi32, #tpu.memory_space<vmem>> -> memref<1x128xi32, #tpu.memory_space<vmem>>
        %dma_wait3A_61 = tpu.memref_squeeze %dma_wait3A_60 : memref<1x128xi32, #tpu.memory_space<vmem>> -> memref<128xi32, #tpu.memory_space<vmem>>
        %dma_wait3A_62 = arith.constant 0 : i32
        %dma_wait3A_63 = arith.constant 0 : i32
        %dma_wait3A_64 = tpu.memref_slice %arg10[%dma_wait3A_62, %dma_wait3A_63] : memref<10112x128xf32, #tpu.memory_space<vmem_shared>> -> memref<10112x128xf32, #tpu.memory_space<vmem_shared>>
        tpu.wait_indirect_dma semaphore(%run_scoped3A : memref<!tpu.dma_semaphore, #tpu.memory_space<semaphore_mem>>) src(%arg9 : memref<128x128xf32, #tpu.memory_space<vmem>>) dst(%dma_wait3A_64 : memref<10112x128xf32, #tpu.memory_space<vmem_shared>>)
        tpu.yield
      }) : () -> ()
    }
    %while3A_20 = arith.constant 1 : i32
    scf.for %while3A_42 = %while3A_18 to %while3A_14 step %while3A_20  : i32 {
      %dma_start3A = arith.constant 0 : i32
      %dma_start3A_43 = tpu.memref_slice %arg7[%while3A_42, %dma_start3A] : memref<103x128xi32, #tpu.memory_space<vmem>> -> memref<1x128xi32, #tpu.memory_space<vmem>>
      %dma_start3A_44 = tpu.memref_squeeze %dma_start3A_43 : memref<1x128xi32, #tpu.memory_space<vmem>> -> memref<128xi32, #tpu.memory_space<vmem>>
      %dma_start3A_45 = arith.constant 0 : i32
      %dma_start3A_46 = arith.constant 0 : i32
      %dma_start3A_47 = tpu.memref_slice %arg2[%dma_start3A_45, %dma_start3A_46] : memref<10000x128xf32, #tpu.memory_space<hbm>> -> memref<10000x128xf32, #tpu.memory_space<hbm>>
      tpu.enqueue_indirect_dma source(%dma_start3A_47 : memref<10000x128xf32, #tpu.memory_space<hbm>>) target(%arg9 : memref<128x128xf32, #tpu.memory_space<vmem>>) offsets(%dma_start3A_44 : memref<128xi32, #tpu.memory_space<vmem>>) semaphore(%arg11 : memref<!tpu.dma_semaphore, #tpu.memory_space<semaphore_mem>>)
      %dma_wait3A = arith.constant 0 : i32
      %dma_wait3A_48 = tpu.memref_slice %arg7[%while3A_42, %dma_wait3A] : memref<103x128xi32, #tpu.memory_space<vmem>> -> memref<1x128xi32, #tpu.memory_space<vmem>>
      %dma_wait3A_49 = tpu.memref_squeeze %dma_wait3A_48 : memref<1x128xi32, #tpu.memory_space<vmem>> -> memref<128xi32, #tpu.memory_space<vmem>>
      %dma_wait3A_50 = arith.constant 0 : i32
      %dma_wait3A_51 = arith.constant 0 : i32
      %dma_wait3A_52 = tpu.memref_slice %arg2[%dma_wait3A_50, %dma_wait3A_51] : memref<10000x128xf32, #tpu.memory_space<hbm>> -> memref<10000x128xf32, #tpu.memory_space<hbm>>
      tpu.wait_indirect_dma semaphore(%arg11 : memref<!tpu.dma_semaphore, #tpu.memory_space<semaphore_mem>>) src(%dma_wait3A_52 : memref<10000x128xf32, #tpu.memory_space<hbm>>) dst(%arg9 : memref<128x128xf32, #tpu.memory_space<vmem>>)
      "tpu.region"() ({
        %run_scoped3A = tpu.sem_alloc : memref<!tpu.dma_semaphore, #tpu.memory_space<semaphore_mem>>
        %dma_start3A_53 = arith.constant 0 : i32
        %dma_start3A_54 = tpu.memref_slice %arg8[%while3A_42, %dma_start3A_53] : memref<103x128xi32, #tpu.memory_space<vmem>> -> memref<1x128xi32, #tpu.memory_space<vmem>>
        %dma_start3A_55 = tpu.memref_squeeze %dma_start3A_54 : memref<1x128xi32, #tpu.memory_space<vmem>> -> memref<128xi32, #tpu.memory_space<vmem>>
        %dma_start3A_56 = arith.constant 0 : i32
        %dma_start3A_57 = arith.constant 0 : i32
        %dma_start3A_58 = tpu.memref_slice %arg10[%dma_start3A_56, %dma_start3A_57] : memref<10112x128xf32, #tpu.memory_space<vmem_shared>> -> memref<10112x128xf32, #tpu.memory_space<vmem_shared>>
        tpu.enqueue_indirect_dma source(%arg9 : memref<128x128xf32, #tpu.memory_space<vmem>>) target(%dma_start3A_58 : memref<10112x128xf32, #tpu.memory_space<vmem_shared>>) offsets(%dma_start3A_55 : memref<128xi32, #tpu.memory_space<vmem>>) semaphore(%run_scoped3A : memref<!tpu.dma_semaphore, #tpu.memory_space<semaphore_mem>>) {add = true}
        %dma_wait3A_59 = arith.constant 0 : i32
        %dma_wait3A_60 = tpu.memref_slice %arg8[%while3A_42, %dma_wait3A_59] : memref<103x128xi32, #tpu.memory_space<vmem>> -> memref<1x128xi32, #tpu.memory_space<vmem>>
        %dma_wait3A_61 = tpu.memref_squeeze %dma_wait3A_60 : memref<1x128xi32, #tpu.memory_space<vmem>> -> memref<128xi32, #tpu.memory_space<vmem>>
        %dma_wait3A_62 = arith.constant 0 : i32
        %dma_wait3A_63 = arith.constant 0 : i32
        %dma_wait3A_64 = tpu.memref_slice %arg10[%dma_wait3A_62, %dma_wait3A_63] : memref<10112x128xf32, #tpu.memory_space<vmem_shared>> -> memref<10112x128xf32, #tpu.memory_space<vmem_shared>>
        tpu.wait_indirect_dma semaphore(%run_scoped3A : memref<!tpu.dma_semaphore, #tpu.memory_space<semaphore_mem>>) src(%arg9 : memref<128x128xf32, #tpu.memory_space<vmem>>) dst(%dma_wait3A_64 : memref<10112x128xf32, #tpu.memory_space<vmem_shared>>)
        tpu.yield
      }) : () -> ()
    }
    %barrier3A_21 = arith.constant 0 : index
    tpu.barrier barrier_id(%barrier3A_21)
    %add3A_22 = arith.constant 0 : i32
    %add3A_23 = arith.addi %mul3A_0, %add3A_22 : i32
    "tpu.region"() ({
      %run_scoped3A = tpu.sem_alloc : memref<!tpu.dma_semaphore, #tpu.memory_space<semaphore_mem>>
      %dma_start3A = arith.constant 0 : i32
      %dma_start3A_42 = tpu.memref_slice %arg10[%add3A_23, %dma_start3A] : memref<10112x128xf32, #tpu.memory_space<vmem_shared>> -> memref<128x128xf32, #tpu.memory_space<vmem_shared>>
      %dma_start3A_43 = arith.constant 0 : i32
      %dma_start3A_44 = tpu.memref_slice %arg10[%add3A_23, %dma_start3A_43] : memref<10112x128xf32, #tpu.memory_space<vmem_shared>> -> memref<128x128xf32, #tpu.memory_space<vmem_shared>>
      tpu.enqueue_dma source(%dma_start3A_44 : memref<128x128xf32, #tpu.memory_space<vmem_shared>>) target(%arg9 : memref<128x128xf32, #tpu.memory_space<vmem>>) target_semaphore(%run_scoped3A : memref<!tpu.dma_semaphore, #tpu.memory_space<semaphore_mem>>)
      %dma_wait3A = arith.constant 0 : i32
      %dma_wait3A_45 = tpu.memref_slice %arg10[%add3A_23, %dma_wait3A] : memref<10112x128xf32, #tpu.memory_space<vmem_shared>> -> memref<128x128xf32, #tpu.memory_space<vmem_shared>>
      %dma_wait3A_46 = arith.constant 0 : i32
      %dma_wait3A_47 = tpu.memref_slice %arg10[%add3A_23, %dma_wait3A_46] : memref<10112x128xf32, #tpu.memory_space<vmem_shared>> -> memref<128x128xf32, #tpu.memory_space<vmem_shared>>
      tpu.wait_dma2 semaphore(%run_scoped3A : memref<!tpu.dma_semaphore, #tpu.memory_space<semaphore_mem>>) src(%dma_wait3A_47 : memref<128x128xf32, #tpu.memory_space<vmem_shared>>) dst(%arg9 : memref<128x128xf32, #tpu.memory_space<vmem>>)
      tpu.yield
    }) : () -> ()
    %add3A_24 = arith.constant 0 : i32
    %add3A_25 = arith.addi %mul3A_0, %add3A_24 : i32
    "tpu.region"() ({
      %run_scoped3A = tpu.sem_alloc : memref<!tpu.dma_semaphore, #tpu.memory_space<semaphore_mem>>
      %dma_start3A = arith.constant 0 : i32
      %dma_start3A_42 = tpu.memref_slice %arg6[%arg0, %add3A_25, %dma_start3A] : memref<2x10112x128xf32, #tpu.memory_space<hbm>> -> memref<1x128x128xf32, #tpu.memory_space<hbm>>
      %dma_start3A_43 = tpu.memref_squeeze %dma_start3A_42 : memref<1x128x128xf32, #tpu.memory_space<hbm>> -> memref<128x128xf32, #tpu.memory_space<hbm>>
      %dma_start3A_44 = arith.constant 0 : i32
      %dma_start3A_45 = tpu.memref_slice %arg6[%arg0, %add3A_25, %dma_start3A_44] : memref<2x10112x128xf32, #tpu.memory_space<hbm>> -> memref<1x128x128xf32, #tpu.memory_space<hbm>>
      %dma_start3A_46 = tpu.memref_squeeze %dma_start3A_45 : memref<1x128x128xf32, #tpu.memory_space<hbm>> -> memref<128x128xf32, #tpu.memory_space<hbm>>
      tpu.enqueue_dma source(%arg9 : memref<128x128xf32, #tpu.memory_space<vmem>>) target(%dma_start3A_46 : memref<128x128xf32, #tpu.memory_space<hbm>>) target_semaphore(%run_scoped3A : memref<!tpu.dma_semaphore, #tpu.memory_space<semaphore_mem>>)
      %dma_wait3A = arith.constant 0 : i32
      %dma_wait3A_47 = tpu.memref_slice %arg6[%arg0, %add3A_25, %dma_wait3A] : memref<2x10112x128xf32, #tpu.memory_space<hbm>> -> memref<1x128x128xf32, #tpu.memory_space<hbm>>
      %dma_wait3A_48 = tpu.memref_squeeze %dma_wait3A_47 : memref<1x128x128xf32, #tpu.memory_space<hbm>> -> memref<128x128xf32, #tpu.memory_space<hbm>>
      %dma_wait3A_49 = arith.constant 0 : i32
      %dma_wait3A_50 = tpu.memref_slice %arg6[%arg0, %add3A_25, %dma_wait3A_49] : memref<2x10112x128xf32, #tpu.memory_space<hbm>> -> memref<1x128x128xf32, #tpu.memory_space<hbm>>
      %dma_wait3A_51 = tpu.memref_squeeze %dma_wait3A_50 : memref<1x128x128xf32, #tpu.memory_space<hbm>> -> memref<128x128xf32, #tpu.memory_space<hbm>>
      tpu.wait_dma2 semaphore(%run_scoped3A : memref<!tpu.dma_semaphore, #tpu.memory_space<semaphore_mem>>) src(%arg9 : memref<128x128xf32, #tpu.memory_space<vmem>>) dst(%dma_wait3A_51 : memref<128x128xf32, #tpu.memory_space<hbm>>)
      tpu.yield
    }) : () -> ()
    %add3A_26 = arith.constant 128 : i32
    %add3A_27 = arith.addi %mul3A_0, %add3A_26 : i32
    "tpu.region"() ({
      %run_scoped3A = tpu.sem_alloc : memref<!tpu.dma_semaphore, #tpu.memory_space<semaphore_mem>>
      %dma_start3A = arith.constant 0 : i32
      %dma_start3A_42 = tpu.memref_slice %arg10[%add3A_27, %dma_start3A] : memref<10112x128xf32, #tpu.memory_space<vmem_shared>> -> memref<128x128xf32, #tpu.memory_space<vmem_shared>>
      %dma_start3A_43 = arith.constant 0 : i32
      %dma_start3A_44 = tpu.memref_slice %arg10[%add3A_27, %dma_start3A_43] : memref<10112x128xf32, #tpu.memory_space<vmem_shared>> -> memref<128x128xf32, #tpu.memory_space<vmem_shared>>
      tpu.enqueue_dma source(%dma_start3A_44 : memref<128x128xf32, #tpu.memory_space<vmem_shared>>) target(%arg9 : memref<128x128xf32, #tpu.memory_space<vmem>>) target_semaphore(%run_scoped3A : memref<!tpu.dma_semaphore, #tpu.memory_space<semaphore_mem>>)
      %dma_wait3A = arith.constant 0 : i32
      %dma_wait3A_45 = tpu.memref_slice %arg10[%add3A_27, %dma_wait3A] : memref<10112x128xf32, #tpu.memory_space<vmem_shared>> -> memref<128x128xf32, #tpu.memory_space<vmem_shared>>
      %dma_wait3A_46 = arith.constant 0 : i32
      %dma_wait3A_47 = tpu.memref_slice %arg10[%add3A_27, %dma_wait3A_46] : memref<10112x128xf32, #tpu.memory_space<vmem_shared>> -> memref<128x128xf32, #tpu.memory_space<vmem_shared>>
      tpu.wait_dma2 semaphore(%run_scoped3A : memref<!tpu.dma_semaphore, #tpu.memory_space<semaphore_mem>>) src(%dma_wait3A_47 : memref<128x128xf32, #tpu.memory_space<vmem_shared>>) dst(%arg9 : memref<128x128xf32, #tpu.memory_space<vmem>>)
      tpu.yield
    }) : () -> ()
    %add3A_28 = arith.constant 128 : i32
    %add3A_29 = arith.addi %mul3A_0, %add3A_28 : i32
    "tpu.region"() ({
      %run_scoped3A = tpu.sem_alloc : memref<!tpu.dma_semaphore, #tpu.memory_space<semaphore_mem>>
      %dma_start3A = arith.constant 0 : i32
      %dma_start3A_42 = tpu.memref_slice %arg6[%arg0, %add3A_29, %dma_start3A] : memref<2x10112x128xf32, #tpu.memory_space<hbm>> -> memref<1x128x128xf32, #tpu.memory_space<hbm>>
      %dma_start3A_43 = tpu.memref_squeeze %dma_start3A_42 : memref<1x128x128xf32, #tpu.memory_space<hbm>> -> memref<128x128xf32, #tpu.memory_space<hbm>>
      %dma_start3A_44 = arith.constant 0 : i32
      %dma_start3A_45 = tpu.memref_slice %arg6[%arg0, %add3A_29, %dma_start3A_44] : memref<2x10112x128xf32, #tpu.memory_space<hbm>> -> memref<1x128x128xf32, #tpu.memory_space<hbm>>
      %dma_start3A_46 = tpu.memref_squeeze %dma_start3A_45 : memref<1x128x128xf32, #tpu.memory_space<hbm>> -> memref<128x128xf32, #tpu.memory_space<hbm>>
      tpu.enqueue_dma source(%arg9 : memref<128x128xf32, #tpu.memory_space<vmem>>) target(%dma_start3A_46 : memref<128x128xf32, #tpu.memory_space<hbm>>) target_semaphore(%run_scoped3A : memref<!tpu.dma_semaphore, #tpu.memory_space<semaphore_mem>>)
      %dma_wait3A = arith.constant 0 : i32
      %dma_wait3A_47 = tpu.memref_slice %arg6[%arg0, %add3A_29, %dma_wait3A] : memref<2x10112x128xf32, #tpu.memory_space<hbm>> -> memref<1x128x128xf32, #tpu.memory_space<hbm>>
      %dma_wait3A_48 = tpu.memref_squeeze %dma_wait3A_47 : memref<1x128x128xf32, #tpu.memory_space<hbm>> -> memref<128x128xf32, #tpu.memory_space<hbm>>
      %dma_wait3A_49 = arith.constant 0 : i32
      %dma_wait3A_50 = tpu.memref_slice %arg6[%arg0, %add3A_29, %dma_wait3A_49] : memref<2x10112x128xf32, #tpu.memory_space<hbm>> -> memref<1x128x128xf32, #tpu.memory_space<hbm>>
      %dma_wait3A_51 = tpu.memref_squeeze %dma_wait3A_50 : memref<1x128x128xf32, #tpu.memory_space<hbm>> -> memref<128x128xf32, #tpu.memory_space<hbm>>
      tpu.wait_dma2 semaphore(%run_scoped3A : memref<!tpu.dma_semaphore, #tpu.memory_space<semaphore_mem>>) src(%arg9 : memref<128x128xf32, #tpu.memory_space<vmem>>) dst(%dma_wait3A_51 : memref<128x128xf32, #tpu.memory_space<hbm>>)
      tpu.yield
    }) : () -> ()
    %add3A_30 = arith.constant 256 : i32
    %add3A_31 = arith.addi %mul3A_0, %add3A_30 : i32
    "tpu.region"() ({
      %run_scoped3A = tpu.sem_alloc : memref<!tpu.dma_semaphore, #tpu.memory_space<semaphore_mem>>
      %dma_start3A = arith.constant 0 : i32
      %dma_start3A_42 = tpu.memref_slice %arg10[%add3A_31, %dma_start3A] : memref<10112x128xf32, #tpu.memory_space<vmem_shared>> -> memref<128x128xf32, #tpu.memory_space<vmem_shared>>
      %dma_start3A_43 = arith.constant 0 : i32
      %dma_start3A_44 = tpu.memref_slice %arg10[%add3A_31, %dma_start3A_43] : memref<10112x128xf32, #tpu.memory_space<vmem_shared>> -> memref<128x128xf32, #tpu.memory_space<vmem_shared>>
      tpu.enqueue_dma source(%dma_start3A_44 : memref<128x128xf32, #tpu.memory_space<vmem_shared>>) target(%arg9 : memref<128x128xf32, #tpu.memory_space<vmem>>) target_semaphore(%run_scoped3A : memref<!tpu.dma_semaphore, #tpu.memory_space<semaphore_mem>>)
      %dma_wait3A = arith.constant 0 : i32
      %dma_wait3A_45 = tpu.memref_slice %arg10[%add3A_31, %dma_wait3A] : memref<10112x128xf32, #tpu.memory_space<vmem_shared>> -> memref<128x128xf32, #tpu.memory_space<vmem_shared>>
      %dma_wait3A_46 = arith.constant 0 : i32
      %dma_wait3A_47 = tpu.memref_slice %arg10[%add3A_31, %dma_wait3A_46] : memref<10112x128xf32, #tpu.memory_space<vmem_shared>> -> memref<128x128xf32, #tpu.memory_space<vmem_shared>>
      tpu.wait_dma2 semaphore(%run_scoped3A : memref<!tpu.dma_semaphore, #tpu.memory_space<semaphore_mem>>) src(%dma_wait3A_47 : memref<128x128xf32, #tpu.memory_space<vmem_shared>>) dst(%arg9 : memref<128x128xf32, #tpu.memory_space<vmem>>)
      tpu.yield
    }) : () -> ()
    %add3A_32 = arith.constant 256 : i32
    %add3A_33 = arith.addi %mul3A_0, %add3A_32 : i32
    "tpu.region"() ({
      %run_scoped3A = tpu.sem_alloc : memref<!tpu.dma_semaphore, #tpu.memory_space<semaphore_mem>>
      %dma_start3A = arith.constant 0 : i32
      %dma_start3A_42 = tpu.memref_slice %arg6[%arg0, %add3A_33, %dma_start3A] : memref<2x10112x128xf32, #tpu.memory_space<hbm>> -> memref<1x128x128xf32, #tpu.memory_space<hbm>>
      %dma_start3A_43 = tpu.memref_squeeze %dma_start3A_42 : memref<1x128x128xf32, #tpu.memory_space<hbm>> -> memref<128x128xf32, #tpu.memory_space<hbm>>
      %dma_start3A_44 = arith.constant 0 : i32
      %dma_start3A_45 = tpu.memref_slice %arg6[%arg0, %add3A_33, %dma_start3A_44] : memref<2x10112x128xf32, #tpu.memory_space<hbm>> -> memref<1x128x128xf32, #tpu.memory_space<hbm>>
      %dma_start3A_46 = tpu.memref_squeeze %dma_start3A_45 : memref<1x128x128xf32, #tpu.memory_space<hbm>> -> memref<128x128xf32, #tpu.memory_space<hbm>>
      tpu.enqueue_dma source(%arg9 : memref<128x128xf32, #tpu.memory_space<vmem>>) target(%dma_start3A_46 : memref<128x128xf32, #tpu.memory_space<hbm>>) target_semaphore(%run_scoped3A : memref<!tpu.dma_semaphore, #tpu.memory_space<semaphore_mem>>)
      %dma_wait3A = arith.constant 0 : i32
      %dma_wait3A_47 = tpu.memref_slice %arg6[%arg0, %add3A_33, %dma_wait3A] : memref<2x10112x128xf32, #tpu.memory_space<hbm>> -> memref<1x128x128xf32, #tpu.memory_space<hbm>>
      %dma_wait3A_48 = tpu.memref_squeeze %dma_wait3A_47 : memref<1x128x128xf32, #tpu.memory_space<hbm>> -> memref<128x128xf32, #tpu.memory_space<hbm>>
      %dma_wait3A_49 = arith.constant 0 : i32
      %dma_wait3A_50 = tpu.memref_slice %arg6[%arg0, %add3A_33, %dma_wait3A_49] : memref<2x10112x128xf32, #tpu.memory_space<hbm>> -> memref<1x128x128xf32, #tpu.memory_space<hbm>>
      %dma_wait3A_51 = tpu.memref_squeeze %dma_wait3A_50 : memref<1x128x128xf32, #tpu.memory_space<hbm>> -> memref<128x128xf32, #tpu.memory_space<hbm>>
      tpu.wait_dma2 semaphore(%run_scoped3A : memref<!tpu.dma_semaphore, #tpu.memory_space<semaphore_mem>>) src(%arg9 : memref<128x128xf32, #tpu.memory_space<vmem>>) dst(%dma_wait3A_51 : memref<128x128xf32, #tpu.memory_space<hbm>>)
      tpu.yield
    }) : () -> ()
    %add3A_34 = arith.constant 384 : i32
    %add3A_35 = arith.addi %mul3A_0, %add3A_34 : i32
    "tpu.region"() ({
      %run_scoped3A = tpu.sem_alloc : memref<!tpu.dma_semaphore, #tpu.memory_space<semaphore_mem>>
      %dma_start3A = arith.constant 0 : i32
      %dma_start3A_42 = tpu.memref_slice %arg10[%add3A_35, %dma_start3A] : memref<10112x128xf32, #tpu.memory_space<vmem_shared>> -> memref<128x128xf32, #tpu.memory_space<vmem_shared>>
      %dma_start3A_43 = arith.constant 0 : i32
      %dma_start3A_44 = tpu.memref_slice %arg10[%add3A_35, %dma_start3A_43] : memref<10112x128xf32, #tpu.memory_space<vmem_shared>> -> memref<128x128xf32, #tpu.memory_space<vmem_shared>>
      tpu.enqueue_dma source(%dma_start3A_44 : memref<128x128xf32, #tpu.memory_space<vmem_shared>>) target(%arg9 : memref<128x128xf32, #tpu.memory_space<vmem>>) target_semaphore(%run_scoped3A : memref<!tpu.dma_semaphore, #tpu.memory_space<semaphore_mem>>)
      %dma_wait3A = arith.constant 0 : i32
      %dma_wait3A_45 = tpu.memref_slice %arg10[%add3A_35, %dma_wait3A] : memref<10112x128xf32, #tpu.memory_space<vmem_shared>> -> memref<128x128xf32, #tpu.memory_space<vmem_shared>>
      %dma_wait3A_46 = arith.constant 0 : i32
      %dma_wait3A_47 = tpu.memref_slice %arg10[%add3A_35, %dma_wait3A_46] : memref<10112x128xf32, #tpu.memory_space<vmem_shared>> -> memref<128x128xf32, #tpu.memory_space<vmem_shared>>
      tpu.wait_dma2 semaphore(%run_scoped3A : memref<!tpu.dma_semaphore, #tpu.memory_space<semaphore_mem>>) src(%dma_wait3A_47 : memref<128x128xf32, #tpu.memory_space<vmem_shared>>) dst(%arg9 : memref<128x128xf32, #tpu.memory_space<vmem>>)
      tpu.yield
    }) : () -> ()
    %add3A_36 = arith.constant 384 : i32
    %add3A_37 = arith.addi %mul3A_0, %add3A_36 : i32
    "tpu.region"() ({
      %run_scoped3A = tpu.sem_alloc : memref<!tpu.dma_semaphore, #tpu.memory_space<semaphore_mem>>
      %dma_start3A = arith.constant 0 : i32
      %dma_start3A_42 = tpu.memref_slice %arg6[%arg0, %add3A_37, %dma_start3A] : memref<2x10112x128xf32, #tpu.memory_space<hbm>> -> memref<1x128x128xf32, #tpu.memory_space<hbm>>
      %dma_start3A_43 = tpu.memref_squeeze %dma_start3A_42 : memref<1x128x128xf32, #tpu.memory_space<hbm>> -> memref<128x128xf32, #tpu.memory_space<hbm>>
      %dma_start3A_44 = arith.constant 0 : i32
      %dma_start3A_45 = tpu.memref_slice %arg6[%arg0, %add3A_37, %dma_start3A_44] : memref<2x10112x128xf32, #tpu.memory_space<hbm>> -> memref<1x128x128xf32, #tpu.memory_space<hbm>>
      %dma_start3A_46 = tpu.memref_squeeze %dma_start3A_45 : memref<1x128x128xf32, #tpu.memory_space<hbm>> -> memref<128x128xf32, #tpu.memory_space<hbm>>
      tpu.enqueue_dma source(%arg9 : memref<128x128xf32, #tpu.memory_space<vmem>>) target(%dma_start3A_46 : memref<128x128xf32, #tpu.memory_space<hbm>>) target_semaphore(%run_scoped3A : memref<!tpu.dma_semaphore, #tpu.memory_space<semaphore_mem>>)
      %dma_wait3A = arith.constant 0 : i32
      %dma_wait3A_47 = tpu.memref_slice %arg6[%arg0, %add3A_37, %dma_wait3A] : memref<2x10112x128xf32, #tpu.memory_space<hbm>> -> memref<1x128x128xf32, #tpu.memory_space<hbm>>
      %dma_wait3A_48 = tpu.memref_squeeze %dma_wait3A_47 : memref<1x128x128xf32, #tpu.memory_space<hbm>> -> memref<128x128xf32, #tpu.memory_space<hbm>>
      %dma_wait3A_49 = arith.constant 0 : i32
      %dma_wait3A_50 = tpu.memref_slice %arg6[%arg0, %add3A_37, %dma_wait3A_49] : memref<2x10112x128xf32, #tpu.memory_space<hbm>> -> memref<1x128x128xf32, #tpu.memory_space<hbm>>
      %dma_wait3A_51 = tpu.memref_squeeze %dma_wait3A_50 : memref<1x128x128xf32, #tpu.memory_space<hbm>> -> memref<128x128xf32, #tpu.memory_space<hbm>>
      tpu.wait_dma2 semaphore(%run_scoped3A : memref<!tpu.dma_semaphore, #tpu.memory_space<semaphore_mem>>) src(%arg9 : memref<128x128xf32, #tpu.memory_space<vmem>>) dst(%dma_wait3A_51 : memref<128x128xf32, #tpu.memory_space<hbm>>)
      tpu.yield
    }) : () -> ()
    %add3A_38 = arith.constant 512 : i32
    %add3A_39 = arith.addi %mul3A_0, %add3A_38 : i32
    "tpu.region"() ({
      %run_scoped3A = tpu.sem_alloc : memref<!tpu.dma_semaphore, #tpu.memory_space<semaphore_mem>>
      %dma_start3A = arith.constant 0 : i32
      %dma_start3A_42 = arith.constant 0 : i32
      %dma_start3A_43 = tpu.memref_slice %arg9[%dma_start3A, %dma_start3A_42] : memref<128x128xf32, #tpu.memory_space<vmem>> -> memref<120x128xf32, #tpu.memory_space<vmem>>
      %dma_start3A_44 = arith.constant 0 : i32
      %dma_start3A_45 = tpu.memref_slice %arg10[%add3A_39, %dma_start3A_44] : memref<10112x128xf32, #tpu.memory_space<vmem_shared>> -> memref<120x128xf32, #tpu.memory_space<vmem_shared>>
      %dma_start3A_46 = arith.constant 0 : i32
      %dma_start3A_47 = arith.constant 0 : i32
      %dma_start3A_48 = tpu.memref_slice %arg9[%dma_start3A_46, %dma_start3A_47] : memref<128x128xf32, #tpu.memory_space<vmem>> -> memref<120x128xf32, #tpu.memory_space<vmem>>
      %dma_start3A_49 = arith.constant 0 : i32
      %dma_start3A_50 = tpu.memref_slice %arg10[%add3A_39, %dma_start3A_49] : memref<10112x128xf32, #tpu.memory_space<vmem_shared>> -> memref<120x128xf32, #tpu.memory_space<vmem_shared>>
      tpu.enqueue_dma source(%dma_start3A_50 : memref<120x128xf32, #tpu.memory_space<vmem_shared>>) target(%dma_start3A_48 : memref<120x128xf32, #tpu.memory_space<vmem>>) target_semaphore(%run_scoped3A : memref<!tpu.dma_semaphore, #tpu.memory_space<semaphore_mem>>)
      %dma_wait3A = arith.constant 0 : i32
      %dma_wait3A_51 = arith.constant 0 : i32
      %dma_wait3A_52 = tpu.memref_slice %arg9[%dma_wait3A, %dma_wait3A_51] : memref<128x128xf32, #tpu.memory_space<vmem>> -> memref<120x128xf32, #tpu.memory_space<vmem>>
      %dma_wait3A_53 = arith.constant 0 : i32
      %dma_wait3A_54 = tpu.memref_slice %arg10[%add3A_39, %dma_wait3A_53] : memref<10112x128xf32, #tpu.memory_space<vmem_shared>> -> memref<120x128xf32, #tpu.memory_space<vmem_shared>>
      %dma_wait3A_55 = arith.constant 0 : i32
      %dma_wait3A_56 = arith.constant 0 : i32
      %dma_wait3A_57 = tpu.memref_slice %arg9[%dma_wait3A_55, %dma_wait3A_56] : memref<128x128xf32, #tpu.memory_space<vmem>> -> memref<120x128xf32, #tpu.memory_space<vmem>>
      %dma_wait3A_58 = arith.constant 0 : i32
      %dma_wait3A_59 = tpu.memref_slice %arg10[%add3A_39, %dma_wait3A_58] : memref<10112x128xf32, #tpu.memory_space<vmem_shared>> -> memref<120x128xf32, #tpu.memory_space<vmem_shared>>
      tpu.wait_dma2 semaphore(%run_scoped3A : memref<!tpu.dma_semaphore, #tpu.memory_space<semaphore_mem>>) src(%dma_wait3A_59 : memref<120x128xf32, #tpu.memory_space<vmem_shared>>) dst(%dma_wait3A_57 : memref<120x128xf32, #tpu.memory_space<vmem>>)
      tpu.yield
    }) : () -> ()
    %add3A_40 = arith.constant 512 : i32
    %add3A_41 = arith.addi %mul3A_0, %add3A_40 : i32
    "tpu.region"() ({
      %run_scoped3A = tpu.sem_alloc : memref<!tpu.dma_semaphore, #tpu.memory_space<semaphore_mem>>
      %dma_start3A = arith.constant 0 : i32
      %dma_start3A_42 = arith.constant 0 : i32
      %dma_start3A_43 = tpu.memref_slice %arg9[%dma_start3A, %dma_start3A_42] : memref<128x128xf32, #tpu.memory_space<vmem>> -> memref<120x128xf32, #tpu.memory_space<vmem>>
      %dma_start3A_44 = arith.constant 0 : i32
      %dma_start3A_45 = tpu.memref_slice %arg6[%arg0, %add3A_41, %dma_start3A_44] : memref<2x10112x128xf32, #tpu.memory_space<hbm>> -> memref<1x120x128xf32, #tpu.memory_space<hbm>>
      %dma_start3A_46 = tpu.memref_squeeze %dma_start3A_45 : memref<1x120x128xf32, #tpu.memory_space<hbm>> -> memref<120x128xf32, #tpu.memory_space<hbm>>
      %dma_start3A_47 = arith.constant 0 : i32
      %dma_start3A_48 = tpu.memref_slice %arg6[%arg0, %add3A_41, %dma_start3A_47] : memref<2x10112x128xf32, #tpu.memory_space<hbm>> -> memref<1x120x128xf32, #tpu.memory_space<hbm>>
      %dma_start3A_49 = tpu.memref_squeeze %dma_start3A_48 : memref<1x120x128xf32, #tpu.memory_space<hbm>> -> memref<120x128xf32, #tpu.memory_space<hbm>>
      %dma_start3A_50 = arith.constant 0 : i32
      %dma_start3A_51 = arith.constant 0 : i32
      %dma_start3A_52 = tpu.memref_slice %arg9[%dma_start3A_50, %dma_start3A_51] : memref<128x128xf32, #tpu.memory_space<vmem>> -> memref<120x128xf32, #tpu.memory_space<vmem>>
      tpu.enqueue_dma source(%dma_start3A_52 : memref<120x128xf32, #tpu.memory_space<vmem>>) target(%dma_start3A_49 : memref<120x128xf32, #tpu.memory_space<hbm>>) target_semaphore(%run_scoped3A : memref<!tpu.dma_semaphore, #tpu.memory_space<semaphore_mem>>)
      %dma_wait3A = arith.constant 0 : i32
      %dma_wait3A_53 = arith.constant 0 : i32
      %dma_wait3A_54 = tpu.memref_slice %arg9[%dma_wait3A, %dma_wait3A_53] : memref<128x128xf32, #tpu.memory_space<vmem>> -> memref<120x128xf32, #tpu.memory_space<vmem>>
      %dma_wait3A_55 = arith.constant 0 : i32
      %dma_wait3A_56 = tpu.memref_slice %arg6[%arg0, %add3A_41, %dma_wait3A_55] : memref<2x10112x128xf32, #tpu.memory_space<hbm>> -> memref<1x120x128xf32, #tpu.memory_space<hbm>>
      %dma_wait3A_57 = tpu.memref_squeeze %dma_wait3A_56 : memref<1x120x128xf32, #tpu.memory_space<hbm>> -> memref<120x128xf32, #tpu.memory_space<hbm>>
      %dma_wait3A_58 = arith.constant 0 : i32
      %dma_wait3A_59 = tpu.memref_slice %arg6[%arg0, %add3A_41, %dma_wait3A_58] : memref<2x10112x128xf32, #tpu.memory_space<hbm>> -> memref<1x120x128xf32, #tpu.memory_space<hbm>>
      %dma_wait3A_60 = tpu.memref_squeeze %dma_wait3A_59 : memref<1x120x128xf32, #tpu.memory_space<hbm>> -> memref<120x128xf32, #tpu.memory_space<hbm>>
      %dma_wait3A_61 = arith.constant 0 : i32
      %dma_wait3A_62 = arith.constant 0 : i32
      %dma_wait3A_63 = tpu.memref_slice %arg9[%dma_wait3A_61, %dma_wait3A_62] : memref<128x128xf32, #tpu.memory_space<vmem>> -> memref<120x128xf32, #tpu.memory_space<vmem>>
      tpu.wait_dma2 semaphore(%run_scoped3A : memref<!tpu.dma_semaphore, #tpu.memory_space<semaphore_mem>>) src(%dma_wait3A_63 : memref<120x128xf32, #tpu.memory_space<vmem>>) dst(%dma_wait3A_60 : memref<120x128xf32, #tpu.memory_space<hbm>>)
      tpu.yield
    }) : () -> ()
    return
  }
}

#map = affine_map<(d0, d1) -> (0, 0, 0, 0)>
#map1 = affine_map<(d0, d1) -> (0, 0)>
#map2 = affine_map<(d0, d1) -> (0, 0, 0)>
module attributes {stable_mosaic.version = 14 : i64} {
  func.func @_deg(%arg0: i32, %arg1: i32, %arg2: memref<2x16x103x128xi32, #tpu.memory_space<hbm>>, %arg3: memref<128x128xf32, #tpu.memory_space<hbm>>, %arg4: memref<128x128xf32, #tpu.memory_space<hbm>>, %arg5: memref<2x10112x128xf32, #tpu.memory_space<hbm>>, %arg6: memref<103x128xi32, #tpu.memory_space<vmem>>, %arg7: memref<128x128xf32, #tpu.memory_space<vmem>>, %arg8: memref<128x128xf32, #tpu.memory_space<vmem>>, %arg9: memref<10112x128xf32, #tpu.memory_space<vmem_shared>>, %arg10: memref<!tpu.dma_semaphore, #tpu.memory_space<semaphore_mem>>) attributes {dimension_semantics = [#tpu.dimension_semantics<core_parallel>, #tpu.dimension_semantics<subcore_parallel>], iteration_bounds = array<i64: 2, 16>, scalar_prefetch = 0 : i64, scratch_operands = 5 : i64, tpu.core_type = #tpu.core_type<sc_vector_subcore>, window_params = [{transform_indices = #map}, {transform_indices = #map1}, {transform_indices = #map1}, {transform_indices = #map2}]} {
    "tpu.region"() ({
      %run_scoped3A = tpu.sem_alloc : memref<!tpu.dma_semaphore, #tpu.memory_space<semaphore_mem>>
      %dma_start3A = arith.constant 0 : i32
      %dma_start3A_42 = arith.constant 0 : i32
      %dma_start3A_43 = tpu.memref_slice %arg2[%arg0, %arg1, %dma_start3A, %dma_start3A_42] : memref<2x16x103x128xi32, #tpu.memory_space<hbm>> -> memref<1x1x103x128xi32, #tpu.memory_space<hbm>>
      %dma_start3A_44 = tpu.memref_squeeze %dma_start3A_43 : memref<1x1x103x128xi32, #tpu.memory_space<hbm>> -> memref<103x128xi32, #tpu.memory_space<hbm>>
      %dma_start3A_45 = arith.constant 0 : i32
      %dma_start3A_46 = arith.constant 0 : i32
      %dma_start3A_47 = tpu.memref_slice %arg2[%arg0, %arg1, %dma_start3A_45, %dma_start3A_46] : memref<2x16x103x128xi32, #tpu.memory_space<hbm>> -> memref<1x1x103x128xi32, #tpu.memory_space<hbm>>
      %dma_start3A_48 = tpu.memref_squeeze %dma_start3A_47 : memref<1x1x103x128xi32, #tpu.memory_space<hbm>> -> memref<103x128xi32, #tpu.memory_space<hbm>>
      tpu.enqueue_dma source(%dma_start3A_48 : memref<103x128xi32, #tpu.memory_space<hbm>>) target(%arg6 : memref<103x128xi32, #tpu.memory_space<vmem>>) target_semaphore(%run_scoped3A : memref<!tpu.dma_semaphore, #tpu.memory_space<semaphore_mem>>)
      %dma_wait3A = arith.constant 0 : i32
      %dma_wait3A_49 = arith.constant 0 : i32
      %dma_wait3A_50 = tpu.memref_slice %arg2[%arg0, %arg1, %dma_wait3A, %dma_wait3A_49] : memref<2x16x103x128xi32, #tpu.memory_space<hbm>> -> memref<1x1x103x128xi32, #tpu.memory_space<hbm>>
      %dma_wait3A_51 = tpu.memref_squeeze %dma_wait3A_50 : memref<1x1x103x128xi32, #tpu.memory_space<hbm>> -> memref<103x128xi32, #tpu.memory_space<hbm>>
      %dma_wait3A_52 = arith.constant 0 : i32
      %dma_wait3A_53 = arith.constant 0 : i32
      %dma_wait3A_54 = tpu.memref_slice %arg2[%arg0, %arg1, %dma_wait3A_52, %dma_wait3A_53] : memref<2x16x103x128xi32, #tpu.memory_space<hbm>> -> memref<1x1x103x128xi32, #tpu.memory_space<hbm>>
      %dma_wait3A_55 = tpu.memref_squeeze %dma_wait3A_54 : memref<1x1x103x128xi32, #tpu.memory_space<hbm>> -> memref<103x128xi32, #tpu.memory_space<hbm>>
      tpu.wait_dma2 semaphore(%run_scoped3A : memref<!tpu.dma_semaphore, #tpu.memory_space<semaphore_mem>>) src(%dma_wait3A_55 : memref<103x128xi32, #tpu.memory_space<hbm>>) dst(%arg6 : memref<103x128xi32, #tpu.memory_space<vmem>>)
      tpu.yield
    }) : () -> ()
    "tpu.region"() ({
      %run_scoped3A = tpu.sem_alloc : memref<!tpu.dma_semaphore, #tpu.memory_space<semaphore_mem>>
      tpu.enqueue_dma source(%arg3 : memref<128x128xf32, #tpu.memory_space<hbm>>) target(%arg7 : memref<128x128xf32, #tpu.memory_space<vmem>>) target_semaphore(%run_scoped3A : memref<!tpu.dma_semaphore, #tpu.memory_space<semaphore_mem>>)
      tpu.wait_dma2 semaphore(%run_scoped3A : memref<!tpu.dma_semaphore, #tpu.memory_space<semaphore_mem>>) src(%arg3 : memref<128x128xf32, #tpu.memory_space<hbm>>) dst(%arg7 : memref<128x128xf32, #tpu.memory_space<vmem>>)
      tpu.yield
    }) : () -> ()
    "tpu.region"() ({
      %run_scoped3A = tpu.sem_alloc : memref<!tpu.dma_semaphore, #tpu.memory_space<semaphore_mem>>
      tpu.enqueue_dma source(%arg4 : memref<128x128xf32, #tpu.memory_space<hbm>>) target(%arg8 : memref<128x128xf32, #tpu.memory_space<vmem>>) target_semaphore(%run_scoped3A : memref<!tpu.dma_semaphore, #tpu.memory_space<semaphore_mem>>)
      tpu.wait_dma2 semaphore(%run_scoped3A : memref<!tpu.dma_semaphore, #tpu.memory_space<semaphore_mem>>) src(%arg4 : memref<128x128xf32, #tpu.memory_space<hbm>>) dst(%arg8 : memref<128x128xf32, #tpu.memory_space<vmem>>)
      tpu.yield
    }) : () -> ()
    %mul3A = arith.constant 632 : i32
    %mul3A_0 = arith.muli %arg1, %mul3A : i32
    %add3A = arith.constant 0 : i32
    %add3A_1 = arith.addi %mul3A_0, %add3A : i32
    "tpu.region"() ({
      %run_scoped3A = tpu.sem_alloc : memref<!tpu.dma_semaphore, #tpu.memory_space<semaphore_mem>>
      %dma_start3A = arith.constant 0 : i32
      %dma_start3A_42 = tpu.memref_slice %arg9[%add3A_1, %dma_start3A] : memref<10112x128xf32, #tpu.memory_space<vmem_shared>> -> memref<128x128xf32, #tpu.memory_space<vmem_shared>>
      %dma_start3A_43 = arith.constant 0 : i32
      %dma_start3A_44 = tpu.memref_slice %arg9[%add3A_1, %dma_start3A_43] : memref<10112x128xf32, #tpu.memory_space<vmem_shared>> -> memref<128x128xf32, #tpu.memory_space<vmem_shared>>
      tpu.enqueue_dma source(%arg8 : memref<128x128xf32, #tpu.memory_space<vmem>>) target(%dma_start3A_44 : memref<128x128xf32, #tpu.memory_space<vmem_shared>>) target_semaphore(%run_scoped3A : memref<!tpu.dma_semaphore, #tpu.memory_space<semaphore_mem>>)
      %dma_wait3A = arith.constant 0 : i32
      %dma_wait3A_45 = tpu.memref_slice %arg9[%add3A_1, %dma_wait3A] : memref<10112x128xf32, #tpu.memory_space<vmem_shared>> -> memref<128x128xf32, #tpu.memory_space<vmem_shared>>
      %dma_wait3A_46 = arith.constant 0 : i32
      %dma_wait3A_47 = tpu.memref_slice %arg9[%add3A_1, %dma_wait3A_46] : memref<10112x128xf32, #tpu.memory_space<vmem_shared>> -> memref<128x128xf32, #tpu.memory_space<vmem_shared>>
      tpu.wait_dma2 semaphore(%run_scoped3A : memref<!tpu.dma_semaphore, #tpu.memory_space<semaphore_mem>>) src(%arg8 : memref<128x128xf32, #tpu.memory_space<vmem>>) dst(%dma_wait3A_47 : memref<128x128xf32, #tpu.memory_space<vmem_shared>>)
      tpu.yield
    }) : () -> ()
    %add3A_2 = arith.constant 128 : i32
    %add3A_3 = arith.addi %mul3A_0, %add3A_2 : i32
    "tpu.region"() ({
      %run_scoped3A = tpu.sem_alloc : memref<!tpu.dma_semaphore, #tpu.memory_space<semaphore_mem>>
      %dma_start3A = arith.constant 0 : i32
      %dma_start3A_42 = tpu.memref_slice %arg9[%add3A_3, %dma_start3A] : memref<10112x128xf32, #tpu.memory_space<vmem_shared>> -> memref<128x128xf32, #tpu.memory_space<vmem_shared>>
      %dma_start3A_43 = arith.constant 0 : i32
      %dma_start3A_44 = tpu.memref_slice %arg9[%add3A_3, %dma_start3A_43] : memref<10112x128xf32, #tpu.memory_space<vmem_shared>> -> memref<128x128xf32, #tpu.memory_space<vmem_shared>>
      tpu.enqueue_dma source(%arg8 : memref<128x128xf32, #tpu.memory_space<vmem>>) target(%dma_start3A_44 : memref<128x128xf32, #tpu.memory_space<vmem_shared>>) target_semaphore(%run_scoped3A : memref<!tpu.dma_semaphore, #tpu.memory_space<semaphore_mem>>)
      %dma_wait3A = arith.constant 0 : i32
      %dma_wait3A_45 = tpu.memref_slice %arg9[%add3A_3, %dma_wait3A] : memref<10112x128xf32, #tpu.memory_space<vmem_shared>> -> memref<128x128xf32, #tpu.memory_space<vmem_shared>>
      %dma_wait3A_46 = arith.constant 0 : i32
      %dma_wait3A_47 = tpu.memref_slice %arg9[%add3A_3, %dma_wait3A_46] : memref<10112x128xf32, #tpu.memory_space<vmem_shared>> -> memref<128x128xf32, #tpu.memory_space<vmem_shared>>
      tpu.wait_dma2 semaphore(%run_scoped3A : memref<!tpu.dma_semaphore, #tpu.memory_space<semaphore_mem>>) src(%arg8 : memref<128x128xf32, #tpu.memory_space<vmem>>) dst(%dma_wait3A_47 : memref<128x128xf32, #tpu.memory_space<vmem_shared>>)
      tpu.yield
    }) : () -> ()
    %add3A_4 = arith.constant 256 : i32
    %add3A_5 = arith.addi %mul3A_0, %add3A_4 : i32
    "tpu.region"() ({
      %run_scoped3A = tpu.sem_alloc : memref<!tpu.dma_semaphore, #tpu.memory_space<semaphore_mem>>
      %dma_start3A = arith.constant 0 : i32
      %dma_start3A_42 = tpu.memref_slice %arg9[%add3A_5, %dma_start3A] : memref<10112x128xf32, #tpu.memory_space<vmem_shared>> -> memref<128x128xf32, #tpu.memory_space<vmem_shared>>
      %dma_start3A_43 = arith.constant 0 : i32
      %dma_start3A_44 = tpu.memref_slice %arg9[%add3A_5, %dma_start3A_43] : memref<10112x128xf32, #tpu.memory_space<vmem_shared>> -> memref<128x128xf32, #tpu.memory_space<vmem_shared>>
      tpu.enqueue_dma source(%arg8 : memref<128x128xf32, #tpu.memory_space<vmem>>) target(%dma_start3A_44 : memref<128x128xf32, #tpu.memory_space<vmem_shared>>) target_semaphore(%run_scoped3A : memref<!tpu.dma_semaphore, #tpu.memory_space<semaphore_mem>>)
      %dma_wait3A = arith.constant 0 : i32
      %dma_wait3A_45 = tpu.memref_slice %arg9[%add3A_5, %dma_wait3A] : memref<10112x128xf32, #tpu.memory_space<vmem_shared>> -> memref<128x128xf32, #tpu.memory_space<vmem_shared>>
      %dma_wait3A_46 = arith.constant 0 : i32
      %dma_wait3A_47 = tpu.memref_slice %arg9[%add3A_5, %dma_wait3A_46] : memref<10112x128xf32, #tpu.memory_space<vmem_shared>> -> memref<128x128xf32, #tpu.memory_space<vmem_shared>>
      tpu.wait_dma2 semaphore(%run_scoped3A : memref<!tpu.dma_semaphore, #tpu.memory_space<semaphore_mem>>) src(%arg8 : memref<128x128xf32, #tpu.memory_space<vmem>>) dst(%dma_wait3A_47 : memref<128x128xf32, #tpu.memory_space<vmem_shared>>)
      tpu.yield
    }) : () -> ()
    %add3A_6 = arith.constant 384 : i32
    %add3A_7 = arith.addi %mul3A_0, %add3A_6 : i32
    "tpu.region"() ({
      %run_scoped3A = tpu.sem_alloc : memref<!tpu.dma_semaphore, #tpu.memory_space<semaphore_mem>>
      %dma_start3A = arith.constant 0 : i32
      %dma_start3A_42 = tpu.memref_slice %arg9[%add3A_7, %dma_start3A] : memref<10112x128xf32, #tpu.memory_space<vmem_shared>> -> memref<128x128xf32, #tpu.memory_space<vmem_shared>>
      %dma_start3A_43 = arith.constant 0 : i32
      %dma_start3A_44 = tpu.memref_slice %arg9[%add3A_7, %dma_start3A_43] : memref<10112x128xf32, #tpu.memory_space<vmem_shared>> -> memref<128x128xf32, #tpu.memory_space<vmem_shared>>
      tpu.enqueue_dma source(%arg8 : memref<128x128xf32, #tpu.memory_space<vmem>>) target(%dma_start3A_44 : memref<128x128xf32, #tpu.memory_space<vmem_shared>>) target_semaphore(%run_scoped3A : memref<!tpu.dma_semaphore, #tpu.memory_space<semaphore_mem>>)
      %dma_wait3A = arith.constant 0 : i32
      %dma_wait3A_45 = tpu.memref_slice %arg9[%add3A_7, %dma_wait3A] : memref<10112x128xf32, #tpu.memory_space<vmem_shared>> -> memref<128x128xf32, #tpu.memory_space<vmem_shared>>
      %dma_wait3A_46 = arith.constant 0 : i32
      %dma_wait3A_47 = tpu.memref_slice %arg9[%add3A_7, %dma_wait3A_46] : memref<10112x128xf32, #tpu.memory_space<vmem_shared>> -> memref<128x128xf32, #tpu.memory_space<vmem_shared>>
      tpu.wait_dma2 semaphore(%run_scoped3A : memref<!tpu.dma_semaphore, #tpu.memory_space<semaphore_mem>>) src(%arg8 : memref<128x128xf32, #tpu.memory_space<vmem>>) dst(%dma_wait3A_47 : memref<128x128xf32, #tpu.memory_space<vmem_shared>>)
      tpu.yield
    }) : () -> ()
    %add3A_8 = arith.constant 512 : i32
    %add3A_9 = arith.addi %mul3A_0, %add3A_8 : i32
    "tpu.region"() ({
      %run_scoped3A = tpu.sem_alloc : memref<!tpu.dma_semaphore, #tpu.memory_space<semaphore_mem>>
      %dma_start3A = arith.constant 0 : i32
      %dma_start3A_42 = arith.constant 0 : i32
      %dma_start3A_43 = tpu.memref_slice %arg8[%dma_start3A, %dma_start3A_42] : memref<128x128xf32, #tpu.memory_space<vmem>> -> memref<120x128xf32, #tpu.memory_space<vmem>>
      %dma_start3A_44 = arith.constant 0 : i32
      %dma_start3A_45 = tpu.memref_slice %arg9[%add3A_9, %dma_start3A_44] : memref<10112x128xf32, #tpu.memory_space<vmem_shared>> -> memref<120x128xf32, #tpu.memory_space<vmem_shared>>
      %dma_start3A_46 = arith.constant 0 : i32
      %dma_start3A_47 = tpu.memref_slice %arg9[%add3A_9, %dma_start3A_46] : memref<10112x128xf32, #tpu.memory_space<vmem_shared>> -> memref<120x128xf32, #tpu.memory_space<vmem_shared>>
      %dma_start3A_48 = arith.constant 0 : i32
      %dma_start3A_49 = arith.constant 0 : i32
      %dma_start3A_50 = tpu.memref_slice %arg8[%dma_start3A_48, %dma_start3A_49] : memref<128x128xf32, #tpu.memory_space<vmem>> -> memref<120x128xf32, #tpu.memory_space<vmem>>
      tpu.enqueue_dma source(%dma_start3A_50 : memref<120x128xf32, #tpu.memory_space<vmem>>) target(%dma_start3A_47 : memref<120x128xf32, #tpu.memory_space<vmem_shared>>) target_semaphore(%run_scoped3A : memref<!tpu.dma_semaphore, #tpu.memory_space<semaphore_mem>>)
      %dma_wait3A = arith.constant 0 : i32
      %dma_wait3A_51 = arith.constant 0 : i32
      %dma_wait3A_52 = tpu.memref_slice %arg8[%dma_wait3A, %dma_wait3A_51] : memref<128x128xf32, #tpu.memory_space<vmem>> -> memref<120x128xf32, #tpu.memory_space<vmem>>
      %dma_wait3A_53 = arith.constant 0 : i32
      %dma_wait3A_54 = tpu.memref_slice %arg9[%add3A_9, %dma_wait3A_53] : memref<10112x128xf32, #tpu.memory_space<vmem_shared>> -> memref<120x128xf32, #tpu.memory_space<vmem_shared>>
      %dma_wait3A_55 = arith.constant 0 : i32
      %dma_wait3A_56 = tpu.memref_slice %arg9[%add3A_9, %dma_wait3A_55] : memref<10112x128xf32, #tpu.memory_space<vmem_shared>> -> memref<120x128xf32, #tpu.memory_space<vmem_shared>>
      %dma_wait3A_57 = arith.constant 0 : i32
      %dma_wait3A_58 = arith.constant 0 : i32
      %dma_wait3A_59 = tpu.memref_slice %arg8[%dma_wait3A_57, %dma_wait3A_58] : memref<128x128xf32, #tpu.memory_space<vmem>> -> memref<120x128xf32, #tpu.memory_space<vmem>>
      tpu.wait_dma2 semaphore(%run_scoped3A : memref<!tpu.dma_semaphore, #tpu.memory_space<semaphore_mem>>) src(%dma_wait3A_59 : memref<120x128xf32, #tpu.memory_space<vmem>>) dst(%dma_wait3A_56 : memref<120x128xf32, #tpu.memory_space<vmem_shared>>)
      tpu.yield
    }) : () -> ()
    %barrier3A = arith.constant 0 : index
    tpu.barrier barrier_id(%barrier3A)
    %eq3A = arith.constant 0 : i32
    %eq3A_10 = arith.cmpi eq, %arg0, %eq3A : i32
    %jit3A = arith.constant 103 : i32
    %jit3A_11 = arith.constant 54 : i32
    %select_n3A = arith.select %eq3A_10, %jit3A, %jit3A_11 : i32
    %while3A = arith.constant 0 : i32
    %while3A_12 = arith.constant 0 : i32
    %while3A_13 = arith.subi %select_n3A, %while3A_12 : i32
    %while3A_14 = arith.addi %while3A_12, %while3A_13 : i32
    %while3A_15 = arith.constant 1 : i32
    %while3A_16 = arith.divsi %while3A_13, %while3A_15 : i32
    %while3A_17 = arith.muli %while3A_16, %while3A_15 : i32
    %while3A_18 = arith.addi %while3A_12, %while3A_17 : i32
    %while3A_19 = arith.constant 1 : i32
    scf.for %while3A_42 = %while3A_12 to %while3A_18 step %while3A_19  : i32 {
      "tpu.region"() ({
        %run_scoped3A = tpu.sem_alloc : memref<!tpu.dma_semaphore, #tpu.memory_space<semaphore_mem>>
        %dma_start3A = arith.constant 0 : i32
        %dma_start3A_43 = tpu.memref_slice %arg6[%while3A_42, %dma_start3A] : memref<103x128xi32, #tpu.memory_space<vmem>> -> memref<1x128xi32, #tpu.memory_space<vmem>>
        %dma_start3A_44 = tpu.memref_squeeze %dma_start3A_43 : memref<1x128xi32, #tpu.memory_space<vmem>> -> memref<128xi32, #tpu.memory_space<vmem>>
        %dma_start3A_45 = arith.constant 0 : i32
        %dma_start3A_46 = arith.constant 0 : i32
        %dma_start3A_47 = tpu.memref_slice %arg9[%dma_start3A_45, %dma_start3A_46] : memref<10112x128xf32, #tpu.memory_space<vmem_shared>> -> memref<10112x128xf32, #tpu.memory_space<vmem_shared>>
        tpu.enqueue_indirect_dma source(%arg7 : memref<128x128xf32, #tpu.memory_space<vmem>>) target(%dma_start3A_47 : memref<10112x128xf32, #tpu.memory_space<vmem_shared>>) offsets(%dma_start3A_44 : memref<128xi32, #tpu.memory_space<vmem>>) semaphore(%run_scoped3A : memref<!tpu.dma_semaphore, #tpu.memory_space<semaphore_mem>>) {add = true}
        %dma_wait3A = arith.constant 0 : i32
        %dma_wait3A_48 = tpu.memref_slice %arg6[%while3A_42, %dma_wait3A] : memref<103x128xi32, #tpu.memory_space<vmem>> -> memref<1x128xi32, #tpu.memory_space<vmem>>
        %dma_wait3A_49 = tpu.memref_squeeze %dma_wait3A_48 : memref<1x128xi32, #tpu.memory_space<vmem>> -> memref<128xi32, #tpu.memory_space<vmem>>
        %dma_wait3A_50 = arith.constant 0 : i32
        %dma_wait3A_51 = arith.constant 0 : i32
        %dma_wait3A_52 = tpu.memref_slice %arg9[%dma_wait3A_50, %dma_wait3A_51] : memref<10112x128xf32, #tpu.memory_space<vmem_shared>> -> memref<10112x128xf32, #tpu.memory_space<vmem_shared>>
        tpu.wait_indirect_dma semaphore(%run_scoped3A : memref<!tpu.dma_semaphore, #tpu.memory_space<semaphore_mem>>) src(%arg7 : memref<128x128xf32, #tpu.memory_space<vmem>>) dst(%dma_wait3A_52 : memref<10112x128xf32, #tpu.memory_space<vmem_shared>>)
        tpu.yield
      }) : () -> ()
    }
    %while3A_20 = arith.constant 1 : i32
    scf.for %while3A_42 = %while3A_18 to %while3A_14 step %while3A_20  : i32 {
      "tpu.region"() ({
        %run_scoped3A = tpu.sem_alloc : memref<!tpu.dma_semaphore, #tpu.memory_space<semaphore_mem>>
        %dma_start3A = arith.constant 0 : i32
        %dma_start3A_43 = tpu.memref_slice %arg6[%while3A_42, %dma_start3A] : memref<103x128xi32, #tpu.memory_space<vmem>> -> memref<1x128xi32, #tpu.memory_space<vmem>>
        %dma_start3A_44 = tpu.memref_squeeze %dma_start3A_43 : memref<1x128xi32, #tpu.memory_space<vmem>> -> memref<128xi32, #tpu.memory_space<vmem>>
        %dma_start3A_45 = arith.constant 0 : i32
        %dma_start3A_46 = arith.constant 0 : i32
        %dma_start3A_47 = tpu.memref_slice %arg9[%dma_start3A_45, %dma_start3A_46] : memref<10112x128xf32, #tpu.memory_space<vmem_shared>> -> memref<10112x128xf32, #tpu.memory_space<vmem_shared>>
        tpu.enqueue_indirect_dma source(%arg7 : memref<128x128xf32, #tpu.memory_space<vmem>>) target(%dma_start3A_47 : memref<10112x128xf32, #tpu.memory_space<vmem_shared>>) offsets(%dma_start3A_44 : memref<128xi32, #tpu.memory_space<vmem>>) semaphore(%run_scoped3A : memref<!tpu.dma_semaphore, #tpu.memory_space<semaphore_mem>>) {add = true}
        %dma_wait3A = arith.constant 0 : i32
        %dma_wait3A_48 = tpu.memref_slice %arg6[%while3A_42, %dma_wait3A] : memref<103x128xi32, #tpu.memory_space<vmem>> -> memref<1x128xi32, #tpu.memory_space<vmem>>
        %dma_wait3A_49 = tpu.memref_squeeze %dma_wait3A_48 : memref<1x128xi32, #tpu.memory_space<vmem>> -> memref<128xi32, #tpu.memory_space<vmem>>
        %dma_wait3A_50 = arith.constant 0 : i32
        %dma_wait3A_51 = arith.constant 0 : i32
        %dma_wait3A_52 = tpu.memref_slice %arg9[%dma_wait3A_50, %dma_wait3A_51] : memref<10112x128xf32, #tpu.memory_space<vmem_shared>> -> memref<10112x128xf32, #tpu.memory_space<vmem_shared>>
        tpu.wait_indirect_dma semaphore(%run_scoped3A : memref<!tpu.dma_semaphore, #tpu.memory_space<semaphore_mem>>) src(%arg7 : memref<128x128xf32, #tpu.memory_space<vmem>>) dst(%dma_wait3A_52 : memref<10112x128xf32, #tpu.memory_space<vmem_shared>>)
        tpu.yield
      }) : () -> ()
    }
    %barrier3A_21 = arith.constant 0 : index
    tpu.barrier barrier_id(%barrier3A_21)
    %add3A_22 = arith.constant 0 : i32
    %add3A_23 = arith.addi %mul3A_0, %add3A_22 : i32
    "tpu.region"() ({
      %run_scoped3A = tpu.sem_alloc : memref<!tpu.dma_semaphore, #tpu.memory_space<semaphore_mem>>
      %dma_start3A = arith.constant 0 : i32
      %dma_start3A_42 = tpu.memref_slice %arg9[%add3A_23, %dma_start3A] : memref<10112x128xf32, #tpu.memory_space<vmem_shared>> -> memref<128x128xf32, #tpu.memory_space<vmem_shared>>
      %dma_start3A_43 = arith.constant 0 : i32
      %dma_start3A_44 = tpu.memref_slice %arg9[%add3A_23, %dma_start3A_43] : memref<10112x128xf32, #tpu.memory_space<vmem_shared>> -> memref<128x128xf32, #tpu.memory_space<vmem_shared>>
      tpu.enqueue_dma source(%dma_start3A_44 : memref<128x128xf32, #tpu.memory_space<vmem_shared>>) target(%arg7 : memref<128x128xf32, #tpu.memory_space<vmem>>) target_semaphore(%run_scoped3A : memref<!tpu.dma_semaphore, #tpu.memory_space<semaphore_mem>>)
      %dma_wait3A = arith.constant 0 : i32
      %dma_wait3A_45 = tpu.memref_slice %arg9[%add3A_23, %dma_wait3A] : memref<10112x128xf32, #tpu.memory_space<vmem_shared>> -> memref<128x128xf32, #tpu.memory_space<vmem_shared>>
      %dma_wait3A_46 = arith.constant 0 : i32
      %dma_wait3A_47 = tpu.memref_slice %arg9[%add3A_23, %dma_wait3A_46] : memref<10112x128xf32, #tpu.memory_space<vmem_shared>> -> memref<128x128xf32, #tpu.memory_space<vmem_shared>>
      tpu.wait_dma2 semaphore(%run_scoped3A : memref<!tpu.dma_semaphore, #tpu.memory_space<semaphore_mem>>) src(%dma_wait3A_47 : memref<128x128xf32, #tpu.memory_space<vmem_shared>>) dst(%arg7 : memref<128x128xf32, #tpu.memory_space<vmem>>)
      tpu.yield
    }) : () -> ()
    %add3A_24 = arith.constant 0 : i32
    %add3A_25 = arith.addi %mul3A_0, %add3A_24 : i32
    "tpu.region"() ({
      %run_scoped3A = tpu.sem_alloc : memref<!tpu.dma_semaphore, #tpu.memory_space<semaphore_mem>>
      %dma_start3A = arith.constant 0 : i32
      %dma_start3A_42 = tpu.memref_slice %arg5[%arg0, %add3A_25, %dma_start3A] : memref<2x10112x128xf32, #tpu.memory_space<hbm>> -> memref<1x128x128xf32, #tpu.memory_space<hbm>>
      %dma_start3A_43 = tpu.memref_squeeze %dma_start3A_42 : memref<1x128x128xf32, #tpu.memory_space<hbm>> -> memref<128x128xf32, #tpu.memory_space<hbm>>
      %dma_start3A_44 = arith.constant 0 : i32
      %dma_start3A_45 = tpu.memref_slice %arg5[%arg0, %add3A_25, %dma_start3A_44] : memref<2x10112x128xf32, #tpu.memory_space<hbm>> -> memref<1x128x128xf32, #tpu.memory_space<hbm>>
      %dma_start3A_46 = tpu.memref_squeeze %dma_start3A_45 : memref<1x128x128xf32, #tpu.memory_space<hbm>> -> memref<128x128xf32, #tpu.memory_space<hbm>>
      tpu.enqueue_dma source(%arg7 : memref<128x128xf32, #tpu.memory_space<vmem>>) target(%dma_start3A_46 : memref<128x128xf32, #tpu.memory_space<hbm>>) target_semaphore(%run_scoped3A : memref<!tpu.dma_semaphore, #tpu.memory_space<semaphore_mem>>)
      %dma_wait3A = arith.constant 0 : i32
      %dma_wait3A_47 = tpu.memref_slice %arg5[%arg0, %add3A_25, %dma_wait3A] : memref<2x10112x128xf32, #tpu.memory_space<hbm>> -> memref<1x128x128xf32, #tpu.memory_space<hbm>>
      %dma_wait3A_48 = tpu.memref_squeeze %dma_wait3A_47 : memref<1x128x128xf32, #tpu.memory_space<hbm>> -> memref<128x128xf32, #tpu.memory_space<hbm>>
      %dma_wait3A_49 = arith.constant 0 : i32
      %dma_wait3A_50 = tpu.memref_slice %arg5[%arg0, %add3A_25, %dma_wait3A_49] : memref<2x10112x128xf32, #tpu.memory_space<hbm>> -> memref<1x128x128xf32, #tpu.memory_space<hbm>>
      %dma_wait3A_51 = tpu.memref_squeeze %dma_wait3A_50 : memref<1x128x128xf32, #tpu.memory_space<hbm>> -> memref<128x128xf32, #tpu.memory_space<hbm>>
      tpu.wait_dma2 semaphore(%run_scoped3A : memref<!tpu.dma_semaphore, #tpu.memory_space<semaphore_mem>>) src(%arg7 : memref<128x128xf32, #tpu.memory_space<vmem>>) dst(%dma_wait3A_51 : memref<128x128xf32, #tpu.memory_space<hbm>>)
      tpu.yield
    }) : () -> ()
    %add3A_26 = arith.constant 128 : i32
    %add3A_27 = arith.addi %mul3A_0, %add3A_26 : i32
    "tpu.region"() ({
      %run_scoped3A = tpu.sem_alloc : memref<!tpu.dma_semaphore, #tpu.memory_space<semaphore_mem>>
      %dma_start3A = arith.constant 0 : i32
      %dma_start3A_42 = tpu.memref_slice %arg9[%add3A_27, %dma_start3A] : memref<10112x128xf32, #tpu.memory_space<vmem_shared>> -> memref<128x128xf32, #tpu.memory_space<vmem_shared>>
      %dma_start3A_43 = arith.constant 0 : i32
      %dma_start3A_44 = tpu.memref_slice %arg9[%add3A_27, %dma_start3A_43] : memref<10112x128xf32, #tpu.memory_space<vmem_shared>> -> memref<128x128xf32, #tpu.memory_space<vmem_shared>>
      tpu.enqueue_dma source(%dma_start3A_44 : memref<128x128xf32, #tpu.memory_space<vmem_shared>>) target(%arg7 : memref<128x128xf32, #tpu.memory_space<vmem>>) target_semaphore(%run_scoped3A : memref<!tpu.dma_semaphore, #tpu.memory_space<semaphore_mem>>)
      %dma_wait3A = arith.constant 0 : i32
      %dma_wait3A_45 = tpu.memref_slice %arg9[%add3A_27, %dma_wait3A] : memref<10112x128xf32, #tpu.memory_space<vmem_shared>> -> memref<128x128xf32, #tpu.memory_space<vmem_shared>>
      %dma_wait3A_46 = arith.constant 0 : i32
      %dma_wait3A_47 = tpu.memref_slice %arg9[%add3A_27, %dma_wait3A_46] : memref<10112x128xf32, #tpu.memory_space<vmem_shared>> -> memref<128x128xf32, #tpu.memory_space<vmem_shared>>
      tpu.wait_dma2 semaphore(%run_scoped3A : memref<!tpu.dma_semaphore, #tpu.memory_space<semaphore_mem>>) src(%dma_wait3A_47 : memref<128x128xf32, #tpu.memory_space<vmem_shared>>) dst(%arg7 : memref<128x128xf32, #tpu.memory_space<vmem>>)
      tpu.yield
    }) : () -> ()
    %add3A_28 = arith.constant 128 : i32
    %add3A_29 = arith.addi %mul3A_0, %add3A_28 : i32
    "tpu.region"() ({
      %run_scoped3A = tpu.sem_alloc : memref<!tpu.dma_semaphore, #tpu.memory_space<semaphore_mem>>
      %dma_start3A = arith.constant 0 : i32
      %dma_start3A_42 = tpu.memref_slice %arg5[%arg0, %add3A_29, %dma_start3A] : memref<2x10112x128xf32, #tpu.memory_space<hbm>> -> memref<1x128x128xf32, #tpu.memory_space<hbm>>
      %dma_start3A_43 = tpu.memref_squeeze %dma_start3A_42 : memref<1x128x128xf32, #tpu.memory_space<hbm>> -> memref<128x128xf32, #tpu.memory_space<hbm>>
      %dma_start3A_44 = arith.constant 0 : i32
      %dma_start3A_45 = tpu.memref_slice %arg5[%arg0, %add3A_29, %dma_start3A_44] : memref<2x10112x128xf32, #tpu.memory_space<hbm>> -> memref<1x128x128xf32, #tpu.memory_space<hbm>>
      %dma_start3A_46 = tpu.memref_squeeze %dma_start3A_45 : memref<1x128x128xf32, #tpu.memory_space<hbm>> -> memref<128x128xf32, #tpu.memory_space<hbm>>
      tpu.enqueue_dma source(%arg7 : memref<128x128xf32, #tpu.memory_space<vmem>>) target(%dma_start3A_46 : memref<128x128xf32, #tpu.memory_space<hbm>>) target_semaphore(%run_scoped3A : memref<!tpu.dma_semaphore, #tpu.memory_space<semaphore_mem>>)
      %dma_wait3A = arith.constant 0 : i32
      %dma_wait3A_47 = tpu.memref_slice %arg5[%arg0, %add3A_29, %dma_wait3A] : memref<2x10112x128xf32, #tpu.memory_space<hbm>> -> memref<1x128x128xf32, #tpu.memory_space<hbm>>
      %dma_wait3A_48 = tpu.memref_squeeze %dma_wait3A_47 : memref<1x128x128xf32, #tpu.memory_space<hbm>> -> memref<128x128xf32, #tpu.memory_space<hbm>>
      %dma_wait3A_49 = arith.constant 0 : i32
      %dma_wait3A_50 = tpu.memref_slice %arg5[%arg0, %add3A_29, %dma_wait3A_49] : memref<2x10112x128xf32, #tpu.memory_space<hbm>> -> memref<1x128x128xf32, #tpu.memory_space<hbm>>
      %dma_wait3A_51 = tpu.memref_squeeze %dma_wait3A_50 : memref<1x128x128xf32, #tpu.memory_space<hbm>> -> memref<128x128xf32, #tpu.memory_space<hbm>>
      tpu.wait_dma2 semaphore(%run_scoped3A : memref<!tpu.dma_semaphore, #tpu.memory_space<semaphore_mem>>) src(%arg7 : memref<128x128xf32, #tpu.memory_space<vmem>>) dst(%dma_wait3A_51 : memref<128x128xf32, #tpu.memory_space<hbm>>)
      tpu.yield
    }) : () -> ()
    %add3A_30 = arith.constant 256 : i32
    %add3A_31 = arith.addi %mul3A_0, %add3A_30 : i32
    "tpu.region"() ({
      %run_scoped3A = tpu.sem_alloc : memref<!tpu.dma_semaphore, #tpu.memory_space<semaphore_mem>>
      %dma_start3A = arith.constant 0 : i32
      %dma_start3A_42 = tpu.memref_slice %arg9[%add3A_31, %dma_start3A] : memref<10112x128xf32, #tpu.memory_space<vmem_shared>> -> memref<128x128xf32, #tpu.memory_space<vmem_shared>>
      %dma_start3A_43 = arith.constant 0 : i32
      %dma_start3A_44 = tpu.memref_slice %arg9[%add3A_31, %dma_start3A_43] : memref<10112x128xf32, #tpu.memory_space<vmem_shared>> -> memref<128x128xf32, #tpu.memory_space<vmem_shared>>
      tpu.enqueue_dma source(%dma_start3A_44 : memref<128x128xf32, #tpu.memory_space<vmem_shared>>) target(%arg7 : memref<128x128xf32, #tpu.memory_space<vmem>>) target_semaphore(%run_scoped3A : memref<!tpu.dma_semaphore, #tpu.memory_space<semaphore_mem>>)
      %dma_wait3A = arith.constant 0 : i32
      %dma_wait3A_45 = tpu.memref_slice %arg9[%add3A_31, %dma_wait3A] : memref<10112x128xf32, #tpu.memory_space<vmem_shared>> -> memref<128x128xf32, #tpu.memory_space<vmem_shared>>
      %dma_wait3A_46 = arith.constant 0 : i32
      %dma_wait3A_47 = tpu.memref_slice %arg9[%add3A_31, %dma_wait3A_46] : memref<10112x128xf32, #tpu.memory_space<vmem_shared>> -> memref<128x128xf32, #tpu.memory_space<vmem_shared>>
      tpu.wait_dma2 semaphore(%run_scoped3A : memref<!tpu.dma_semaphore, #tpu.memory_space<semaphore_mem>>) src(%dma_wait3A_47 : memref<128x128xf32, #tpu.memory_space<vmem_shared>>) dst(%arg7 : memref<128x128xf32, #tpu.memory_space<vmem>>)
      tpu.yield
    }) : () -> ()
    %add3A_32 = arith.constant 256 : i32
    %add3A_33 = arith.addi %mul3A_0, %add3A_32 : i32
    "tpu.region"() ({
      %run_scoped3A = tpu.sem_alloc : memref<!tpu.dma_semaphore, #tpu.memory_space<semaphore_mem>>
      %dma_start3A = arith.constant 0 : i32
      %dma_start3A_42 = tpu.memref_slice %arg5[%arg0, %add3A_33, %dma_start3A] : memref<2x10112x128xf32, #tpu.memory_space<hbm>> -> memref<1x128x128xf32, #tpu.memory_space<hbm>>
      %dma_start3A_43 = tpu.memref_squeeze %dma_start3A_42 : memref<1x128x128xf32, #tpu.memory_space<hbm>> -> memref<128x128xf32, #tpu.memory_space<hbm>>
      %dma_start3A_44 = arith.constant 0 : i32
      %dma_start3A_45 = tpu.memref_slice %arg5[%arg0, %add3A_33, %dma_start3A_44] : memref<2x10112x128xf32, #tpu.memory_space<hbm>> -> memref<1x128x128xf32, #tpu.memory_space<hbm>>
      %dma_start3A_46 = tpu.memref_squeeze %dma_start3A_45 : memref<1x128x128xf32, #tpu.memory_space<hbm>> -> memref<128x128xf32, #tpu.memory_space<hbm>>
      tpu.enqueue_dma source(%arg7 : memref<128x128xf32, #tpu.memory_space<vmem>>) target(%dma_start3A_46 : memref<128x128xf32, #tpu.memory_space<hbm>>) target_semaphore(%run_scoped3A : memref<!tpu.dma_semaphore, #tpu.memory_space<semaphore_mem>>)
      %dma_wait3A = arith.constant 0 : i32
      %dma_wait3A_47 = tpu.memref_slice %arg5[%arg0, %add3A_33, %dma_wait3A] : memref<2x10112x128xf32, #tpu.memory_space<hbm>> -> memref<1x128x128xf32, #tpu.memory_space<hbm>>
      %dma_wait3A_48 = tpu.memref_squeeze %dma_wait3A_47 : memref<1x128x128xf32, #tpu.memory_space<hbm>> -> memref<128x128xf32, #tpu.memory_space<hbm>>
      %dma_wait3A_49 = arith.constant 0 : i32
      %dma_wait3A_50 = tpu.memref_slice %arg5[%arg0, %add3A_33, %dma_wait3A_49] : memref<2x10112x128xf32, #tpu.memory_space<hbm>> -> memref<1x128x128xf32, #tpu.memory_space<hbm>>
      %dma_wait3A_51 = tpu.memref_squeeze %dma_wait3A_50 : memref<1x128x128xf32, #tpu.memory_space<hbm>> -> memref<128x128xf32, #tpu.memory_space<hbm>>
      tpu.wait_dma2 semaphore(%run_scoped3A : memref<!tpu.dma_semaphore, #tpu.memory_space<semaphore_mem>>) src(%arg7 : memref<128x128xf32, #tpu.memory_space<vmem>>) dst(%dma_wait3A_51 : memref<128x128xf32, #tpu.memory_space<hbm>>)
      tpu.yield
    }) : () -> ()
    %add3A_34 = arith.constant 384 : i32
    %add3A_35 = arith.addi %mul3A_0, %add3A_34 : i32
    "tpu.region"() ({
      %run_scoped3A = tpu.sem_alloc : memref<!tpu.dma_semaphore, #tpu.memory_space<semaphore_mem>>
      %dma_start3A = arith.constant 0 : i32
      %dma_start3A_42 = tpu.memref_slice %arg9[%add3A_35, %dma_start3A] : memref<10112x128xf32, #tpu.memory_space<vmem_shared>> -> memref<128x128xf32, #tpu.memory_space<vmem_shared>>
      %dma_start3A_43 = arith.constant 0 : i32
      %dma_start3A_44 = tpu.memref_slice %arg9[%add3A_35, %dma_start3A_43] : memref<10112x128xf32, #tpu.memory_space<vmem_shared>> -> memref<128x128xf32, #tpu.memory_space<vmem_shared>>
      tpu.enqueue_dma source(%dma_start3A_44 : memref<128x128xf32, #tpu.memory_space<vmem_shared>>) target(%arg7 : memref<128x128xf32, #tpu.memory_space<vmem>>) target_semaphore(%run_scoped3A : memref<!tpu.dma_semaphore, #tpu.memory_space<semaphore_mem>>)
      %dma_wait3A = arith.constant 0 : i32
      %dma_wait3A_45 = tpu.memref_slice %arg9[%add3A_35, %dma_wait3A] : memref<10112x128xf32, #tpu.memory_space<vmem_shared>> -> memref<128x128xf32, #tpu.memory_space<vmem_shared>>
      %dma_wait3A_46 = arith.constant 0 : i32
      %dma_wait3A_47 = tpu.memref_slice %arg9[%add3A_35, %dma_wait3A_46] : memref<10112x128xf32, #tpu.memory_space<vmem_shared>> -> memref<128x128xf32, #tpu.memory_space<vmem_shared>>
      tpu.wait_dma2 semaphore(%run_scoped3A : memref<!tpu.dma_semaphore, #tpu.memory_space<semaphore_mem>>) src(%dma_wait3A_47 : memref<128x128xf32, #tpu.memory_space<vmem_shared>>) dst(%arg7 : memref<128x128xf32, #tpu.memory_space<vmem>>)
      tpu.yield
    }) : () -> ()
    %add3A_36 = arith.constant 384 : i32
    %add3A_37 = arith.addi %mul3A_0, %add3A_36 : i32
    "tpu.region"() ({
      %run_scoped3A = tpu.sem_alloc : memref<!tpu.dma_semaphore, #tpu.memory_space<semaphore_mem>>
      %dma_start3A = arith.constant 0 : i32
      %dma_start3A_42 = tpu.memref_slice %arg5[%arg0, %add3A_37, %dma_start3A] : memref<2x10112x128xf32, #tpu.memory_space<hbm>> -> memref<1x128x128xf32, #tpu.memory_space<hbm>>
      %dma_start3A_43 = tpu.memref_squeeze %dma_start3A_42 : memref<1x128x128xf32, #tpu.memory_space<hbm>> -> memref<128x128xf32, #tpu.memory_space<hbm>>
      %dma_start3A_44 = arith.constant 0 : i32
      %dma_start3A_45 = tpu.memref_slice %arg5[%arg0, %add3A_37, %dma_start3A_44] : memref<2x10112x128xf32, #tpu.memory_space<hbm>> -> memref<1x128x128xf32, #tpu.memory_space<hbm>>
      %dma_start3A_46 = tpu.memref_squeeze %dma_start3A_45 : memref<1x128x128xf32, #tpu.memory_space<hbm>> -> memref<128x128xf32, #tpu.memory_space<hbm>>
      tpu.enqueue_dma source(%arg7 : memref<128x128xf32, #tpu.memory_space<vmem>>) target(%dma_start3A_46 : memref<128x128xf32, #tpu.memory_space<hbm>>) target_semaphore(%run_scoped3A : memref<!tpu.dma_semaphore, #tpu.memory_space<semaphore_mem>>)
      %dma_wait3A = arith.constant 0 : i32
      %dma_wait3A_47 = tpu.memref_slice %arg5[%arg0, %add3A_37, %dma_wait3A] : memref<2x10112x128xf32, #tpu.memory_space<hbm>> -> memref<1x128x128xf32, #tpu.memory_space<hbm>>
      %dma_wait3A_48 = tpu.memref_squeeze %dma_wait3A_47 : memref<1x128x128xf32, #tpu.memory_space<hbm>> -> memref<128x128xf32, #tpu.memory_space<hbm>>
      %dma_wait3A_49 = arith.constant 0 : i32
      %dma_wait3A_50 = tpu.memref_slice %arg5[%arg0, %add3A_37, %dma_wait3A_49] : memref<2x10112x128xf32, #tpu.memory_space<hbm>> -> memref<1x128x128xf32, #tpu.memory_space<hbm>>
      %dma_wait3A_51 = tpu.memref_squeeze %dma_wait3A_50 : memref<1x128x128xf32, #tpu.memory_space<hbm>> -> memref<128x128xf32, #tpu.memory_space<hbm>>
      tpu.wait_dma2 semaphore(%run_scoped3A : memref<!tpu.dma_semaphore, #tpu.memory_space<semaphore_mem>>) src(%arg7 : memref<128x128xf32, #tpu.memory_space<vmem>>) dst(%dma_wait3A_51 : memref<128x128xf32, #tpu.memory_space<hbm>>)
      tpu.yield
    }) : () -> ()
    %add3A_38 = arith.constant 512 : i32
    %add3A_39 = arith.addi %mul3A_0, %add3A_38 : i32
    "tpu.region"() ({
      %run_scoped3A = tpu.sem_alloc : memref<!tpu.dma_semaphore, #tpu.memory_space<semaphore_mem>>
      %dma_start3A = arith.constant 0 : i32
      %dma_start3A_42 = arith.constant 0 : i32
      %dma_start3A_43 = tpu.memref_slice %arg7[%dma_start3A, %dma_start3A_42] : memref<128x128xf32, #tpu.memory_space<vmem>> -> memref<120x128xf32, #tpu.memory_space<vmem>>
      %dma_start3A_44 = arith.constant 0 : i32
      %dma_start3A_45 = tpu.memref_slice %arg9[%add3A_39, %dma_start3A_44] : memref<10112x128xf32, #tpu.memory_space<vmem_shared>> -> memref<120x128xf32, #tpu.memory_space<vmem_shared>>
      %dma_start3A_46 = arith.constant 0 : i32
      %dma_start3A_47 = arith.constant 0 : i32
      %dma_start3A_48 = tpu.memref_slice %arg7[%dma_start3A_46, %dma_start3A_47] : memref<128x128xf32, #tpu.memory_space<vmem>> -> memref<120x128xf32, #tpu.memory_space<vmem>>
      %dma_start3A_49 = arith.constant 0 : i32
      %dma_start3A_50 = tpu.memref_slice %arg9[%add3A_39, %dma_start3A_49] : memref<10112x128xf32, #tpu.memory_space<vmem_shared>> -> memref<120x128xf32, #tpu.memory_space<vmem_shared>>
      tpu.enqueue_dma source(%dma_start3A_50 : memref<120x128xf32, #tpu.memory_space<vmem_shared>>) target(%dma_start3A_48 : memref<120x128xf32, #tpu.memory_space<vmem>>) target_semaphore(%run_scoped3A : memref<!tpu.dma_semaphore, #tpu.memory_space<semaphore_mem>>)
      %dma_wait3A = arith.constant 0 : i32
      %dma_wait3A_51 = arith.constant 0 : i32
      %dma_wait3A_52 = tpu.memref_slice %arg7[%dma_wait3A, %dma_wait3A_51] : memref<128x128xf32, #tpu.memory_space<vmem>> -> memref<120x128xf32, #tpu.memory_space<vmem>>
      %dma_wait3A_53 = arith.constant 0 : i32
      %dma_wait3A_54 = tpu.memref_slice %arg9[%add3A_39, %dma_wait3A_53] : memref<10112x128xf32, #tpu.memory_space<vmem_shared>> -> memref<120x128xf32, #tpu.memory_space<vmem_shared>>
      %dma_wait3A_55 = arith.constant 0 : i32
      %dma_wait3A_56 = arith.constant 0 : i32
      %dma_wait3A_57 = tpu.memref_slice %arg7[%dma_wait3A_55, %dma_wait3A_56] : memref<128x128xf32, #tpu.memory_space<vmem>> -> memref<120x128xf32, #tpu.memory_space<vmem>>
      %dma_wait3A_58 = arith.constant 0 : i32
      %dma_wait3A_59 = tpu.memref_slice %arg9[%add3A_39, %dma_wait3A_58] : memref<10112x128xf32, #tpu.memory_space<vmem_shared>> -> memref<120x128xf32, #tpu.memory_space<vmem_shared>>
      tpu.wait_dma2 semaphore(%run_scoped3A : memref<!tpu.dma_semaphore, #tpu.memory_space<semaphore_mem>>) src(%dma_wait3A_59 : memref<120x128xf32, #tpu.memory_space<vmem_shared>>) dst(%dma_wait3A_57 : memref<120x128xf32, #tpu.memory_space<vmem>>)
      tpu.yield
    }) : () -> ()
    %add3A_40 = arith.constant 512 : i32
    %add3A_41 = arith.addi %mul3A_0, %add3A_40 : i32
    "tpu.region"() ({
      %run_scoped3A = tpu.sem_alloc : memref<!tpu.dma_semaphore, #tpu.memory_space<semaphore_mem>>
      %dma_start3A = arith.constant 0 : i32
      %dma_start3A_42 = arith.constant 0 : i32
      %dma_start3A_43 = tpu.memref_slice %arg7[%dma_start3A, %dma_start3A_42] : memref<128x128xf32, #tpu.memory_space<vmem>> -> memref<120x128xf32, #tpu.memory_space<vmem>>
      %dma_start3A_44 = arith.constant 0 : i32
      %dma_start3A_45 = tpu.memref_slice %arg5[%arg0, %add3A_41, %dma_start3A_44] : memref<2x10112x128xf32, #tpu.memory_space<hbm>> -> memref<1x120x128xf32, #tpu.memory_space<hbm>>
      %dma_start3A_46 = tpu.memref_squeeze %dma_start3A_45 : memref<1x120x128xf32, #tpu.memory_space<hbm>> -> memref<120x128xf32, #tpu.memory_space<hbm>>
      %dma_start3A_47 = arith.constant 0 : i32
      %dma_start3A_48 = tpu.memref_slice %arg5[%arg0, %add3A_41, %dma_start3A_47] : memref<2x10112x128xf32, #tpu.memory_space<hbm>> -> memref<1x120x128xf32, #tpu.memory_space<hbm>>
      %dma_start3A_49 = tpu.memref_squeeze %dma_start3A_48 : memref<1x120x128xf32, #tpu.memory_space<hbm>> -> memref<120x128xf32, #tpu.memory_space<hbm>>
      %dma_start3A_50 = arith.constant 0 : i32
      %dma_start3A_51 = arith.constant 0 : i32
      %dma_start3A_52 = tpu.memref_slice %arg7[%dma_start3A_50, %dma_start3A_51] : memref<128x128xf32, #tpu.memory_space<vmem>> -> memref<120x128xf32, #tpu.memory_space<vmem>>
      tpu.enqueue_dma source(%dma_start3A_52 : memref<120x128xf32, #tpu.memory_space<vmem>>) target(%dma_start3A_49 : memref<120x128xf32, #tpu.memory_space<hbm>>) target_semaphore(%run_scoped3A : memref<!tpu.dma_semaphore, #tpu.memory_space<semaphore_mem>>)
      %dma_wait3A = arith.constant 0 : i32
      %dma_wait3A_53 = arith.constant 0 : i32
      %dma_wait3A_54 = tpu.memref_slice %arg7[%dma_wait3A, %dma_wait3A_53] : memref<128x128xf32, #tpu.memory_space<vmem>> -> memref<120x128xf32, #tpu.memory_space<vmem>>
      %dma_wait3A_55 = arith.constant 0 : i32
      %dma_wait3A_56 = tpu.memref_slice %arg5[%arg0, %add3A_41, %dma_wait3A_55] : memref<2x10112x128xf32, #tpu.memory_space<hbm>> -> memref<1x120x128xf32, #tpu.memory_space<hbm>>
      %dma_wait3A_57 = tpu.memref_squeeze %dma_wait3A_56 : memref<1x120x128xf32, #tpu.memory_space<hbm>> -> memref<120x128xf32, #tpu.memory_space<hbm>>
      %dma_wait3A_58 = arith.constant 0 : i32
      %dma_wait3A_59 = tpu.memref_slice %arg5[%arg0, %add3A_41, %dma_wait3A_58] : memref<2x10112x128xf32, #tpu.memory_space<hbm>> -> memref<1x120x128xf32, #tpu.memory_space<hbm>>
      %dma_wait3A_60 = tpu.memref_squeeze %dma_wait3A_59 : memref<1x120x128xf32, #tpu.memory_space<hbm>> -> memref<120x128xf32, #tpu.memory_space<hbm>>
      %dma_wait3A_61 = arith.constant 0 : i32
      %dma_wait3A_62 = arith.constant 0 : i32
      %dma_wait3A_63 = tpu.memref_slice %arg7[%dma_wait3A_61, %dma_wait3A_62] : memref<128x128xf32, #tpu.memory_space<vmem>> -> memref<120x128xf32, #tpu.memory_space<vmem>>
      tpu.wait_dma2 semaphore(%run_scoped3A : memref<!tpu.dma_semaphore, #tpu.memory_space<semaphore_mem>>) src(%dma_wait3A_63 : memref<120x128xf32, #tpu.memory_space<vmem>>) dst(%dma_wait3A_60 : memref<120x128xf32, #tpu.memory_space<hbm>>)
      tpu.yield
    }) : () -> ()
    return
  }
}

#map = affine_map<(d0, d1) -> (0, 0)>
#map1 = affine_map<(d0, d1) -> (0, 0, 0, 0)>
#map2 = affine_map<(d0, d1) -> (0, 0, 0)>
module attributes {stable_mosaic.version = 14 : i64} {
  func.func @_spmm(%arg0: i32, %arg1: i32, %arg2: memref<10000x128xf32, #tpu.memory_space<hbm>>, %arg3: memref<2x16x103x128xi32, #tpu.memory_space<hbm>>, %arg4: memref<2x16x103x128xi32, #tpu.memory_space<hbm>>, %arg5: memref<128x128xf32, #tpu.memory_space<hbm>>, %arg6: memref<2x10112x128xf32, #tpu.memory_space<hbm>>, %arg7: memref<103x128xi32, #tpu.memory_space<vmem>>, %arg8: memref<103x128xi32, #tpu.memory_space<vmem>>, %arg9: memref<128x128xf32, #tpu.memory_space<vmem>>, %arg10: memref<10112x128xf32, #tpu.memory_space<vmem_shared>>, %arg11: memref<!tpu.dma_semaphore, #tpu.memory_space<semaphore_mem>>) attributes {dimension_semantics = [#tpu.dimension_semantics<core_parallel>, #tpu.dimension_semantics<subcore_parallel>], iteration_bounds = array<i64: 2, 16>, scalar_prefetch = 0 : i64, scratch_operands = 5 : i64, tpu.core_type = #tpu.core_type<sc_vector_subcore>, window_params = [{transform_indices = #map}, {transform_indices = #map1}, {transform_indices = #map1}, {transform_indices = #map}, {transform_indices = #map2}]} {
    "tpu.region"() ({
      %run_scoped3A = tpu.sem_alloc : memref<!tpu.dma_semaphore, #tpu.memory_space<semaphore_mem>>
      %dma_start3A = arith.constant 0 : i32
      %dma_start3A_42 = arith.constant 0 : i32
      %dma_start3A_43 = tpu.memref_slice %arg3[%arg0, %arg1, %dma_start3A, %dma_start3A_42] : memref<2x16x103x128xi32, #tpu.memory_space<hbm>> -> memref<1x1x103x128xi32, #tpu.memory_space<hbm>>
      %dma_start3A_44 = tpu.memref_squeeze %dma_start3A_43 : memref<1x1x103x128xi32, #tpu.memory_space<hbm>> -> memref<103x128xi32, #tpu.memory_space<hbm>>
      %dma_start3A_45 = arith.constant 0 : i32
      %dma_start3A_46 = arith.constant 0 : i32
      %dma_start3A_47 = tpu.memref_slice %arg3[%arg0, %arg1, %dma_start3A_45, %dma_start3A_46] : memref<2x16x103x128xi32, #tpu.memory_space<hbm>> -> memref<1x1x103x128xi32, #tpu.memory_space<hbm>>
      %dma_start3A_48 = tpu.memref_squeeze %dma_start3A_47 : memref<1x1x103x128xi32, #tpu.memory_space<hbm>> -> memref<103x128xi32, #tpu.memory_space<hbm>>
      tpu.enqueue_dma source(%dma_start3A_48 : memref<103x128xi32, #tpu.memory_space<hbm>>) target(%arg7 : memref<103x128xi32, #tpu.memory_space<vmem>>) target_semaphore(%run_scoped3A : memref<!tpu.dma_semaphore, #tpu.memory_space<semaphore_mem>>)
      %dma_wait3A = arith.constant 0 : i32
      %dma_wait3A_49 = arith.constant 0 : i32
      %dma_wait3A_50 = tpu.memref_slice %arg3[%arg0, %arg1, %dma_wait3A, %dma_wait3A_49] : memref<2x16x103x128xi32, #tpu.memory_space<hbm>> -> memref<1x1x103x128xi32, #tpu.memory_space<hbm>>
      %dma_wait3A_51 = tpu.memref_squeeze %dma_wait3A_50 : memref<1x1x103x128xi32, #tpu.memory_space<hbm>> -> memref<103x128xi32, #tpu.memory_space<hbm>>
      %dma_wait3A_52 = arith.constant 0 : i32
      %dma_wait3A_53 = arith.constant 0 : i32
      %dma_wait3A_54 = tpu.memref_slice %arg3[%arg0, %arg1, %dma_wait3A_52, %dma_wait3A_53] : memref<2x16x103x128xi32, #tpu.memory_space<hbm>> -> memref<1x1x103x128xi32, #tpu.memory_space<hbm>>
      %dma_wait3A_55 = tpu.memref_squeeze %dma_wait3A_54 : memref<1x1x103x128xi32, #tpu.memory_space<hbm>> -> memref<103x128xi32, #tpu.memory_space<hbm>>
      tpu.wait_dma2 semaphore(%run_scoped3A : memref<!tpu.dma_semaphore, #tpu.memory_space<semaphore_mem>>) src(%dma_wait3A_55 : memref<103x128xi32, #tpu.memory_space<hbm>>) dst(%arg7 : memref<103x128xi32, #tpu.memory_space<vmem>>)
      tpu.yield
    }) : () -> ()
    "tpu.region"() ({
      %run_scoped3A = tpu.sem_alloc : memref<!tpu.dma_semaphore, #tpu.memory_space<semaphore_mem>>
      %dma_start3A = arith.constant 0 : i32
      %dma_start3A_42 = arith.constant 0 : i32
      %dma_start3A_43 = tpu.memref_slice %arg4[%arg0, %arg1, %dma_start3A, %dma_start3A_42] : memref<2x16x103x128xi32, #tpu.memory_space<hbm>> -> memref<1x1x103x128xi32, #tpu.memory_space<hbm>>
      %dma_start3A_44 = tpu.memref_squeeze %dma_start3A_43 : memref<1x1x103x128xi32, #tpu.memory_space<hbm>> -> memref<103x128xi32, #tpu.memory_space<hbm>>
      %dma_start3A_45 = arith.constant 0 : i32
      %dma_start3A_46 = arith.constant 0 : i32
      %dma_start3A_47 = tpu.memref_slice %arg4[%arg0, %arg1, %dma_start3A_45, %dma_start3A_46] : memref<2x16x103x128xi32, #tpu.memory_space<hbm>> -> memref<1x1x103x128xi32, #tpu.memory_space<hbm>>
      %dma_start3A_48 = tpu.memref_squeeze %dma_start3A_47 : memref<1x1x103x128xi32, #tpu.memory_space<hbm>> -> memref<103x128xi32, #tpu.memory_space<hbm>>
      tpu.enqueue_dma source(%dma_start3A_48 : memref<103x128xi32, #tpu.memory_space<hbm>>) target(%arg8 : memref<103x128xi32, #tpu.memory_space<vmem>>) target_semaphore(%run_scoped3A : memref<!tpu.dma_semaphore, #tpu.memory_space<semaphore_mem>>)
      %dma_wait3A = arith.constant 0 : i32
      %dma_wait3A_49 = arith.constant 0 : i32
      %dma_wait3A_50 = tpu.memref_slice %arg4[%arg0, %arg1, %dma_wait3A, %dma_wait3A_49] : memref<2x16x103x128xi32, #tpu.memory_space<hbm>> -> memref<1x1x103x128xi32, #tpu.memory_space<hbm>>
      %dma_wait3A_51 = tpu.memref_squeeze %dma_wait3A_50 : memref<1x1x103x128xi32, #tpu.memory_space<hbm>> -> memref<103x128xi32, #tpu.memory_space<hbm>>
      %dma_wait3A_52 = arith.constant 0 : i32
      %dma_wait3A_53 = arith.constant 0 : i32
      %dma_wait3A_54 = tpu.memref_slice %arg4[%arg0, %arg1, %dma_wait3A_52, %dma_wait3A_53] : memref<2x16x103x128xi32, #tpu.memory_space<hbm>> -> memref<1x1x103x128xi32, #tpu.memory_space<hbm>>
      %dma_wait3A_55 = tpu.memref_squeeze %dma_wait3A_54 : memref<1x1x103x128xi32, #tpu.memory_space<hbm>> -> memref<103x128xi32, #tpu.memory_space<hbm>>
      tpu.wait_dma2 semaphore(%run_scoped3A : memref<!tpu.dma_semaphore, #tpu.memory_space<semaphore_mem>>) src(%dma_wait3A_55 : memref<103x128xi32, #tpu.memory_space<hbm>>) dst(%arg8 : memref<103x128xi32, #tpu.memory_space<vmem>>)
      tpu.yield
    }) : () -> ()
    "tpu.region"() ({
      %run_scoped3A = tpu.sem_alloc : memref<!tpu.dma_semaphore, #tpu.memory_space<semaphore_mem>>
      tpu.enqueue_dma source(%arg5 : memref<128x128xf32, #tpu.memory_space<hbm>>) target(%arg9 : memref<128x128xf32, #tpu.memory_space<vmem>>) target_semaphore(%run_scoped3A : memref<!tpu.dma_semaphore, #tpu.memory_space<semaphore_mem>>)
      tpu.wait_dma2 semaphore(%run_scoped3A : memref<!tpu.dma_semaphore, #tpu.memory_space<semaphore_mem>>) src(%arg5 : memref<128x128xf32, #tpu.memory_space<hbm>>) dst(%arg9 : memref<128x128xf32, #tpu.memory_space<vmem>>)
      tpu.yield
    }) : () -> ()
    %mul3A = arith.constant 632 : i32
    %mul3A_0 = arith.muli %arg1, %mul3A : i32
    %add3A = arith.constant 0 : i32
    %add3A_1 = arith.addi %mul3A_0, %add3A : i32
    "tpu.region"() ({
      %run_scoped3A = tpu.sem_alloc : memref<!tpu.dma_semaphore, #tpu.memory_space<semaphore_mem>>
      %dma_start3A = arith.constant 0 : i32
      %dma_start3A_42 = tpu.memref_slice %arg10[%add3A_1, %dma_start3A] : memref<10112x128xf32, #tpu.memory_space<vmem_shared>> -> memref<128x128xf32, #tpu.memory_space<vmem_shared>>
      %dma_start3A_43 = arith.constant 0 : i32
      %dma_start3A_44 = tpu.memref_slice %arg10[%add3A_1, %dma_start3A_43] : memref<10112x128xf32, #tpu.memory_space<vmem_shared>> -> memref<128x128xf32, #tpu.memory_space<vmem_shared>>
      tpu.enqueue_dma source(%arg9 : memref<128x128xf32, #tpu.memory_space<vmem>>) target(%dma_start3A_44 : memref<128x128xf32, #tpu.memory_space<vmem_shared>>) target_semaphore(%run_scoped3A : memref<!tpu.dma_semaphore, #tpu.memory_space<semaphore_mem>>)
      %dma_wait3A = arith.constant 0 : i32
      %dma_wait3A_45 = tpu.memref_slice %arg10[%add3A_1, %dma_wait3A] : memref<10112x128xf32, #tpu.memory_space<vmem_shared>> -> memref<128x128xf32, #tpu.memory_space<vmem_shared>>
      %dma_wait3A_46 = arith.constant 0 : i32
      %dma_wait3A_47 = tpu.memref_slice %arg10[%add3A_1, %dma_wait3A_46] : memref<10112x128xf32, #tpu.memory_space<vmem_shared>> -> memref<128x128xf32, #tpu.memory_space<vmem_shared>>
      tpu.wait_dma2 semaphore(%run_scoped3A : memref<!tpu.dma_semaphore, #tpu.memory_space<semaphore_mem>>) src(%arg9 : memref<128x128xf32, #tpu.memory_space<vmem>>) dst(%dma_wait3A_47 : memref<128x128xf32, #tpu.memory_space<vmem_shared>>)
      tpu.yield
    }) : () -> ()
    %add3A_2 = arith.constant 128 : i32
    %add3A_3 = arith.addi %mul3A_0, %add3A_2 : i32
    "tpu.region"() ({
      %run_scoped3A = tpu.sem_alloc : memref<!tpu.dma_semaphore, #tpu.memory_space<semaphore_mem>>
      %dma_start3A = arith.constant 0 : i32
      %dma_start3A_42 = tpu.memref_slice %arg10[%add3A_3, %dma_start3A] : memref<10112x128xf32, #tpu.memory_space<vmem_shared>> -> memref<128x128xf32, #tpu.memory_space<vmem_shared>>
      %dma_start3A_43 = arith.constant 0 : i32
      %dma_start3A_44 = tpu.memref_slice %arg10[%add3A_3, %dma_start3A_43] : memref<10112x128xf32, #tpu.memory_space<vmem_shared>> -> memref<128x128xf32, #tpu.memory_space<vmem_shared>>
      tpu.enqueue_dma source(%arg9 : memref<128x128xf32, #tpu.memory_space<vmem>>) target(%dma_start3A_44 : memref<128x128xf32, #tpu.memory_space<vmem_shared>>) target_semaphore(%run_scoped3A : memref<!tpu.dma_semaphore, #tpu.memory_space<semaphore_mem>>)
      %dma_wait3A = arith.constant 0 : i32
      %dma_wait3A_45 = tpu.memref_slice %arg10[%add3A_3, %dma_wait3A] : memref<10112x128xf32, #tpu.memory_space<vmem_shared>> -> memref<128x128xf32, #tpu.memory_space<vmem_shared>>
      %dma_wait3A_46 = arith.constant 0 : i32
      %dma_wait3A_47 = tpu.memref_slice %arg10[%add3A_3, %dma_wait3A_46] : memref<10112x128xf32, #tpu.memory_space<vmem_shared>> -> memref<128x128xf32, #tpu.memory_space<vmem_shared>>
      tpu.wait_dma2 semaphore(%run_scoped3A : memref<!tpu.dma_semaphore, #tpu.memory_space<semaphore_mem>>) src(%arg9 : memref<128x128xf32, #tpu.memory_space<vmem>>) dst(%dma_wait3A_47 : memref<128x128xf32, #tpu.memory_space<vmem_shared>>)
      tpu.yield
    }) : () -> ()
    %add3A_4 = arith.constant 256 : i32
    %add3A_5 = arith.addi %mul3A_0, %add3A_4 : i32
    "tpu.region"() ({
      %run_scoped3A = tpu.sem_alloc : memref<!tpu.dma_semaphore, #tpu.memory_space<semaphore_mem>>
      %dma_start3A = arith.constant 0 : i32
      %dma_start3A_42 = tpu.memref_slice %arg10[%add3A_5, %dma_start3A] : memref<10112x128xf32, #tpu.memory_space<vmem_shared>> -> memref<128x128xf32, #tpu.memory_space<vmem_shared>>
      %dma_start3A_43 = arith.constant 0 : i32
      %dma_start3A_44 = tpu.memref_slice %arg10[%add3A_5, %dma_start3A_43] : memref<10112x128xf32, #tpu.memory_space<vmem_shared>> -> memref<128x128xf32, #tpu.memory_space<vmem_shared>>
      tpu.enqueue_dma source(%arg9 : memref<128x128xf32, #tpu.memory_space<vmem>>) target(%dma_start3A_44 : memref<128x128xf32, #tpu.memory_space<vmem_shared>>) target_semaphore(%run_scoped3A : memref<!tpu.dma_semaphore, #tpu.memory_space<semaphore_mem>>)
      %dma_wait3A = arith.constant 0 : i32
      %dma_wait3A_45 = tpu.memref_slice %arg10[%add3A_5, %dma_wait3A] : memref<10112x128xf32, #tpu.memory_space<vmem_shared>> -> memref<128x128xf32, #tpu.memory_space<vmem_shared>>
      %dma_wait3A_46 = arith.constant 0 : i32
      %dma_wait3A_47 = tpu.memref_slice %arg10[%add3A_5, %dma_wait3A_46] : memref<10112x128xf32, #tpu.memory_space<vmem_shared>> -> memref<128x128xf32, #tpu.memory_space<vmem_shared>>
      tpu.wait_dma2 semaphore(%run_scoped3A : memref<!tpu.dma_semaphore, #tpu.memory_space<semaphore_mem>>) src(%arg9 : memref<128x128xf32, #tpu.memory_space<vmem>>) dst(%dma_wait3A_47 : memref<128x128xf32, #tpu.memory_space<vmem_shared>>)
      tpu.yield
    }) : () -> ()
    %add3A_6 = arith.constant 384 : i32
    %add3A_7 = arith.addi %mul3A_0, %add3A_6 : i32
    "tpu.region"() ({
      %run_scoped3A = tpu.sem_alloc : memref<!tpu.dma_semaphore, #tpu.memory_space<semaphore_mem>>
      %dma_start3A = arith.constant 0 : i32
      %dma_start3A_42 = tpu.memref_slice %arg10[%add3A_7, %dma_start3A] : memref<10112x128xf32, #tpu.memory_space<vmem_shared>> -> memref<128x128xf32, #tpu.memory_space<vmem_shared>>
      %dma_start3A_43 = arith.constant 0 : i32
      %dma_start3A_44 = tpu.memref_slice %arg10[%add3A_7, %dma_start3A_43] : memref<10112x128xf32, #tpu.memory_space<vmem_shared>> -> memref<128x128xf32, #tpu.memory_space<vmem_shared>>
      tpu.enqueue_dma source(%arg9 : memref<128x128xf32, #tpu.memory_space<vmem>>) target(%dma_start3A_44 : memref<128x128xf32, #tpu.memory_space<vmem_shared>>) target_semaphore(%run_scoped3A : memref<!tpu.dma_semaphore, #tpu.memory_space<semaphore_mem>>)
      %dma_wait3A = arith.constant 0 : i32
      %dma_wait3A_45 = tpu.memref_slice %arg10[%add3A_7, %dma_wait3A] : memref<10112x128xf32, #tpu.memory_space<vmem_shared>> -> memref<128x128xf32, #tpu.memory_space<vmem_shared>>
      %dma_wait3A_46 = arith.constant 0 : i32
      %dma_wait3A_47 = tpu.memref_slice %arg10[%add3A_7, %dma_wait3A_46] : memref<10112x128xf32, #tpu.memory_space<vmem_shared>> -> memref<128x128xf32, #tpu.memory_space<vmem_shared>>
      tpu.wait_dma2 semaphore(%run_scoped3A : memref<!tpu.dma_semaphore, #tpu.memory_space<semaphore_mem>>) src(%arg9 : memref<128x128xf32, #tpu.memory_space<vmem>>) dst(%dma_wait3A_47 : memref<128x128xf32, #tpu.memory_space<vmem_shared>>)
      tpu.yield
    }) : () -> ()
    %add3A_8 = arith.constant 512 : i32
    %add3A_9 = arith.addi %mul3A_0, %add3A_8 : i32
    "tpu.region"() ({
      %run_scoped3A = tpu.sem_alloc : memref<!tpu.dma_semaphore, #tpu.memory_space<semaphore_mem>>
      %dma_start3A = arith.constant 0 : i32
      %dma_start3A_42 = arith.constant 0 : i32
      %dma_start3A_43 = tpu.memref_slice %arg9[%dma_start3A, %dma_start3A_42] : memref<128x128xf32, #tpu.memory_space<vmem>> -> memref<120x128xf32, #tpu.memory_space<vmem>>
      %dma_start3A_44 = arith.constant 0 : i32
      %dma_start3A_45 = tpu.memref_slice %arg10[%add3A_9, %dma_start3A_44] : memref<10112x128xf32, #tpu.memory_space<vmem_shared>> -> memref<120x128xf32, #tpu.memory_space<vmem_shared>>
      %dma_start3A_46 = arith.constant 0 : i32
      %dma_start3A_47 = tpu.memref_slice %arg10[%add3A_9, %dma_start3A_46] : memref<10112x128xf32, #tpu.memory_space<vmem_shared>> -> memref<120x128xf32, #tpu.memory_space<vmem_shared>>
      %dma_start3A_48 = arith.constant 0 : i32
      %dma_start3A_49 = arith.constant 0 : i32
      %dma_start3A_50 = tpu.memref_slice %arg9[%dma_start3A_48, %dma_start3A_49] : memref<128x128xf32, #tpu.memory_space<vmem>> -> memref<120x128xf32, #tpu.memory_space<vmem>>
      tpu.enqueue_dma source(%dma_start3A_50 : memref<120x128xf32, #tpu.memory_space<vmem>>) target(%dma_start3A_47 : memref<120x128xf32, #tpu.memory_space<vmem_shared>>) target_semaphore(%run_scoped3A : memref<!tpu.dma_semaphore, #tpu.memory_space<semaphore_mem>>)
      %dma_wait3A = arith.constant 0 : i32
      %dma_wait3A_51 = arith.constant 0 : i32
      %dma_wait3A_52 = tpu.memref_slice %arg9[%dma_wait3A, %dma_wait3A_51] : memref<128x128xf32, #tpu.memory_space<vmem>> -> memref<120x128xf32, #tpu.memory_space<vmem>>
      %dma_wait3A_53 = arith.constant 0 : i32
      %dma_wait3A_54 = tpu.memref_slice %arg10[%add3A_9, %dma_wait3A_53] : memref<10112x128xf32, #tpu.memory_space<vmem_shared>> -> memref<120x128xf32, #tpu.memory_space<vmem_shared>>
      %dma_wait3A_55 = arith.constant 0 : i32
      %dma_wait3A_56 = tpu.memref_slice %arg10[%add3A_9, %dma_wait3A_55] : memref<10112x128xf32, #tpu.memory_space<vmem_shared>> -> memref<120x128xf32, #tpu.memory_space<vmem_shared>>
      %dma_wait3A_57 = arith.constant 0 : i32
      %dma_wait3A_58 = arith.constant 0 : i32
      %dma_wait3A_59 = tpu.memref_slice %arg9[%dma_wait3A_57, %dma_wait3A_58] : memref<128x128xf32, #tpu.memory_space<vmem>> -> memref<120x128xf32, #tpu.memory_space<vmem>>
      tpu.wait_dma2 semaphore(%run_scoped3A : memref<!tpu.dma_semaphore, #tpu.memory_space<semaphore_mem>>) src(%dma_wait3A_59 : memref<120x128xf32, #tpu.memory_space<vmem>>) dst(%dma_wait3A_56 : memref<120x128xf32, #tpu.memory_space<vmem_shared>>)
      tpu.yield
    }) : () -> ()
    %barrier3A = arith.constant 0 : index
    tpu.barrier barrier_id(%barrier3A)
    %eq3A = arith.constant 0 : i32
    %eq3A_10 = arith.cmpi eq, %arg0, %eq3A : i32
    %jit3A = arith.constant 103 : i32
    %jit3A_11 = arith.constant 54 : i32
    %select_n3A = arith.select %eq3A_10, %jit3A, %jit3A_11 : i32
    %while3A = arith.constant 0 : i32
    %while3A_12 = arith.constant 0 : i32
    %while3A_13 = arith.subi %select_n3A, %while3A_12 : i32
    %while3A_14 = arith.addi %while3A_12, %while3A_13 : i32
    %while3A_15 = arith.constant 1 : i32
    %while3A_16 = arith.divsi %while3A_13, %while3A_15 : i32
    %while3A_17 = arith.muli %while3A_16, %while3A_15 : i32
    %while3A_18 = arith.addi %while3A_12, %while3A_17 : i32
    %while3A_19 = arith.constant 1 : i32
    scf.for %while3A_42 = %while3A_12 to %while3A_18 step %while3A_19  : i32 {
      %dma_start3A = arith.constant 0 : i32
      %dma_start3A_43 = tpu.memref_slice %arg7[%while3A_42, %dma_start3A] : memref<103x128xi32, #tpu.memory_space<vmem>> -> memref<1x128xi32, #tpu.memory_space<vmem>>
      %dma_start3A_44 = tpu.memref_squeeze %dma_start3A_43 : memref<1x128xi32, #tpu.memory_space<vmem>> -> memref<128xi32, #tpu.memory_space<vmem>>
      %dma_start3A_45 = arith.constant 0 : i32
      %dma_start3A_46 = arith.constant 0 : i32
      %dma_start3A_47 = tpu.memref_slice %arg2[%dma_start3A_45, %dma_start3A_46] : memref<10000x128xf32, #tpu.memory_space<hbm>> -> memref<10000x128xf32, #tpu.memory_space<hbm>>
      tpu.enqueue_indirect_dma source(%dma_start3A_47 : memref<10000x128xf32, #tpu.memory_space<hbm>>) target(%arg9 : memref<128x128xf32, #tpu.memory_space<vmem>>) offsets(%dma_start3A_44 : memref<128xi32, #tpu.memory_space<vmem>>) semaphore(%arg11 : memref<!tpu.dma_semaphore, #tpu.memory_space<semaphore_mem>>)
      %dma_wait3A = arith.constant 0 : i32
      %dma_wait3A_48 = tpu.memref_slice %arg7[%while3A_42, %dma_wait3A] : memref<103x128xi32, #tpu.memory_space<vmem>> -> memref<1x128xi32, #tpu.memory_space<vmem>>
      %dma_wait3A_49 = tpu.memref_squeeze %dma_wait3A_48 : memref<1x128xi32, #tpu.memory_space<vmem>> -> memref<128xi32, #tpu.memory_space<vmem>>
      %dma_wait3A_50 = arith.constant 0 : i32
      %dma_wait3A_51 = arith.constant 0 : i32
      %dma_wait3A_52 = tpu.memref_slice %arg2[%dma_wait3A_50, %dma_wait3A_51] : memref<10000x128xf32, #tpu.memory_space<hbm>> -> memref<10000x128xf32, #tpu.memory_space<hbm>>
      tpu.wait_indirect_dma semaphore(%arg11 : memref<!tpu.dma_semaphore, #tpu.memory_space<semaphore_mem>>) src(%dma_wait3A_52 : memref<10000x128xf32, #tpu.memory_space<hbm>>) dst(%arg9 : memref<128x128xf32, #tpu.memory_space<vmem>>)
      "tpu.region"() ({
        %run_scoped3A = tpu.sem_alloc : memref<!tpu.dma_semaphore, #tpu.memory_space<semaphore_mem>>
        %dma_start3A_53 = arith.constant 0 : i32
        %dma_start3A_54 = tpu.memref_slice %arg8[%while3A_42, %dma_start3A_53] : memref<103x128xi32, #tpu.memory_space<vmem>> -> memref<1x128xi32, #tpu.memory_space<vmem>>
        %dma_start3A_55 = tpu.memref_squeeze %dma_start3A_54 : memref<1x128xi32, #tpu.memory_space<vmem>> -> memref<128xi32, #tpu.memory_space<vmem>>
        %dma_start3A_56 = arith.constant 0 : i32
        %dma_start3A_57 = arith.constant 0 : i32
        %dma_start3A_58 = tpu.memref_slice %arg10[%dma_start3A_56, %dma_start3A_57] : memref<10112x128xf32, #tpu.memory_space<vmem_shared>> -> memref<10112x128xf32, #tpu.memory_space<vmem_shared>>
        tpu.enqueue_indirect_dma source(%arg9 : memref<128x128xf32, #tpu.memory_space<vmem>>) target(%dma_start3A_58 : memref<10112x128xf32, #tpu.memory_space<vmem_shared>>) offsets(%dma_start3A_55 : memref<128xi32, #tpu.memory_space<vmem>>) semaphore(%run_scoped3A : memref<!tpu.dma_semaphore, #tpu.memory_space<semaphore_mem>>) {add = true}
        %dma_wait3A_59 = arith.constant 0 : i32
        %dma_wait3A_60 = tpu.memref_slice %arg8[%while3A_42, %dma_wait3A_59] : memref<103x128xi32, #tpu.memory_space<vmem>> -> memref<1x128xi32, #tpu.memory_space<vmem>>
        %dma_wait3A_61 = tpu.memref_squeeze %dma_wait3A_60 : memref<1x128xi32, #tpu.memory_space<vmem>> -> memref<128xi32, #tpu.memory_space<vmem>>
        %dma_wait3A_62 = arith.constant 0 : i32
        %dma_wait3A_63 = arith.constant 0 : i32
        %dma_wait3A_64 = tpu.memref_slice %arg10[%dma_wait3A_62, %dma_wait3A_63] : memref<10112x128xf32, #tpu.memory_space<vmem_shared>> -> memref<10112x128xf32, #tpu.memory_space<vmem_shared>>
        tpu.wait_indirect_dma semaphore(%run_scoped3A : memref<!tpu.dma_semaphore, #tpu.memory_space<semaphore_mem>>) src(%arg9 : memref<128x128xf32, #tpu.memory_space<vmem>>) dst(%dma_wait3A_64 : memref<10112x128xf32, #tpu.memory_space<vmem_shared>>)
        tpu.yield
      }) : () -> ()
    }
    %while3A_20 = arith.constant 1 : i32
    scf.for %while3A_42 = %while3A_18 to %while3A_14 step %while3A_20  : i32 {
      %dma_start3A = arith.constant 0 : i32
      %dma_start3A_43 = tpu.memref_slice %arg7[%while3A_42, %dma_start3A] : memref<103x128xi32, #tpu.memory_space<vmem>> -> memref<1x128xi32, #tpu.memory_space<vmem>>
      %dma_start3A_44 = tpu.memref_squeeze %dma_start3A_43 : memref<1x128xi32, #tpu.memory_space<vmem>> -> memref<128xi32, #tpu.memory_space<vmem>>
      %dma_start3A_45 = arith.constant 0 : i32
      %dma_start3A_46 = arith.constant 0 : i32
      %dma_start3A_47 = tpu.memref_slice %arg2[%dma_start3A_45, %dma_start3A_46] : memref<10000x128xf32, #tpu.memory_space<hbm>> -> memref<10000x128xf32, #tpu.memory_space<hbm>>
      tpu.enqueue_indirect_dma source(%dma_start3A_47 : memref<10000x128xf32, #tpu.memory_space<hbm>>) target(%arg9 : memref<128x128xf32, #tpu.memory_space<vmem>>) offsets(%dma_start3A_44 : memref<128xi32, #tpu.memory_space<vmem>>) semaphore(%arg11 : memref<!tpu.dma_semaphore, #tpu.memory_space<semaphore_mem>>)
      %dma_wait3A = arith.constant 0 : i32
      %dma_wait3A_48 = tpu.memref_slice %arg7[%while3A_42, %dma_wait3A] : memref<103x128xi32, #tpu.memory_space<vmem>> -> memref<1x128xi32, #tpu.memory_space<vmem>>
      %dma_wait3A_49 = tpu.memref_squeeze %dma_wait3A_48 : memref<1x128xi32, #tpu.memory_space<vmem>> -> memref<128xi32, #tpu.memory_space<vmem>>
      %dma_wait3A_50 = arith.constant 0 : i32
      %dma_wait3A_51 = arith.constant 0 : i32
      %dma_wait3A_52 = tpu.memref_slice %arg2[%dma_wait3A_50, %dma_wait3A_51] : memref<10000x128xf32, #tpu.memory_space<hbm>> -> memref<10000x128xf32, #tpu.memory_space<hbm>>
      tpu.wait_indirect_dma semaphore(%arg11 : memref<!tpu.dma_semaphore, #tpu.memory_space<semaphore_mem>>) src(%dma_wait3A_52 : memref<10000x128xf32, #tpu.memory_space<hbm>>) dst(%arg9 : memref<128x128xf32, #tpu.memory_space<vmem>>)
      "tpu.region"() ({
        %run_scoped3A = tpu.sem_alloc : memref<!tpu.dma_semaphore, #tpu.memory_space<semaphore_mem>>
        %dma_start3A_53 = arith.constant 0 : i32
        %dma_start3A_54 = tpu.memref_slice %arg8[%while3A_42, %dma_start3A_53] : memref<103x128xi32, #tpu.memory_space<vmem>> -> memref<1x128xi32, #tpu.memory_space<vmem>>
        %dma_start3A_55 = tpu.memref_squeeze %dma_start3A_54 : memref<1x128xi32, #tpu.memory_space<vmem>> -> memref<128xi32, #tpu.memory_space<vmem>>
        %dma_start3A_56 = arith.constant 0 : i32
        %dma_start3A_57 = arith.constant 0 : i32
        %dma_start3A_58 = tpu.memref_slice %arg10[%dma_start3A_56, %dma_start3A_57] : memref<10112x128xf32, #tpu.memory_space<vmem_shared>> -> memref<10112x128xf32, #tpu.memory_space<vmem_shared>>
        tpu.enqueue_indirect_dma source(%arg9 : memref<128x128xf32, #tpu.memory_space<vmem>>) target(%dma_start3A_58 : memref<10112x128xf32, #tpu.memory_space<vmem_shared>>) offsets(%dma_start3A_55 : memref<128xi32, #tpu.memory_space<vmem>>) semaphore(%run_scoped3A : memref<!tpu.dma_semaphore, #tpu.memory_space<semaphore_mem>>) {add = true}
        %dma_wait3A_59 = arith.constant 0 : i32
        %dma_wait3A_60 = tpu.memref_slice %arg8[%while3A_42, %dma_wait3A_59] : memref<103x128xi32, #tpu.memory_space<vmem>> -> memref<1x128xi32, #tpu.memory_space<vmem>>
        %dma_wait3A_61 = tpu.memref_squeeze %dma_wait3A_60 : memref<1x128xi32, #tpu.memory_space<vmem>> -> memref<128xi32, #tpu.memory_space<vmem>>
        %dma_wait3A_62 = arith.constant 0 : i32
        %dma_wait3A_63 = arith.constant 0 : i32
        %dma_wait3A_64 = tpu.memref_slice %arg10[%dma_wait3A_62, %dma_wait3A_63] : memref<10112x128xf32, #tpu.memory_space<vmem_shared>> -> memref<10112x128xf32, #tpu.memory_space<vmem_shared>>
        tpu.wait_indirect_dma semaphore(%run_scoped3A : memref<!tpu.dma_semaphore, #tpu.memory_space<semaphore_mem>>) src(%arg9 : memref<128x128xf32, #tpu.memory_space<vmem>>) dst(%dma_wait3A_64 : memref<10112x128xf32, #tpu.memory_space<vmem_shared>>)
        tpu.yield
      }) : () -> ()
    }
    %barrier3A_21 = arith.constant 0 : index
    tpu.barrier barrier_id(%barrier3A_21)
    %add3A_22 = arith.constant 0 : i32
    %add3A_23 = arith.addi %mul3A_0, %add3A_22 : i32
    "tpu.region"() ({
      %run_scoped3A = tpu.sem_alloc : memref<!tpu.dma_semaphore, #tpu.memory_space<semaphore_mem>>
      %dma_start3A = arith.constant 0 : i32
      %dma_start3A_42 = tpu.memref_slice %arg10[%add3A_23, %dma_start3A] : memref<10112x128xf32, #tpu.memory_space<vmem_shared>> -> memref<128x128xf32, #tpu.memory_space<vmem_shared>>
      %dma_start3A_43 = arith.constant 0 : i32
      %dma_start3A_44 = tpu.memref_slice %arg10[%add3A_23, %dma_start3A_43] : memref<10112x128xf32, #tpu.memory_space<vmem_shared>> -> memref<128x128xf32, #tpu.memory_space<vmem_shared>>
      tpu.enqueue_dma source(%dma_start3A_44 : memref<128x128xf32, #tpu.memory_space<vmem_shared>>) target(%arg9 : memref<128x128xf32, #tpu.memory_space<vmem>>) target_semaphore(%run_scoped3A : memref<!tpu.dma_semaphore, #tpu.memory_space<semaphore_mem>>)
      %dma_wait3A = arith.constant 0 : i32
      %dma_wait3A_45 = tpu.memref_slice %arg10[%add3A_23, %dma_wait3A] : memref<10112x128xf32, #tpu.memory_space<vmem_shared>> -> memref<128x128xf32, #tpu.memory_space<vmem_shared>>
      %dma_wait3A_46 = arith.constant 0 : i32
      %dma_wait3A_47 = tpu.memref_slice %arg10[%add3A_23, %dma_wait3A_46] : memref<10112x128xf32, #tpu.memory_space<vmem_shared>> -> memref<128x128xf32, #tpu.memory_space<vmem_shared>>
      tpu.wait_dma2 semaphore(%run_scoped3A : memref<!tpu.dma_semaphore, #tpu.memory_space<semaphore_mem>>) src(%dma_wait3A_47 : memref<128x128xf32, #tpu.memory_space<vmem_shared>>) dst(%arg9 : memref<128x128xf32, #tpu.memory_space<vmem>>)
      tpu.yield
    }) : () -> ()
    %add3A_24 = arith.constant 0 : i32
    %add3A_25 = arith.addi %mul3A_0, %add3A_24 : i32
    "tpu.region"() ({
      %run_scoped3A = tpu.sem_alloc : memref<!tpu.dma_semaphore, #tpu.memory_space<semaphore_mem>>
      %dma_start3A = arith.constant 0 : i32
      %dma_start3A_42 = tpu.memref_slice %arg6[%arg0, %add3A_25, %dma_start3A] : memref<2x10112x128xf32, #tpu.memory_space<hbm>> -> memref<1x128x128xf32, #tpu.memory_space<hbm>>
      %dma_start3A_43 = tpu.memref_squeeze %dma_start3A_42 : memref<1x128x128xf32, #tpu.memory_space<hbm>> -> memref<128x128xf32, #tpu.memory_space<hbm>>
      %dma_start3A_44 = arith.constant 0 : i32
      %dma_start3A_45 = tpu.memref_slice %arg6[%arg0, %add3A_25, %dma_start3A_44] : memref<2x10112x128xf32, #tpu.memory_space<hbm>> -> memref<1x128x128xf32, #tpu.memory_space<hbm>>
      %dma_start3A_46 = tpu.memref_squeeze %dma_start3A_45 : memref<1x128x128xf32, #tpu.memory_space<hbm>> -> memref<128x128xf32, #tpu.memory_space<hbm>>
      tpu.enqueue_dma source(%arg9 : memref<128x128xf32, #tpu.memory_space<vmem>>) target(%dma_start3A_46 : memref<128x128xf32, #tpu.memory_space<hbm>>) target_semaphore(%run_scoped3A : memref<!tpu.dma_semaphore, #tpu.memory_space<semaphore_mem>>)
      %dma_wait3A = arith.constant 0 : i32
      %dma_wait3A_47 = tpu.memref_slice %arg6[%arg0, %add3A_25, %dma_wait3A] : memref<2x10112x128xf32, #tpu.memory_space<hbm>> -> memref<1x128x128xf32, #tpu.memory_space<hbm>>
      %dma_wait3A_48 = tpu.memref_squeeze %dma_wait3A_47 : memref<1x128x128xf32, #tpu.memory_space<hbm>> -> memref<128x128xf32, #tpu.memory_space<hbm>>
      %dma_wait3A_49 = arith.constant 0 : i32
      %dma_wait3A_50 = tpu.memref_slice %arg6[%arg0, %add3A_25, %dma_wait3A_49] : memref<2x10112x128xf32, #tpu.memory_space<hbm>> -> memref<1x128x128xf32, #tpu.memory_space<hbm>>
      %dma_wait3A_51 = tpu.memref_squeeze %dma_wait3A_50 : memref<1x128x128xf32, #tpu.memory_space<hbm>> -> memref<128x128xf32, #tpu.memory_space<hbm>>
      tpu.wait_dma2 semaphore(%run_scoped3A : memref<!tpu.dma_semaphore, #tpu.memory_space<semaphore_mem>>) src(%arg9 : memref<128x128xf32, #tpu.memory_space<vmem>>) dst(%dma_wait3A_51 : memref<128x128xf32, #tpu.memory_space<hbm>>)
      tpu.yield
    }) : () -> ()
    %add3A_26 = arith.constant 128 : i32
    %add3A_27 = arith.addi %mul3A_0, %add3A_26 : i32
    "tpu.region"() ({
      %run_scoped3A = tpu.sem_alloc : memref<!tpu.dma_semaphore, #tpu.memory_space<semaphore_mem>>
      %dma_start3A = arith.constant 0 : i32
      %dma_start3A_42 = tpu.memref_slice %arg10[%add3A_27, %dma_start3A] : memref<10112x128xf32, #tpu.memory_space<vmem_shared>> -> memref<128x128xf32, #tpu.memory_space<vmem_shared>>
      %dma_start3A_43 = arith.constant 0 : i32
      %dma_start3A_44 = tpu.memref_slice %arg10[%add3A_27, %dma_start3A_43] : memref<10112x128xf32, #tpu.memory_space<vmem_shared>> -> memref<128x128xf32, #tpu.memory_space<vmem_shared>>
      tpu.enqueue_dma source(%dma_start3A_44 : memref<128x128xf32, #tpu.memory_space<vmem_shared>>) target(%arg9 : memref<128x128xf32, #tpu.memory_space<vmem>>) target_semaphore(%run_scoped3A : memref<!tpu.dma_semaphore, #tpu.memory_space<semaphore_mem>>)
      %dma_wait3A = arith.constant 0 : i32
      %dma_wait3A_45 = tpu.memref_slice %arg10[%add3A_27, %dma_wait3A] : memref<10112x128xf32, #tpu.memory_space<vmem_shared>> -> memref<128x128xf32, #tpu.memory_space<vmem_shared>>
      %dma_wait3A_46 = arith.constant 0 : i32
      %dma_wait3A_47 = tpu.memref_slice %arg10[%add3A_27, %dma_wait3A_46] : memref<10112x128xf32, #tpu.memory_space<vmem_shared>> -> memref<128x128xf32, #tpu.memory_space<vmem_shared>>
      tpu.wait_dma2 semaphore(%run_scoped3A : memref<!tpu.dma_semaphore, #tpu.memory_space<semaphore_mem>>) src(%dma_wait3A_47 : memref<128x128xf32, #tpu.memory_space<vmem_shared>>) dst(%arg9 : memref<128x128xf32, #tpu.memory_space<vmem>>)
      tpu.yield
    }) : () -> ()
    %add3A_28 = arith.constant 128 : i32
    %add3A_29 = arith.addi %mul3A_0, %add3A_28 : i32
    "tpu.region"() ({
      %run_scoped3A = tpu.sem_alloc : memref<!tpu.dma_semaphore, #tpu.memory_space<semaphore_mem>>
      %dma_start3A = arith.constant 0 : i32
      %dma_start3A_42 = tpu.memref_slice %arg6[%arg0, %add3A_29, %dma_start3A] : memref<2x10112x128xf32, #tpu.memory_space<hbm>> -> memref<1x128x128xf32, #tpu.memory_space<hbm>>
      %dma_start3A_43 = tpu.memref_squeeze %dma_start3A_42 : memref<1x128x128xf32, #tpu.memory_space<hbm>> -> memref<128x128xf32, #tpu.memory_space<hbm>>
      %dma_start3A_44 = arith.constant 0 : i32
      %dma_start3A_45 = tpu.memref_slice %arg6[%arg0, %add3A_29, %dma_start3A_44] : memref<2x10112x128xf32, #tpu.memory_space<hbm>> -> memref<1x128x128xf32, #tpu.memory_space<hbm>>
      %dma_start3A_46 = tpu.memref_squeeze %dma_start3A_45 : memref<1x128x128xf32, #tpu.memory_space<hbm>> -> memref<128x128xf32, #tpu.memory_space<hbm>>
      tpu.enqueue_dma source(%arg9 : memref<128x128xf32, #tpu.memory_space<vmem>>) target(%dma_start3A_46 : memref<128x128xf32, #tpu.memory_space<hbm>>) target_semaphore(%run_scoped3A : memref<!tpu.dma_semaphore, #tpu.memory_space<semaphore_mem>>)
      %dma_wait3A = arith.constant 0 : i32
      %dma_wait3A_47 = tpu.memref_slice %arg6[%arg0, %add3A_29, %dma_wait3A] : memref<2x10112x128xf32, #tpu.memory_space<hbm>> -> memref<1x128x128xf32, #tpu.memory_space<hbm>>
      %dma_wait3A_48 = tpu.memref_squeeze %dma_wait3A_47 : memref<1x128x128xf32, #tpu.memory_space<hbm>> -> memref<128x128xf32, #tpu.memory_space<hbm>>
      %dma_wait3A_49 = arith.constant 0 : i32
      %dma_wait3A_50 = tpu.memref_slice %arg6[%arg0, %add3A_29, %dma_wait3A_49] : memref<2x10112x128xf32, #tpu.memory_space<hbm>> -> memref<1x128x128xf32, #tpu.memory_space<hbm>>
      %dma_wait3A_51 = tpu.memref_squeeze %dma_wait3A_50 : memref<1x128x128xf32, #tpu.memory_space<hbm>> -> memref<128x128xf32, #tpu.memory_space<hbm>>
      tpu.wait_dma2 semaphore(%run_scoped3A : memref<!tpu.dma_semaphore, #tpu.memory_space<semaphore_mem>>) src(%arg9 : memref<128x128xf32, #tpu.memory_space<vmem>>) dst(%dma_wait3A_51 : memref<128x128xf32, #tpu.memory_space<hbm>>)
      tpu.yield
    }) : () -> ()
    %add3A_30 = arith.constant 256 : i32
    %add3A_31 = arith.addi %mul3A_0, %add3A_30 : i32
    "tpu.region"() ({
      %run_scoped3A = tpu.sem_alloc : memref<!tpu.dma_semaphore, #tpu.memory_space<semaphore_mem>>
      %dma_start3A = arith.constant 0 : i32
      %dma_start3A_42 = tpu.memref_slice %arg10[%add3A_31, %dma_start3A] : memref<10112x128xf32, #tpu.memory_space<vmem_shared>> -> memref<128x128xf32, #tpu.memory_space<vmem_shared>>
      %dma_start3A_43 = arith.constant 0 : i32
      %dma_start3A_44 = tpu.memref_slice %arg10[%add3A_31, %dma_start3A_43] : memref<10112x128xf32, #tpu.memory_space<vmem_shared>> -> memref<128x128xf32, #tpu.memory_space<vmem_shared>>
      tpu.enqueue_dma source(%dma_start3A_44 : memref<128x128xf32, #tpu.memory_space<vmem_shared>>) target(%arg9 : memref<128x128xf32, #tpu.memory_space<vmem>>) target_semaphore(%run_scoped3A : memref<!tpu.dma_semaphore, #tpu.memory_space<semaphore_mem>>)
      %dma_wait3A = arith.constant 0 : i32
      %dma_wait3A_45 = tpu.memref_slice %arg10[%add3A_31, %dma_wait3A] : memref<10112x128xf32, #tpu.memory_space<vmem_shared>> -> memref<128x128xf32, #tpu.memory_space<vmem_shared>>
      %dma_wait3A_46 = arith.constant 0 : i32
      %dma_wait3A_47 = tpu.memref_slice %arg10[%add3A_31, %dma_wait3A_46] : memref<10112x128xf32, #tpu.memory_space<vmem_shared>> -> memref<128x128xf32, #tpu.memory_space<vmem_shared>>
      tpu.wait_dma2 semaphore(%run_scoped3A : memref<!tpu.dma_semaphore, #tpu.memory_space<semaphore_mem>>) src(%dma_wait3A_47 : memref<128x128xf32, #tpu.memory_space<vmem_shared>>) dst(%arg9 : memref<128x128xf32, #tpu.memory_space<vmem>>)
      tpu.yield
    }) : () -> ()
    %add3A_32 = arith.constant 256 : i32
    %add3A_33 = arith.addi %mul3A_0, %add3A_32 : i32
    "tpu.region"() ({
      %run_scoped3A = tpu.sem_alloc : memref<!tpu.dma_semaphore, #tpu.memory_space<semaphore_mem>>
      %dma_start3A = arith.constant 0 : i32
      %dma_start3A_42 = tpu.memref_slice %arg6[%arg0, %add3A_33, %dma_start3A] : memref<2x10112x128xf32, #tpu.memory_space<hbm>> -> memref<1x128x128xf32, #tpu.memory_space<hbm>>
      %dma_start3A_43 = tpu.memref_squeeze %dma_start3A_42 : memref<1x128x128xf32, #tpu.memory_space<hbm>> -> memref<128x128xf32, #tpu.memory_space<hbm>>
      %dma_start3A_44 = arith.constant 0 : i32
      %dma_start3A_45 = tpu.memref_slice %arg6[%arg0, %add3A_33, %dma_start3A_44] : memref<2x10112x128xf32, #tpu.memory_space<hbm>> -> memref<1x128x128xf32, #tpu.memory_space<hbm>>
      %dma_start3A_46 = tpu.memref_squeeze %dma_start3A_45 : memref<1x128x128xf32, #tpu.memory_space<hbm>> -> memref<128x128xf32, #tpu.memory_space<hbm>>
      tpu.enqueue_dma source(%arg9 : memref<128x128xf32, #tpu.memory_space<vmem>>) target(%dma_start3A_46 : memref<128x128xf32, #tpu.memory_space<hbm>>) target_semaphore(%run_scoped3A : memref<!tpu.dma_semaphore, #tpu.memory_space<semaphore_mem>>)
      %dma_wait3A = arith.constant 0 : i32
      %dma_wait3A_47 = tpu.memref_slice %arg6[%arg0, %add3A_33, %dma_wait3A] : memref<2x10112x128xf32, #tpu.memory_space<hbm>> -> memref<1x128x128xf32, #tpu.memory_space<hbm>>
      %dma_wait3A_48 = tpu.memref_squeeze %dma_wait3A_47 : memref<1x128x128xf32, #tpu.memory_space<hbm>> -> memref<128x128xf32, #tpu.memory_space<hbm>>
      %dma_wait3A_49 = arith.constant 0 : i32
      %dma_wait3A_50 = tpu.memref_slice %arg6[%arg0, %add3A_33, %dma_wait3A_49] : memref<2x10112x128xf32, #tpu.memory_space<hbm>> -> memref<1x128x128xf32, #tpu.memory_space<hbm>>
      %dma_wait3A_51 = tpu.memref_squeeze %dma_wait3A_50 : memref<1x128x128xf32, #tpu.memory_space<hbm>> -> memref<128x128xf32, #tpu.memory_space<hbm>>
      tpu.wait_dma2 semaphore(%run_scoped3A : memref<!tpu.dma_semaphore, #tpu.memory_space<semaphore_mem>>) src(%arg9 : memref<128x128xf32, #tpu.memory_space<vmem>>) dst(%dma_wait3A_51 : memref<128x128xf32, #tpu.memory_space<hbm>>)
      tpu.yield
    }) : () -> ()
    %add3A_34 = arith.constant 384 : i32
    %add3A_35 = arith.addi %mul3A_0, %add3A_34 : i32
    "tpu.region"() ({
      %run_scoped3A = tpu.sem_alloc : memref<!tpu.dma_semaphore, #tpu.memory_space<semaphore_mem>>
      %dma_start3A = arith.constant 0 : i32
      %dma_start3A_42 = tpu.memref_slice %arg10[%add3A_35, %dma_start3A] : memref<10112x128xf32, #tpu.memory_space<vmem_shared>> -> memref<128x128xf32, #tpu.memory_space<vmem_shared>>
      %dma_start3A_43 = arith.constant 0 : i32
      %dma_start3A_44 = tpu.memref_slice %arg10[%add3A_35, %dma_start3A_43] : memref<10112x128xf32, #tpu.memory_space<vmem_shared>> -> memref<128x128xf32, #tpu.memory_space<vmem_shared>>
      tpu.enqueue_dma source(%dma_start3A_44 : memref<128x128xf32, #tpu.memory_space<vmem_shared>>) target(%arg9 : memref<128x128xf32, #tpu.memory_space<vmem>>) target_semaphore(%run_scoped3A : memref<!tpu.dma_semaphore, #tpu.memory_space<semaphore_mem>>)
      %dma_wait3A = arith.constant 0 : i32
      %dma_wait3A_45 = tpu.memref_slice %arg10[%add3A_35, %dma_wait3A] : memref<10112x128xf32, #tpu.memory_space<vmem_shared>> -> memref<128x128xf32, #tpu.memory_space<vmem_shared>>
      %dma_wait3A_46 = arith.constant 0 : i32
      %dma_wait3A_47 = tpu.memref_slice %arg10[%add3A_35, %dma_wait3A_46] : memref<10112x128xf32, #tpu.memory_space<vmem_shared>> -> memref<128x128xf32, #tpu.memory_space<vmem_shared>>
      tpu.wait_dma2 semaphore(%run_scoped3A : memref<!tpu.dma_semaphore, #tpu.memory_space<semaphore_mem>>) src(%dma_wait3A_47 : memref<128x128xf32, #tpu.memory_space<vmem_shared>>) dst(%arg9 : memref<128x128xf32, #tpu.memory_space<vmem>>)
      tpu.yield
    }) : () -> ()
    %add3A_36 = arith.constant 384 : i32
    %add3A_37 = arith.addi %mul3A_0, %add3A_36 : i32
    "tpu.region"() ({
      %run_scoped3A = tpu.sem_alloc : memref<!tpu.dma_semaphore, #tpu.memory_space<semaphore_mem>>
      %dma_start3A = arith.constant 0 : i32
      %dma_start3A_42 = tpu.memref_slice %arg6[%arg0, %add3A_37, %dma_start3A] : memref<2x10112x128xf32, #tpu.memory_space<hbm>> -> memref<1x128x128xf32, #tpu.memory_space<hbm>>
      %dma_start3A_43 = tpu.memref_squeeze %dma_start3A_42 : memref<1x128x128xf32, #tpu.memory_space<hbm>> -> memref<128x128xf32, #tpu.memory_space<hbm>>
      %dma_start3A_44 = arith.constant 0 : i32
      %dma_start3A_45 = tpu.memref_slice %arg6[%arg0, %add3A_37, %dma_start3A_44] : memref<2x10112x128xf32, #tpu.memory_space<hbm>> -> memref<1x128x128xf32, #tpu.memory_space<hbm>>
      %dma_start3A_46 = tpu.memref_squeeze %dma_start3A_45 : memref<1x128x128xf32, #tpu.memory_space<hbm>> -> memref<128x128xf32, #tpu.memory_space<hbm>>
      tpu.enqueue_dma source(%arg9 : memref<128x128xf32, #tpu.memory_space<vmem>>) target(%dma_start3A_46 : memref<128x128xf32, #tpu.memory_space<hbm>>) target_semaphore(%run_scoped3A : memref<!tpu.dma_semaphore, #tpu.memory_space<semaphore_mem>>)
      %dma_wait3A = arith.constant 0 : i32
      %dma_wait3A_47 = tpu.memref_slice %arg6[%arg0, %add3A_37, %dma_wait3A] : memref<2x10112x128xf32, #tpu.memory_space<hbm>> -> memref<1x128x128xf32, #tpu.memory_space<hbm>>
      %dma_wait3A_48 = tpu.memref_squeeze %dma_wait3A_47 : memref<1x128x128xf32, #tpu.memory_space<hbm>> -> memref<128x128xf32, #tpu.memory_space<hbm>>
      %dma_wait3A_49 = arith.constant 0 : i32
      %dma_wait3A_50 = tpu.memref_slice %arg6[%arg0, %add3A_37, %dma_wait3A_49] : memref<2x10112x128xf32, #tpu.memory_space<hbm>> -> memref<1x128x128xf32, #tpu.memory_space<hbm>>
      %dma_wait3A_51 = tpu.memref_squeeze %dma_wait3A_50 : memref<1x128x128xf32, #tpu.memory_space<hbm>> -> memref<128x128xf32, #tpu.memory_space<hbm>>
      tpu.wait_dma2 semaphore(%run_scoped3A : memref<!tpu.dma_semaphore, #tpu.memory_space<semaphore_mem>>) src(%arg9 : memref<128x128xf32, #tpu.memory_space<vmem>>) dst(%dma_wait3A_51 : memref<128x128xf32, #tpu.memory_space<hbm>>)
      tpu.yield
    }) : () -> ()
    %add3A_38 = arith.constant 512 : i32
    %add3A_39 = arith.addi %mul3A_0, %add3A_38 : i32
    "tpu.region"() ({
      %run_scoped3A = tpu.sem_alloc : memref<!tpu.dma_semaphore, #tpu.memory_space<semaphore_mem>>
      %dma_start3A = arith.constant 0 : i32
      %dma_start3A_42 = arith.constant 0 : i32
      %dma_start3A_43 = tpu.memref_slice %arg9[%dma_start3A, %dma_start3A_42] : memref<128x128xf32, #tpu.memory_space<vmem>> -> memref<120x128xf32, #tpu.memory_space<vmem>>
      %dma_start3A_44 = arith.constant 0 : i32
      %dma_start3A_45 = tpu.memref_slice %arg10[%add3A_39, %dma_start3A_44] : memref<10112x128xf32, #tpu.memory_space<vmem_shared>> -> memref<120x128xf32, #tpu.memory_space<vmem_shared>>
      %dma_start3A_46 = arith.constant 0 : i32
      %dma_start3A_47 = arith.constant 0 : i32
      %dma_start3A_48 = tpu.memref_slice %arg9[%dma_start3A_46, %dma_start3A_47] : memref<128x128xf32, #tpu.memory_space<vmem>> -> memref<120x128xf32, #tpu.memory_space<vmem>>
      %dma_start3A_49 = arith.constant 0 : i32
      %dma_start3A_50 = tpu.memref_slice %arg10[%add3A_39, %dma_start3A_49] : memref<10112x128xf32, #tpu.memory_space<vmem_shared>> -> memref<120x128xf32, #tpu.memory_space<vmem_shared>>
      tpu.enqueue_dma source(%dma_start3A_50 : memref<120x128xf32, #tpu.memory_space<vmem_shared>>) target(%dma_start3A_48 : memref<120x128xf32, #tpu.memory_space<vmem>>) target_semaphore(%run_scoped3A : memref<!tpu.dma_semaphore, #tpu.memory_space<semaphore_mem>>)
      %dma_wait3A = arith.constant 0 : i32
      %dma_wait3A_51 = arith.constant 0 : i32
      %dma_wait3A_52 = tpu.memref_slice %arg9[%dma_wait3A, %dma_wait3A_51] : memref<128x128xf32, #tpu.memory_space<vmem>> -> memref<120x128xf32, #tpu.memory_space<vmem>>
      %dma_wait3A_53 = arith.constant 0 : i32
      %dma_wait3A_54 = tpu.memref_slice %arg10[%add3A_39, %dma_wait3A_53] : memref<10112x128xf32, #tpu.memory_space<vmem_shared>> -> memref<120x128xf32, #tpu.memory_space<vmem_shared>>
      %dma_wait3A_55 = arith.constant 0 : i32
      %dma_wait3A_56 = arith.constant 0 : i32
      %dma_wait3A_57 = tpu.memref_slice %arg9[%dma_wait3A_55, %dma_wait3A_56] : memref<128x128xf32, #tpu.memory_space<vmem>> -> memref<120x128xf32, #tpu.memory_space<vmem>>
      %dma_wait3A_58 = arith.constant 0 : i32
      %dma_wait3A_59 = tpu.memref_slice %arg10[%add3A_39, %dma_wait3A_58] : memref<10112x128xf32, #tpu.memory_space<vmem_shared>> -> memref<120x128xf32, #tpu.memory_space<vmem_shared>>
      tpu.wait_dma2 semaphore(%run_scoped3A : memref<!tpu.dma_semaphore, #tpu.memory_space<semaphore_mem>>) src(%dma_wait3A_59 : memref<120x128xf32, #tpu.memory_space<vmem_shared>>) dst(%dma_wait3A_57 : memref<120x128xf32, #tpu.memory_space<vmem>>)
      tpu.yield
    }) : () -> ()
    %add3A_40 = arith.constant 512 : i32
    %add3A_41 = arith.addi %mul3A_0, %add3A_40 : i32
    "tpu.region"() ({
      %run_scoped3A = tpu.sem_alloc : memref<!tpu.dma_semaphore, #tpu.memory_space<semaphore_mem>>
      %dma_start3A = arith.constant 0 : i32
      %dma_start3A_42 = arith.constant 0 : i32
      %dma_start3A_43 = tpu.memref_slice %arg9[%dma_start3A, %dma_start3A_42] : memref<128x128xf32, #tpu.memory_space<vmem>> -> memref<120x128xf32, #tpu.memory_space<vmem>>
      %dma_start3A_44 = arith.constant 0 : i32
      %dma_start3A_45 = tpu.memref_slice %arg6[%arg0, %add3A_41, %dma_start3A_44] : memref<2x10112x128xf32, #tpu.memory_space<hbm>> -> memref<1x120x128xf32, #tpu.memory_space<hbm>>
      %dma_start3A_46 = tpu.memref_squeeze %dma_start3A_45 : memref<1x120x128xf32, #tpu.memory_space<hbm>> -> memref<120x128xf32, #tpu.memory_space<hbm>>
      %dma_start3A_47 = arith.constant 0 : i32
      %dma_start3A_48 = tpu.memref_slice %arg6[%arg0, %add3A_41, %dma_start3A_47] : memref<2x10112x128xf32, #tpu.memory_space<hbm>> -> memref<1x120x128xf32, #tpu.memory_space<hbm>>
      %dma_start3A_49 = tpu.memref_squeeze %dma_start3A_48 : memref<1x120x128xf32, #tpu.memory_space<hbm>> -> memref<120x128xf32, #tpu.memory_space<hbm>>
      %dma_start3A_50 = arith.constant 0 : i32
      %dma_start3A_51 = arith.constant 0 : i32
      %dma_start3A_52 = tpu.memref_slice %arg9[%dma_start3A_50, %dma_start3A_51] : memref<128x128xf32, #tpu.memory_space<vmem>> -> memref<120x128xf32, #tpu.memory_space<vmem>>
      tpu.enqueue_dma source(%dma_start3A_52 : memref<120x128xf32, #tpu.memory_space<vmem>>) target(%dma_start3A_49 : memref<120x128xf32, #tpu.memory_space<hbm>>) target_semaphore(%run_scoped3A : memref<!tpu.dma_semaphore, #tpu.memory_space<semaphore_mem>>)
      %dma_wait3A = arith.constant 0 : i32
      %dma_wait3A_53 = arith.constant 0 : i32
      %dma_wait3A_54 = tpu.memref_slice %arg9[%dma_wait3A, %dma_wait3A_53] : memref<128x128xf32, #tpu.memory_space<vmem>> -> memref<120x128xf32, #tpu.memory_space<vmem>>
      %dma_wait3A_55 = arith.constant 0 : i32
      %dma_wait3A_56 = tpu.memref_slice %arg6[%arg0, %add3A_41, %dma_wait3A_55] : memref<2x10112x128xf32, #tpu.memory_space<hbm>> -> memref<1x120x128xf32, #tpu.memory_space<hbm>>
      %dma_wait3A_57 = tpu.memref_squeeze %dma_wait3A_56 : memref<1x120x128xf32, #tpu.memory_space<hbm>> -> memref<120x128xf32, #tpu.memory_space<hbm>>
      %dma_wait3A_58 = arith.constant 0 : i32
      %dma_wait3A_59 = tpu.memref_slice %arg6[%arg0, %add3A_41, %dma_wait3A_58] : memref<2x10112x128xf32, #tpu.memory_space<hbm>> -> memref<1x120x128xf32, #tpu.memory_space<hbm>>
      %dma_wait3A_60 = tpu.memref_squeeze %dma_wait3A_59 : memref<1x120x128xf32, #tpu.memory_space<hbm>> -> memref<120x128xf32, #tpu.memory_space<hbm>>
      %dma_wait3A_61 = arith.constant 0 : i32
      %dma_wait3A_62 = arith.constant 0 : i32
      %dma_wait3A_63 = tpu.memref_slice %arg9[%dma_wait3A_61, %dma_wait3A_62] : memref<128x128xf32, #tpu.memory_space<vmem>> -> memref<120x128xf32, #tpu.memory_space<vmem>>
      tpu.wait_dma2 semaphore(%run_scoped3A : memref<!tpu.dma_semaphore, #tpu.memory_space<semaphore_mem>>) src(%dma_wait3A_63 : memref<120x128xf32, #tpu.memory_space<vmem>>) dst(%dma_wait3A_60 : memref<120x128xf32, #tpu.memory_space<hbm>>)
      tpu.yield
    }) : () -> ()
    return
  }
}

#map = affine_map<(d0, d1) -> (0, 0)>
#map1 = affine_map<(d0, d1) -> (0, 0, 0, 0)>
#map2 = affine_map<(d0, d1) -> (0, 0, 0)>
module attributes {stable_mosaic.version = 14 : i64} {
  func.func @_spmm(%arg0: i32, %arg1: i32, %arg2: memref<10000x128xf32, #tpu.memory_space<hbm>>, %arg3: memref<2x16x103x128xi32, #tpu.memory_space<hbm>>, %arg4: memref<2x16x103x128xi32, #tpu.memory_space<hbm>>, %arg5: memref<128x128xf32, #tpu.memory_space<hbm>>, %arg6: memref<2x10112x128xf32, #tpu.memory_space<hbm>>, %arg7: memref<103x128xi32, #tpu.memory_space<vmem>>, %arg8: memref<103x128xi32, #tpu.memory_space<vmem>>, %arg9: memref<128x128xf32, #tpu.memory_space<vmem>>, %arg10: memref<10112x128xf32, #tpu.memory_space<vmem_shared>>, %arg11: memref<!tpu.dma_semaphore, #tpu.memory_space<semaphore_mem>>) attributes {dimension_semantics = [#tpu.dimension_semantics<core_parallel>, #tpu.dimension_semantics<subcore_parallel>], iteration_bounds = array<i64: 2, 16>, scalar_prefetch = 0 : i64, scratch_operands = 5 : i64, tpu.core_type = #tpu.core_type<sc_vector_subcore>, window_params = [{transform_indices = #map}, {transform_indices = #map1}, {transform_indices = #map1}, {transform_indices = #map}, {transform_indices = #map2}]} {
    "tpu.region"() ({
      %run_scoped3A = tpu.sem_alloc : memref<!tpu.dma_semaphore, #tpu.memory_space<semaphore_mem>>
      %dma_start3A = arith.constant 0 : i32
      %dma_start3A_42 = arith.constant 0 : i32
      %dma_start3A_43 = tpu.memref_slice %arg3[%arg0, %arg1, %dma_start3A, %dma_start3A_42] : memref<2x16x103x128xi32, #tpu.memory_space<hbm>> -> memref<1x1x103x128xi32, #tpu.memory_space<hbm>>
      %dma_start3A_44 = tpu.memref_squeeze %dma_start3A_43 : memref<1x1x103x128xi32, #tpu.memory_space<hbm>> -> memref<103x128xi32, #tpu.memory_space<hbm>>
      %dma_start3A_45 = arith.constant 0 : i32
      %dma_start3A_46 = arith.constant 0 : i32
      %dma_start3A_47 = tpu.memref_slice %arg3[%arg0, %arg1, %dma_start3A_45, %dma_start3A_46] : memref<2x16x103x128xi32, #tpu.memory_space<hbm>> -> memref<1x1x103x128xi32, #tpu.memory_space<hbm>>
      %dma_start3A_48 = tpu.memref_squeeze %dma_start3A_47 : memref<1x1x103x128xi32, #tpu.memory_space<hbm>> -> memref<103x128xi32, #tpu.memory_space<hbm>>
      tpu.enqueue_dma source(%dma_start3A_48 : memref<103x128xi32, #tpu.memory_space<hbm>>) target(%arg7 : memref<103x128xi32, #tpu.memory_space<vmem>>) target_semaphore(%run_scoped3A : memref<!tpu.dma_semaphore, #tpu.memory_space<semaphore_mem>>)
      %dma_wait3A = arith.constant 0 : i32
      %dma_wait3A_49 = arith.constant 0 : i32
      %dma_wait3A_50 = tpu.memref_slice %arg3[%arg0, %arg1, %dma_wait3A, %dma_wait3A_49] : memref<2x16x103x128xi32, #tpu.memory_space<hbm>> -> memref<1x1x103x128xi32, #tpu.memory_space<hbm>>
      %dma_wait3A_51 = tpu.memref_squeeze %dma_wait3A_50 : memref<1x1x103x128xi32, #tpu.memory_space<hbm>> -> memref<103x128xi32, #tpu.memory_space<hbm>>
      %dma_wait3A_52 = arith.constant 0 : i32
      %dma_wait3A_53 = arith.constant 0 : i32
      %dma_wait3A_54 = tpu.memref_slice %arg3[%arg0, %arg1, %dma_wait3A_52, %dma_wait3A_53] : memref<2x16x103x128xi32, #tpu.memory_space<hbm>> -> memref<1x1x103x128xi32, #tpu.memory_space<hbm>>
      %dma_wait3A_55 = tpu.memref_squeeze %dma_wait3A_54 : memref<1x1x103x128xi32, #tpu.memory_space<hbm>> -> memref<103x128xi32, #tpu.memory_space<hbm>>
      tpu.wait_dma2 semaphore(%run_scoped3A : memref<!tpu.dma_semaphore, #tpu.memory_space<semaphore_mem>>) src(%dma_wait3A_55 : memref<103x128xi32, #tpu.memory_space<hbm>>) dst(%arg7 : memref<103x128xi32, #tpu.memory_space<vmem>>)
      tpu.yield
    }) : () -> ()
    "tpu.region"() ({
      %run_scoped3A = tpu.sem_alloc : memref<!tpu.dma_semaphore, #tpu.memory_space<semaphore_mem>>
      %dma_start3A = arith.constant 0 : i32
      %dma_start3A_42 = arith.constant 0 : i32
      %dma_start3A_43 = tpu.memref_slice %arg4[%arg0, %arg1, %dma_start3A, %dma_start3A_42] : memref<2x16x103x128xi32, #tpu.memory_space<hbm>> -> memref<1x1x103x128xi32, #tpu.memory_space<hbm>>
      %dma_start3A_44 = tpu.memref_squeeze %dma_start3A_43 : memref<1x1x103x128xi32, #tpu.memory_space<hbm>> -> memref<103x128xi32, #tpu.memory_space<hbm>>
      %dma_start3A_45 = arith.constant 0 : i32
      %dma_start3A_46 = arith.constant 0 : i32
      %dma_start3A_47 = tpu.memref_slice %arg4[%arg0, %arg1, %dma_start3A_45, %dma_start3A_46] : memref<2x16x103x128xi32, #tpu.memory_space<hbm>> -> memref<1x1x103x128xi32, #tpu.memory_space<hbm>>
      %dma_start3A_48 = tpu.memref_squeeze %dma_start3A_47 : memref<1x1x103x128xi32, #tpu.memory_space<hbm>> -> memref<103x128xi32, #tpu.memory_space<hbm>>
      tpu.enqueue_dma source(%dma_start3A_48 : memref<103x128xi32, #tpu.memory_space<hbm>>) target(%arg8 : memref<103x128xi32, #tpu.memory_space<vmem>>) target_semaphore(%run_scoped3A : memref<!tpu.dma_semaphore, #tpu.memory_space<semaphore_mem>>)
      %dma_wait3A = arith.constant 0 : i32
      %dma_wait3A_49 = arith.constant 0 : i32
      %dma_wait3A_50 = tpu.memref_slice %arg4[%arg0, %arg1, %dma_wait3A, %dma_wait3A_49] : memref<2x16x103x128xi32, #tpu.memory_space<hbm>> -> memref<1x1x103x128xi32, #tpu.memory_space<hbm>>
      %dma_wait3A_51 = tpu.memref_squeeze %dma_wait3A_50 : memref<1x1x103x128xi32, #tpu.memory_space<hbm>> -> memref<103x128xi32, #tpu.memory_space<hbm>>
      %dma_wait3A_52 = arith.constant 0 : i32
      %dma_wait3A_53 = arith.constant 0 : i32
      %dma_wait3A_54 = tpu.memref_slice %arg4[%arg0, %arg1, %dma_wait3A_52, %dma_wait3A_53] : memref<2x16x103x128xi32, #tpu.memory_space<hbm>> -> memref<1x1x103x128xi32, #tpu.memory_space<hbm>>
      %dma_wait3A_55 = tpu.memref_squeeze %dma_wait3A_54 : memref<1x1x103x128xi32, #tpu.memory_space<hbm>> -> memref<103x128xi32, #tpu.memory_space<hbm>>
      tpu.wait_dma2 semaphore(%run_scoped3A : memref<!tpu.dma_semaphore, #tpu.memory_space<semaphore_mem>>) src(%dma_wait3A_55 : memref<103x128xi32, #tpu.memory_space<hbm>>) dst(%arg8 : memref<103x128xi32, #tpu.memory_space<vmem>>)
      tpu.yield
    }) : () -> ()
    "tpu.region"() ({
      %run_scoped3A = tpu.sem_alloc : memref<!tpu.dma_semaphore, #tpu.memory_space<semaphore_mem>>
      tpu.enqueue_dma source(%arg5 : memref<128x128xf32, #tpu.memory_space<hbm>>) target(%arg9 : memref<128x128xf32, #tpu.memory_space<vmem>>) target_semaphore(%run_scoped3A : memref<!tpu.dma_semaphore, #tpu.memory_space<semaphore_mem>>)
      tpu.wait_dma2 semaphore(%run_scoped3A : memref<!tpu.dma_semaphore, #tpu.memory_space<semaphore_mem>>) src(%arg5 : memref<128x128xf32, #tpu.memory_space<hbm>>) dst(%arg9 : memref<128x128xf32, #tpu.memory_space<vmem>>)
      tpu.yield
    }) : () -> ()
    %mul3A = arith.constant 632 : i32
    %mul3A_0 = arith.muli %arg1, %mul3A : i32
    %add3A = arith.constant 0 : i32
    %add3A_1 = arith.addi %mul3A_0, %add3A : i32
    "tpu.region"() ({
      %run_scoped3A = tpu.sem_alloc : memref<!tpu.dma_semaphore, #tpu.memory_space<semaphore_mem>>
      %dma_start3A = arith.constant 0 : i32
      %dma_start3A_42 = tpu.memref_slice %arg10[%add3A_1, %dma_start3A] : memref<10112x128xf32, #tpu.memory_space<vmem_shared>> -> memref<128x128xf32, #tpu.memory_space<vmem_shared>>
      %dma_start3A_43 = arith.constant 0 : i32
      %dma_start3A_44 = tpu.memref_slice %arg10[%add3A_1, %dma_start3A_43] : memref<10112x128xf32, #tpu.memory_space<vmem_shared>> -> memref<128x128xf32, #tpu.memory_space<vmem_shared>>
      tpu.enqueue_dma source(%arg9 : memref<128x128xf32, #tpu.memory_space<vmem>>) target(%dma_start3A_44 : memref<128x128xf32, #tpu.memory_space<vmem_shared>>) target_semaphore(%run_scoped3A : memref<!tpu.dma_semaphore, #tpu.memory_space<semaphore_mem>>)
      %dma_wait3A = arith.constant 0 : i32
      %dma_wait3A_45 = tpu.memref_slice %arg10[%add3A_1, %dma_wait3A] : memref<10112x128xf32, #tpu.memory_space<vmem_shared>> -> memref<128x128xf32, #tpu.memory_space<vmem_shared>>
      %dma_wait3A_46 = arith.constant 0 : i32
      %dma_wait3A_47 = tpu.memref_slice %arg10[%add3A_1, %dma_wait3A_46] : memref<10112x128xf32, #tpu.memory_space<vmem_shared>> -> memref<128x128xf32, #tpu.memory_space<vmem_shared>>
      tpu.wait_dma2 semaphore(%run_scoped3A : memref<!tpu.dma_semaphore, #tpu.memory_space<semaphore_mem>>) src(%arg9 : memref<128x128xf32, #tpu.memory_space<vmem>>) dst(%dma_wait3A_47 : memref<128x128xf32, #tpu.memory_space<vmem_shared>>)
      tpu.yield
    }) : () -> ()
    %add3A_2 = arith.constant 128 : i32
    %add3A_3 = arith.addi %mul3A_0, %add3A_2 : i32
    "tpu.region"() ({
      %run_scoped3A = tpu.sem_alloc : memref<!tpu.dma_semaphore, #tpu.memory_space<semaphore_mem>>
      %dma_start3A = arith.constant 0 : i32
      %dma_start3A_42 = tpu.memref_slice %arg10[%add3A_3, %dma_start3A] : memref<10112x128xf32, #tpu.memory_space<vmem_shared>> -> memref<128x128xf32, #tpu.memory_space<vmem_shared>>
      %dma_start3A_43 = arith.constant 0 : i32
      %dma_start3A_44 = tpu.memref_slice %arg10[%add3A_3, %dma_start3A_43] : memref<10112x128xf32, #tpu.memory_space<vmem_shared>> -> memref<128x128xf32, #tpu.memory_space<vmem_shared>>
      tpu.enqueue_dma source(%arg9 : memref<128x128xf32, #tpu.memory_space<vmem>>) target(%dma_start3A_44 : memref<128x128xf32, #tpu.memory_space<vmem_shared>>) target_semaphore(%run_scoped3A : memref<!tpu.dma_semaphore, #tpu.memory_space<semaphore_mem>>)
      %dma_wait3A = arith.constant 0 : i32
      %dma_wait3A_45 = tpu.memref_slice %arg10[%add3A_3, %dma_wait3A] : memref<10112x128xf32, #tpu.memory_space<vmem_shared>> -> memref<128x128xf32, #tpu.memory_space<vmem_shared>>
      %dma_wait3A_46 = arith.constant 0 : i32
      %dma_wait3A_47 = tpu.memref_slice %arg10[%add3A_3, %dma_wait3A_46] : memref<10112x128xf32, #tpu.memory_space<vmem_shared>> -> memref<128x128xf32, #tpu.memory_space<vmem_shared>>
      tpu.wait_dma2 semaphore(%run_scoped3A : memref<!tpu.dma_semaphore, #tpu.memory_space<semaphore_mem>>) src(%arg9 : memref<128x128xf32, #tpu.memory_space<vmem>>) dst(%dma_wait3A_47 : memref<128x128xf32, #tpu.memory_space<vmem_shared>>)
      tpu.yield
    }) : () -> ()
    %add3A_4 = arith.constant 256 : i32
    %add3A_5 = arith.addi %mul3A_0, %add3A_4 : i32
    "tpu.region"() ({
      %run_scoped3A = tpu.sem_alloc : memref<!tpu.dma_semaphore, #tpu.memory_space<semaphore_mem>>
      %dma_start3A = arith.constant 0 : i32
      %dma_start3A_42 = tpu.memref_slice %arg10[%add3A_5, %dma_start3A] : memref<10112x128xf32, #tpu.memory_space<vmem_shared>> -> memref<128x128xf32, #tpu.memory_space<vmem_shared>>
      %dma_start3A_43 = arith.constant 0 : i32
      %dma_start3A_44 = tpu.memref_slice %arg10[%add3A_5, %dma_start3A_43] : memref<10112x128xf32, #tpu.memory_space<vmem_shared>> -> memref<128x128xf32, #tpu.memory_space<vmem_shared>>
      tpu.enqueue_dma source(%arg9 : memref<128x128xf32, #tpu.memory_space<vmem>>) target(%dma_start3A_44 : memref<128x128xf32, #tpu.memory_space<vmem_shared>>) target_semaphore(%run_scoped3A : memref<!tpu.dma_semaphore, #tpu.memory_space<semaphore_mem>>)
      %dma_wait3A = arith.constant 0 : i32
      %dma_wait3A_45 = tpu.memref_slice %arg10[%add3A_5, %dma_wait3A] : memref<10112x128xf32, #tpu.memory_space<vmem_shared>> -> memref<128x128xf32, #tpu.memory_space<vmem_shared>>
      %dma_wait3A_46 = arith.constant 0 : i32
      %dma_wait3A_47 = tpu.memref_slice %arg10[%add3A_5, %dma_wait3A_46] : memref<10112x128xf32, #tpu.memory_space<vmem_shared>> -> memref<128x128xf32, #tpu.memory_space<vmem_shared>>
      tpu.wait_dma2 semaphore(%run_scoped3A : memref<!tpu.dma_semaphore, #tpu.memory_space<semaphore_mem>>) src(%arg9 : memref<128x128xf32, #tpu.memory_space<vmem>>) dst(%dma_wait3A_47 : memref<128x128xf32, #tpu.memory_space<vmem_shared>>)
      tpu.yield
    }) : () -> ()
    %add3A_6 = arith.constant 384 : i32
    %add3A_7 = arith.addi %mul3A_0, %add3A_6 : i32
    "tpu.region"() ({
      %run_scoped3A = tpu.sem_alloc : memref<!tpu.dma_semaphore, #tpu.memory_space<semaphore_mem>>
      %dma_start3A = arith.constant 0 : i32
      %dma_start3A_42 = tpu.memref_slice %arg10[%add3A_7, %dma_start3A] : memref<10112x128xf32, #tpu.memory_space<vmem_shared>> -> memref<128x128xf32, #tpu.memory_space<vmem_shared>>
      %dma_start3A_43 = arith.constant 0 : i32
      %dma_start3A_44 = tpu.memref_slice %arg10[%add3A_7, %dma_start3A_43] : memref<10112x128xf32, #tpu.memory_space<vmem_shared>> -> memref<128x128xf32, #tpu.memory_space<vmem_shared>>
      tpu.enqueue_dma source(%arg9 : memref<128x128xf32, #tpu.memory_space<vmem>>) target(%dma_start3A_44 : memref<128x128xf32, #tpu.memory_space<vmem_shared>>) target_semaphore(%run_scoped3A : memref<!tpu.dma_semaphore, #tpu.memory_space<semaphore_mem>>)
      %dma_wait3A = arith.constant 0 : i32
      %dma_wait3A_45 = tpu.memref_slice %arg10[%add3A_7, %dma_wait3A] : memref<10112x128xf32, #tpu.memory_space<vmem_shared>> -> memref<128x128xf32, #tpu.memory_space<vmem_shared>>
      %dma_wait3A_46 = arith.constant 0 : i32
      %dma_wait3A_47 = tpu.memref_slice %arg10[%add3A_7, %dma_wait3A_46] : memref<10112x128xf32, #tpu.memory_space<vmem_shared>> -> memref<128x128xf32, #tpu.memory_space<vmem_shared>>
      tpu.wait_dma2 semaphore(%run_scoped3A : memref<!tpu.dma_semaphore, #tpu.memory_space<semaphore_mem>>) src(%arg9 : memref<128x128xf32, #tpu.memory_space<vmem>>) dst(%dma_wait3A_47 : memref<128x128xf32, #tpu.memory_space<vmem_shared>>)
      tpu.yield
    }) : () -> ()
    %add3A_8 = arith.constant 512 : i32
    %add3A_9 = arith.addi %mul3A_0, %add3A_8 : i32
    "tpu.region"() ({
      %run_scoped3A = tpu.sem_alloc : memref<!tpu.dma_semaphore, #tpu.memory_space<semaphore_mem>>
      %dma_start3A = arith.constant 0 : i32
      %dma_start3A_42 = arith.constant 0 : i32
      %dma_start3A_43 = tpu.memref_slice %arg9[%dma_start3A, %dma_start3A_42] : memref<128x128xf32, #tpu.memory_space<vmem>> -> memref<120x128xf32, #tpu.memory_space<vmem>>
      %dma_start3A_44 = arith.constant 0 : i32
      %dma_start3A_45 = tpu.memref_slice %arg10[%add3A_9, %dma_start3A_44] : memref<10112x128xf32, #tpu.memory_space<vmem_shared>> -> memref<120x128xf32, #tpu.memory_space<vmem_shared>>
      %dma_start3A_46 = arith.constant 0 : i32
      %dma_start3A_47 = tpu.memref_slice %arg10[%add3A_9, %dma_start3A_46] : memref<10112x128xf32, #tpu.memory_space<vmem_shared>> -> memref<120x128xf32, #tpu.memory_space<vmem_shared>>
      %dma_start3A_48 = arith.constant 0 : i32
      %dma_start3A_49 = arith.constant 0 : i32
      %dma_start3A_50 = tpu.memref_slice %arg9[%dma_start3A_48, %dma_start3A_49] : memref<128x128xf32, #tpu.memory_space<vmem>> -> memref<120x128xf32, #tpu.memory_space<vmem>>
      tpu.enqueue_dma source(%dma_start3A_50 : memref<120x128xf32, #tpu.memory_space<vmem>>) target(%dma_start3A_47 : memref<120x128xf32, #tpu.memory_space<vmem_shared>>) target_semaphore(%run_scoped3A : memref<!tpu.dma_semaphore, #tpu.memory_space<semaphore_mem>>)
      %dma_wait3A = arith.constant 0 : i32
      %dma_wait3A_51 = arith.constant 0 : i32
      %dma_wait3A_52 = tpu.memref_slice %arg9[%dma_wait3A, %dma_wait3A_51] : memref<128x128xf32, #tpu.memory_space<vmem>> -> memref<120x128xf32, #tpu.memory_space<vmem>>
      %dma_wait3A_53 = arith.constant 0 : i32
      %dma_wait3A_54 = tpu.memref_slice %arg10[%add3A_9, %dma_wait3A_53] : memref<10112x128xf32, #tpu.memory_space<vmem_shared>> -> memref<120x128xf32, #tpu.memory_space<vmem_shared>>
      %dma_wait3A_55 = arith.constant 0 : i32
      %dma_wait3A_56 = tpu.memref_slice %arg10[%add3A_9, %dma_wait3A_55] : memref<10112x128xf32, #tpu.memory_space<vmem_shared>> -> memref<120x128xf32, #tpu.memory_space<vmem_shared>>
      %dma_wait3A_57 = arith.constant 0 : i32
      %dma_wait3A_58 = arith.constant 0 : i32
      %dma_wait3A_59 = tpu.memref_slice %arg9[%dma_wait3A_57, %dma_wait3A_58] : memref<128x128xf32, #tpu.memory_space<vmem>> -> memref<120x128xf32, #tpu.memory_space<vmem>>
      tpu.wait_dma2 semaphore(%run_scoped3A : memref<!tpu.dma_semaphore, #tpu.memory_space<semaphore_mem>>) src(%dma_wait3A_59 : memref<120x128xf32, #tpu.memory_space<vmem>>) dst(%dma_wait3A_56 : memref<120x128xf32, #tpu.memory_space<vmem_shared>>)
      tpu.yield
    }) : () -> ()
    %barrier3A = arith.constant 0 : index
    tpu.barrier barrier_id(%barrier3A)
    %eq3A = arith.constant 0 : i32
    %eq3A_10 = arith.cmpi eq, %arg0, %eq3A : i32
    %jit3A = arith.constant 103 : i32
    %jit3A_11 = arith.constant 54 : i32
    %select_n3A = arith.select %eq3A_10, %jit3A, %jit3A_11 : i32
    %while3A = arith.constant 0 : i32
    %while3A_12 = arith.constant 0 : i32
    %while3A_13 = arith.subi %select_n3A, %while3A_12 : i32
    %while3A_14 = arith.addi %while3A_12, %while3A_13 : i32
    %while3A_15 = arith.constant 1 : i32
    %while3A_16 = arith.divsi %while3A_13, %while3A_15 : i32
    %while3A_17 = arith.muli %while3A_16, %while3A_15 : i32
    %while3A_18 = arith.addi %while3A_12, %while3A_17 : i32
    %while3A_19 = arith.constant 1 : i32
    scf.for %while3A_42 = %while3A_12 to %while3A_18 step %while3A_19  : i32 {
      %dma_start3A = arith.constant 0 : i32
      %dma_start3A_43 = tpu.memref_slice %arg7[%while3A_42, %dma_start3A] : memref<103x128xi32, #tpu.memory_space<vmem>> -> memref<1x128xi32, #tpu.memory_space<vmem>>
      %dma_start3A_44 = tpu.memref_squeeze %dma_start3A_43 : memref<1x128xi32, #tpu.memory_space<vmem>> -> memref<128xi32, #tpu.memory_space<vmem>>
      %dma_start3A_45 = arith.constant 0 : i32
      %dma_start3A_46 = arith.constant 0 : i32
      %dma_start3A_47 = tpu.memref_slice %arg2[%dma_start3A_45, %dma_start3A_46] : memref<10000x128xf32, #tpu.memory_space<hbm>> -> memref<10000x128xf32, #tpu.memory_space<hbm>>
      tpu.enqueue_indirect_dma source(%dma_start3A_47 : memref<10000x128xf32, #tpu.memory_space<hbm>>) target(%arg9 : memref<128x128xf32, #tpu.memory_space<vmem>>) offsets(%dma_start3A_44 : memref<128xi32, #tpu.memory_space<vmem>>) semaphore(%arg11 : memref<!tpu.dma_semaphore, #tpu.memory_space<semaphore_mem>>)
      %dma_wait3A = arith.constant 0 : i32
      %dma_wait3A_48 = tpu.memref_slice %arg7[%while3A_42, %dma_wait3A] : memref<103x128xi32, #tpu.memory_space<vmem>> -> memref<1x128xi32, #tpu.memory_space<vmem>>
      %dma_wait3A_49 = tpu.memref_squeeze %dma_wait3A_48 : memref<1x128xi32, #tpu.memory_space<vmem>> -> memref<128xi32, #tpu.memory_space<vmem>>
      %dma_wait3A_50 = arith.constant 0 : i32
      %dma_wait3A_51 = arith.constant 0 : i32
      %dma_wait3A_52 = tpu.memref_slice %arg2[%dma_wait3A_50, %dma_wait3A_51] : memref<10000x128xf32, #tpu.memory_space<hbm>> -> memref<10000x128xf32, #tpu.memory_space<hbm>>
      tpu.wait_indirect_dma semaphore(%arg11 : memref<!tpu.dma_semaphore, #tpu.memory_space<semaphore_mem>>) src(%dma_wait3A_52 : memref<10000x128xf32, #tpu.memory_space<hbm>>) dst(%arg9 : memref<128x128xf32, #tpu.memory_space<vmem>>)
      "tpu.region"() ({
        %run_scoped3A = tpu.sem_alloc : memref<!tpu.dma_semaphore, #tpu.memory_space<semaphore_mem>>
        %dma_start3A_53 = arith.constant 0 : i32
        %dma_start3A_54 = tpu.memref_slice %arg8[%while3A_42, %dma_start3A_53] : memref<103x128xi32, #tpu.memory_space<vmem>> -> memref<1x128xi32, #tpu.memory_space<vmem>>
        %dma_start3A_55 = tpu.memref_squeeze %dma_start3A_54 : memref<1x128xi32, #tpu.memory_space<vmem>> -> memref<128xi32, #tpu.memory_space<vmem>>
        %dma_start3A_56 = arith.constant 0 : i32
        %dma_start3A_57 = arith.constant 0 : i32
        %dma_start3A_58 = tpu.memref_slice %arg10[%dma_start3A_56, %dma_start3A_57] : memref<10112x128xf32, #tpu.memory_space<vmem_shared>> -> memref<10112x128xf32, #tpu.memory_space<vmem_shared>>
        tpu.enqueue_indirect_dma source(%arg9 : memref<128x128xf32, #tpu.memory_space<vmem>>) target(%dma_start3A_58 : memref<10112x128xf32, #tpu.memory_space<vmem_shared>>) offsets(%dma_start3A_55 : memref<128xi32, #tpu.memory_space<vmem>>) semaphore(%run_scoped3A : memref<!tpu.dma_semaphore, #tpu.memory_space<semaphore_mem>>) {add = true}
        %dma_wait3A_59 = arith.constant 0 : i32
        %dma_wait3A_60 = tpu.memref_slice %arg8[%while3A_42, %dma_wait3A_59] : memref<103x128xi32, #tpu.memory_space<vmem>> -> memref<1x128xi32, #tpu.memory_space<vmem>>
        %dma_wait3A_61 = tpu.memref_squeeze %dma_wait3A_60 : memref<1x128xi32, #tpu.memory_space<vmem>> -> memref<128xi32, #tpu.memory_space<vmem>>
        %dma_wait3A_62 = arith.constant 0 : i32
        %dma_wait3A_63 = arith.constant 0 : i32
        %dma_wait3A_64 = tpu.memref_slice %arg10[%dma_wait3A_62, %dma_wait3A_63] : memref<10112x128xf32, #tpu.memory_space<vmem_shared>> -> memref<10112x128xf32, #tpu.memory_space<vmem_shared>>
        tpu.wait_indirect_dma semaphore(%run_scoped3A : memref<!tpu.dma_semaphore, #tpu.memory_space<semaphore_mem>>) src(%arg9 : memref<128x128xf32, #tpu.memory_space<vmem>>) dst(%dma_wait3A_64 : memref<10112x128xf32, #tpu.memory_space<vmem_shared>>)
        tpu.yield
      }) : () -> ()
    }
    %while3A_20 = arith.constant 1 : i32
    scf.for %while3A_42 = %while3A_18 to %while3A_14 step %while3A_20  : i32 {
      %dma_start3A = arith.constant 0 : i32
      %dma_start3A_43 = tpu.memref_slice %arg7[%while3A_42, %dma_start3A] : memref<103x128xi32, #tpu.memory_space<vmem>> -> memref<1x128xi32, #tpu.memory_space<vmem>>
      %dma_start3A_44 = tpu.memref_squeeze %dma_start3A_43 : memref<1x128xi32, #tpu.memory_space<vmem>> -> memref<128xi32, #tpu.memory_space<vmem>>
      %dma_start3A_45 = arith.constant 0 : i32
      %dma_start3A_46 = arith.constant 0 : i32
      %dma_start3A_47 = tpu.memref_slice %arg2[%dma_start3A_45, %dma_start3A_46] : memref<10000x128xf32, #tpu.memory_space<hbm>> -> memref<10000x128xf32, #tpu.memory_space<hbm>>
      tpu.enqueue_indirect_dma source(%dma_start3A_47 : memref<10000x128xf32, #tpu.memory_space<hbm>>) target(%arg9 : memref<128x128xf32, #tpu.memory_space<vmem>>) offsets(%dma_start3A_44 : memref<128xi32, #tpu.memory_space<vmem>>) semaphore(%arg11 : memref<!tpu.dma_semaphore, #tpu.memory_space<semaphore_mem>>)
      %dma_wait3A = arith.constant 0 : i32
      %dma_wait3A_48 = tpu.memref_slice %arg7[%while3A_42, %dma_wait3A] : memref<103x128xi32, #tpu.memory_space<vmem>> -> memref<1x128xi32, #tpu.memory_space<vmem>>
      %dma_wait3A_49 = tpu.memref_squeeze %dma_wait3A_48 : memref<1x128xi32, #tpu.memory_space<vmem>> -> memref<128xi32, #tpu.memory_space<vmem>>
      %dma_wait3A_50 = arith.constant 0 : i32
      %dma_wait3A_51 = arith.constant 0 : i32
      %dma_wait3A_52 = tpu.memref_slice %arg2[%dma_wait3A_50, %dma_wait3A_51] : memref<10000x128xf32, #tpu.memory_space<hbm>> -> memref<10000x128xf32, #tpu.memory_space<hbm>>
      tpu.wait_indirect_dma semaphore(%arg11 : memref<!tpu.dma_semaphore, #tpu.memory_space<semaphore_mem>>) src(%dma_wait3A_52 : memref<10000x128xf32, #tpu.memory_space<hbm>>) dst(%arg9 : memref<128x128xf32, #tpu.memory_space<vmem>>)
      "tpu.region"() ({
        %run_scoped3A = tpu.sem_alloc : memref<!tpu.dma_semaphore, #tpu.memory_space<semaphore_mem>>
        %dma_start3A_53 = arith.constant 0 : i32
        %dma_start3A_54 = tpu.memref_slice %arg8[%while3A_42, %dma_start3A_53] : memref<103x128xi32, #tpu.memory_space<vmem>> -> memref<1x128xi32, #tpu.memory_space<vmem>>
        %dma_start3A_55 = tpu.memref_squeeze %dma_start3A_54 : memref<1x128xi32, #tpu.memory_space<vmem>> -> memref<128xi32, #tpu.memory_space<vmem>>
        %dma_start3A_56 = arith.constant 0 : i32
        %dma_start3A_57 = arith.constant 0 : i32
        %dma_start3A_58 = tpu.memref_slice %arg10[%dma_start3A_56, %dma_start3A_57] : memref<10112x128xf32, #tpu.memory_space<vmem_shared>> -> memref<10112x128xf32, #tpu.memory_space<vmem_shared>>
        tpu.enqueue_indirect_dma source(%arg9 : memref<128x128xf32, #tpu.memory_space<vmem>>) target(%dma_start3A_58 : memref<10112x128xf32, #tpu.memory_space<vmem_shared>>) offsets(%dma_start3A_55 : memref<128xi32, #tpu.memory_space<vmem>>) semaphore(%run_scoped3A : memref<!tpu.dma_semaphore, #tpu.memory_space<semaphore_mem>>) {add = true}
        %dma_wait3A_59 = arith.constant 0 : i32
        %dma_wait3A_60 = tpu.memref_slice %arg8[%while3A_42, %dma_wait3A_59] : memref<103x128xi32, #tpu.memory_space<vmem>> -> memref<1x128xi32, #tpu.memory_space<vmem>>
        %dma_wait3A_61 = tpu.memref_squeeze %dma_wait3A_60 : memref<1x128xi32, #tpu.memory_space<vmem>> -> memref<128xi32, #tpu.memory_space<vmem>>
        %dma_wait3A_62 = arith.constant 0 : i32
        %dma_wait3A_63 = arith.constant 0 : i32
        %dma_wait3A_64 = tpu.memref_slice %arg10[%dma_wait3A_62, %dma_wait3A_63] : memref<10112x128xf32, #tpu.memory_space<vmem_shared>> -> memref<10112x128xf32, #tpu.memory_space<vmem_shared>>
        tpu.wait_indirect_dma semaphore(%run_scoped3A : memref<!tpu.dma_semaphore, #tpu.memory_space<semaphore_mem>>) src(%arg9 : memref<128x128xf32, #tpu.memory_space<vmem>>) dst(%dma_wait3A_64 : memref<10112x128xf32, #tpu.memory_space<vmem_shared>>)
        tpu.yield
      }) : () -> ()
    }
    %barrier3A_21 = arith.constant 0 : index
    tpu.barrier barrier_id(%barrier3A_21)
    %add3A_22 = arith.constant 0 : i32
    %add3A_23 = arith.addi %mul3A_0, %add3A_22 : i32
    "tpu.region"() ({
      %run_scoped3A = tpu.sem_alloc : memref<!tpu.dma_semaphore, #tpu.memory_space<semaphore_mem>>
      %dma_start3A = arith.constant 0 : i32
      %dma_start3A_42 = tpu.memref_slice %arg10[%add3A_23, %dma_start3A] : memref<10112x128xf32, #tpu.memory_space<vmem_shared>> -> memref<128x128xf32, #tpu.memory_space<vmem_shared>>
      %dma_start3A_43 = arith.constant 0 : i32
      %dma_start3A_44 = tpu.memref_slice %arg10[%add3A_23, %dma_start3A_43] : memref<10112x128xf32, #tpu.memory_space<vmem_shared>> -> memref<128x128xf32, #tpu.memory_space<vmem_shared>>
      tpu.enqueue_dma source(%dma_start3A_44 : memref<128x128xf32, #tpu.memory_space<vmem_shared>>) target(%arg9 : memref<128x128xf32, #tpu.memory_space<vmem>>) target_semaphore(%run_scoped3A : memref<!tpu.dma_semaphore, #tpu.memory_space<semaphore_mem>>)
      %dma_wait3A = arith.constant 0 : i32
      %dma_wait3A_45 = tpu.memref_slice %arg10[%add3A_23, %dma_wait3A] : memref<10112x128xf32, #tpu.memory_space<vmem_shared>> -> memref<128x128xf32, #tpu.memory_space<vmem_shared>>
      %dma_wait3A_46 = arith.constant 0 : i32
      %dma_wait3A_47 = tpu.memref_slice %arg10[%add3A_23, %dma_wait3A_46] : memref<10112x128xf32, #tpu.memory_space<vmem_shared>> -> memref<128x128xf32, #tpu.memory_space<vmem_shared>>
      tpu.wait_dma2 semaphore(%run_scoped3A : memref<!tpu.dma_semaphore, #tpu.memory_space<semaphore_mem>>) src(%dma_wait3A_47 : memref<128x128xf32, #tpu.memory_space<vmem_shared>>) dst(%arg9 : memref<128x128xf32, #tpu.memory_space<vmem>>)
      tpu.yield
    }) : () -> ()
    %add3A_24 = arith.constant 0 : i32
    %add3A_25 = arith.addi %mul3A_0, %add3A_24 : i32
    "tpu.region"() ({
      %run_scoped3A = tpu.sem_alloc : memref<!tpu.dma_semaphore, #tpu.memory_space<semaphore_mem>>
      %dma_start3A = arith.constant 0 : i32
      %dma_start3A_42 = tpu.memref_slice %arg6[%arg0, %add3A_25, %dma_start3A] : memref<2x10112x128xf32, #tpu.memory_space<hbm>> -> memref<1x128x128xf32, #tpu.memory_space<hbm>>
      %dma_start3A_43 = tpu.memref_squeeze %dma_start3A_42 : memref<1x128x128xf32, #tpu.memory_space<hbm>> -> memref<128x128xf32, #tpu.memory_space<hbm>>
      %dma_start3A_44 = arith.constant 0 : i32
      %dma_start3A_45 = tpu.memref_slice %arg6[%arg0, %add3A_25, %dma_start3A_44] : memref<2x10112x128xf32, #tpu.memory_space<hbm>> -> memref<1x128x128xf32, #tpu.memory_space<hbm>>
      %dma_start3A_46 = tpu.memref_squeeze %dma_start3A_45 : memref<1x128x128xf32, #tpu.memory_space<hbm>> -> memref<128x128xf32, #tpu.memory_space<hbm>>
      tpu.enqueue_dma source(%arg9 : memref<128x128xf32, #tpu.memory_space<vmem>>) target(%dma_start3A_46 : memref<128x128xf32, #tpu.memory_space<hbm>>) target_semaphore(%run_scoped3A : memref<!tpu.dma_semaphore, #tpu.memory_space<semaphore_mem>>)
      %dma_wait3A = arith.constant 0 : i32
      %dma_wait3A_47 = tpu.memref_slice %arg6[%arg0, %add3A_25, %dma_wait3A] : memref<2x10112x128xf32, #tpu.memory_space<hbm>> -> memref<1x128x128xf32, #tpu.memory_space<hbm>>
      %dma_wait3A_48 = tpu.memref_squeeze %dma_wait3A_47 : memref<1x128x128xf32, #tpu.memory_space<hbm>> -> memref<128x128xf32, #tpu.memory_space<hbm>>
      %dma_wait3A_49 = arith.constant 0 : i32
      %dma_wait3A_50 = tpu.memref_slice %arg6[%arg0, %add3A_25, %dma_wait3A_49] : memref<2x10112x128xf32, #tpu.memory_space<hbm>> -> memref<1x128x128xf32, #tpu.memory_space<hbm>>
      %dma_wait3A_51 = tpu.memref_squeeze %dma_wait3A_50 : memref<1x128x128xf32, #tpu.memory_space<hbm>> -> memref<128x128xf32, #tpu.memory_space<hbm>>
      tpu.wait_dma2 semaphore(%run_scoped3A : memref<!tpu.dma_semaphore, #tpu.memory_space<semaphore_mem>>) src(%arg9 : memref<128x128xf32, #tpu.memory_space<vmem>>) dst(%dma_wait3A_51 : memref<128x128xf32, #tpu.memory_space<hbm>>)
      tpu.yield
    }) : () -> ()
    %add3A_26 = arith.constant 128 : i32
    %add3A_27 = arith.addi %mul3A_0, %add3A_26 : i32
    "tpu.region"() ({
      %run_scoped3A = tpu.sem_alloc : memref<!tpu.dma_semaphore, #tpu.memory_space<semaphore_mem>>
      %dma_start3A = arith.constant 0 : i32
      %dma_start3A_42 = tpu.memref_slice %arg10[%add3A_27, %dma_start3A] : memref<10112x128xf32, #tpu.memory_space<vmem_shared>> -> memref<128x128xf32, #tpu.memory_space<vmem_shared>>
      %dma_start3A_43 = arith.constant 0 : i32
      %dma_start3A_44 = tpu.memref_slice %arg10[%add3A_27, %dma_start3A_43] : memref<10112x128xf32, #tpu.memory_space<vmem_shared>> -> memref<128x128xf32, #tpu.memory_space<vmem_shared>>
      tpu.enqueue_dma source(%dma_start3A_44 : memref<128x128xf32, #tpu.memory_space<vmem_shared>>) target(%arg9 : memref<128x128xf32, #tpu.memory_space<vmem>>) target_semaphore(%run_scoped3A : memref<!tpu.dma_semaphore, #tpu.memory_space<semaphore_mem>>)
      %dma_wait3A = arith.constant 0 : i32
      %dma_wait3A_45 = tpu.memref_slice %arg10[%add3A_27, %dma_wait3A] : memref<10112x128xf32, #tpu.memory_space<vmem_shared>> -> memref<128x128xf32, #tpu.memory_space<vmem_shared>>
      %dma_wait3A_46 = arith.constant 0 : i32
      %dma_wait3A_47 = tpu.memref_slice %arg10[%add3A_27, %dma_wait3A_46] : memref<10112x128xf32, #tpu.memory_space<vmem_shared>> -> memref<128x128xf32, #tpu.memory_space<vmem_shared>>
      tpu.wait_dma2 semaphore(%run_scoped3A : memref<!tpu.dma_semaphore, #tpu.memory_space<semaphore_mem>>) src(%dma_wait3A_47 : memref<128x128xf32, #tpu.memory_space<vmem_shared>>) dst(%arg9 : memref<128x128xf32, #tpu.memory_space<vmem>>)
      tpu.yield
    }) : () -> ()
    %add3A_28 = arith.constant 128 : i32
    %add3A_29 = arith.addi %mul3A_0, %add3A_28 : i32
    "tpu.region"() ({
      %run_scoped3A = tpu.sem_alloc : memref<!tpu.dma_semaphore, #tpu.memory_space<semaphore_mem>>
      %dma_start3A = arith.constant 0 : i32
      %dma_start3A_42 = tpu.memref_slice %arg6[%arg0, %add3A_29, %dma_start3A] : memref<2x10112x128xf32, #tpu.memory_space<hbm>> -> memref<1x128x128xf32, #tpu.memory_space<hbm>>
      %dma_start3A_43 = tpu.memref_squeeze %dma_start3A_42 : memref<1x128x128xf32, #tpu.memory_space<hbm>> -> memref<128x128xf32, #tpu.memory_space<hbm>>
      %dma_start3A_44 = arith.constant 0 : i32
      %dma_start3A_45 = tpu.memref_slice %arg6[%arg0, %add3A_29, %dma_start3A_44] : memref<2x10112x128xf32, #tpu.memory_space<hbm>> -> memref<1x128x128xf32, #tpu.memory_space<hbm>>
      %dma_start3A_46 = tpu.memref_squeeze %dma_start3A_45 : memref<1x128x128xf32, #tpu.memory_space<hbm>> -> memref<128x128xf32, #tpu.memory_space<hbm>>
      tpu.enqueue_dma source(%arg9 : memref<128x128xf32, #tpu.memory_space<vmem>>) target(%dma_start3A_46 : memref<128x128xf32, #tpu.memory_space<hbm>>) target_semaphore(%run_scoped3A : memref<!tpu.dma_semaphore, #tpu.memory_space<semaphore_mem>>)
      %dma_wait3A = arith.constant 0 : i32
      %dma_wait3A_47 = tpu.memref_slice %arg6[%arg0, %add3A_29, %dma_wait3A] : memref<2x10112x128xf32, #tpu.memory_space<hbm>> -> memref<1x128x128xf32, #tpu.memory_space<hbm>>
      %dma_wait3A_48 = tpu.memref_squeeze %dma_wait3A_47 : memref<1x128x128xf32, #tpu.memory_space<hbm>> -> memref<128x128xf32, #tpu.memory_space<hbm>>
      %dma_wait3A_49 = arith.constant 0 : i32
      %dma_wait3A_50 = tpu.memref_slice %arg6[%arg0, %add3A_29, %dma_wait3A_49] : memref<2x10112x128xf32, #tpu.memory_space<hbm>> -> memref<1x128x128xf32, #tpu.memory_space<hbm>>
      %dma_wait3A_51 = tpu.memref_squeeze %dma_wait3A_50 : memref<1x128x128xf32, #tpu.memory_space<hbm>> -> memref<128x128xf32, #tpu.memory_space<hbm>>
      tpu.wait_dma2 semaphore(%run_scoped3A : memref<!tpu.dma_semaphore, #tpu.memory_space<semaphore_mem>>) src(%arg9 : memref<128x128xf32, #tpu.memory_space<vmem>>) dst(%dma_wait3A_51 : memref<128x128xf32, #tpu.memory_space<hbm>>)
      tpu.yield
    }) : () -> ()
    %add3A_30 = arith.constant 256 : i32
    %add3A_31 = arith.addi %mul3A_0, %add3A_30 : i32
    "tpu.region"() ({
      %run_scoped3A = tpu.sem_alloc : memref<!tpu.dma_semaphore, #tpu.memory_space<semaphore_mem>>
      %dma_start3A = arith.constant 0 : i32
      %dma_start3A_42 = tpu.memref_slice %arg10[%add3A_31, %dma_start3A] : memref<10112x128xf32, #tpu.memory_space<vmem_shared>> -> memref<128x128xf32, #tpu.memory_space<vmem_shared>>
      %dma_start3A_43 = arith.constant 0 : i32
      %dma_start3A_44 = tpu.memref_slice %arg10[%add3A_31, %dma_start3A_43] : memref<10112x128xf32, #tpu.memory_space<vmem_shared>> -> memref<128x128xf32, #tpu.memory_space<vmem_shared>>
      tpu.enqueue_dma source(%dma_start3A_44 : memref<128x128xf32, #tpu.memory_space<vmem_shared>>) target(%arg9 : memref<128x128xf32, #tpu.memory_space<vmem>>) target_semaphore(%run_scoped3A : memref<!tpu.dma_semaphore, #tpu.memory_space<semaphore_mem>>)
      %dma_wait3A = arith.constant 0 : i32
      %dma_wait3A_45 = tpu.memref_slice %arg10[%add3A_31, %dma_wait3A] : memref<10112x128xf32, #tpu.memory_space<vmem_shared>> -> memref<128x128xf32, #tpu.memory_space<vmem_shared>>
      %dma_wait3A_46 = arith.constant 0 : i32
      %dma_wait3A_47 = tpu.memref_slice %arg10[%add3A_31, %dma_wait3A_46] : memref<10112x128xf32, #tpu.memory_space<vmem_shared>> -> memref<128x128xf32, #tpu.memory_space<vmem_shared>>
      tpu.wait_dma2 semaphore(%run_scoped3A : memref<!tpu.dma_semaphore, #tpu.memory_space<semaphore_mem>>) src(%dma_wait3A_47 : memref<128x128xf32, #tpu.memory_space<vmem_shared>>) dst(%arg9 : memref<128x128xf32, #tpu.memory_space<vmem>>)
      tpu.yield
    }) : () -> ()
    %add3A_32 = arith.constant 256 : i32
    %add3A_33 = arith.addi %mul3A_0, %add3A_32 : i32
    "tpu.region"() ({
      %run_scoped3A = tpu.sem_alloc : memref<!tpu.dma_semaphore, #tpu.memory_space<semaphore_mem>>
      %dma_start3A = arith.constant 0 : i32
      %dma_start3A_42 = tpu.memref_slice %arg6[%arg0, %add3A_33, %dma_start3A] : memref<2x10112x128xf32, #tpu.memory_space<hbm>> -> memref<1x128x128xf32, #tpu.memory_space<hbm>>
      %dma_start3A_43 = tpu.memref_squeeze %dma_start3A_42 : memref<1x128x128xf32, #tpu.memory_space<hbm>> -> memref<128x128xf32, #tpu.memory_space<hbm>>
      %dma_start3A_44 = arith.constant 0 : i32
      %dma_start3A_45 = tpu.memref_slice %arg6[%arg0, %add3A_33, %dma_start3A_44] : memref<2x10112x128xf32, #tpu.memory_space<hbm>> -> memref<1x128x128xf32, #tpu.memory_space<hbm>>
      %dma_start3A_46 = tpu.memref_squeeze %dma_start3A_45 : memref<1x128x128xf32, #tpu.memory_space<hbm>> -> memref<128x128xf32, #tpu.memory_space<hbm>>
      tpu.enqueue_dma source(%arg9 : memref<128x128xf32, #tpu.memory_space<vmem>>) target(%dma_start3A_46 : memref<128x128xf32, #tpu.memory_space<hbm>>) target_semaphore(%run_scoped3A : memref<!tpu.dma_semaphore, #tpu.memory_space<semaphore_mem>>)
      %dma_wait3A = arith.constant 0 : i32
      %dma_wait3A_47 = tpu.memref_slice %arg6[%arg0, %add3A_33, %dma_wait3A] : memref<2x10112x128xf32, #tpu.memory_space<hbm>> -> memref<1x128x128xf32, #tpu.memory_space<hbm>>
      %dma_wait3A_48 = tpu.memref_squeeze %dma_wait3A_47 : memref<1x128x128xf32, #tpu.memory_space<hbm>> -> memref<128x128xf32, #tpu.memory_space<hbm>>
      %dma_wait3A_49 = arith.constant 0 : i32
      %dma_wait3A_50 = tpu.memref_slice %arg6[%arg0, %add3A_33, %dma_wait3A_49] : memref<2x10112x128xf32, #tpu.memory_space<hbm>> -> memref<1x128x128xf32, #tpu.memory_space<hbm>>
      %dma_wait3A_51 = tpu.memref_squeeze %dma_wait3A_50 : memref<1x128x128xf32, #tpu.memory_space<hbm>> -> memref<128x128xf32, #tpu.memory_space<hbm>>
      tpu.wait_dma2 semaphore(%run_scoped3A : memref<!tpu.dma_semaphore, #tpu.memory_space<semaphore_mem>>) src(%arg9 : memref<128x128xf32, #tpu.memory_space<vmem>>) dst(%dma_wait3A_51 : memref<128x128xf32, #tpu.memory_space<hbm>>)
      tpu.yield
    }) : () -> ()
    %add3A_34 = arith.constant 384 : i32
    %add3A_35 = arith.addi %mul3A_0, %add3A_34 : i32
    "tpu.region"() ({
      %run_scoped3A = tpu.sem_alloc : memref<!tpu.dma_semaphore, #tpu.memory_space<semaphore_mem>>
      %dma_start3A = arith.constant 0 : i32
      %dma_start3A_42 = tpu.memref_slice %arg10[%add3A_35, %dma_start3A] : memref<10112x128xf32, #tpu.memory_space<vmem_shared>> -> memref<128x128xf32, #tpu.memory_space<vmem_shared>>
      %dma_start3A_43 = arith.constant 0 : i32
      %dma_start3A_44 = tpu.memref_slice %arg10[%add3A_35, %dma_start3A_43] : memref<10112x128xf32, #tpu.memory_space<vmem_shared>> -> memref<128x128xf32, #tpu.memory_space<vmem_shared>>
      tpu.enqueue_dma source(%dma_start3A_44 : memref<128x128xf32, #tpu.memory_space<vmem_shared>>) target(%arg9 : memref<128x128xf32, #tpu.memory_space<vmem>>) target_semaphore(%run_scoped3A : memref<!tpu.dma_semaphore, #tpu.memory_space<semaphore_mem>>)
      %dma_wait3A = arith.constant 0 : i32
      %dma_wait3A_45 = tpu.memref_slice %arg10[%add3A_35, %dma_wait3A] : memref<10112x128xf32, #tpu.memory_space<vmem_shared>> -> memref<128x128xf32, #tpu.memory_space<vmem_shared>>
      %dma_wait3A_46 = arith.constant 0 : i32
      %dma_wait3A_47 = tpu.memref_slice %arg10[%add3A_35, %dma_wait3A_46] : memref<10112x128xf32, #tpu.memory_space<vmem_shared>> -> memref<128x128xf32, #tpu.memory_space<vmem_shared>>
      tpu.wait_dma2 semaphore(%run_scoped3A : memref<!tpu.dma_semaphore, #tpu.memory_space<semaphore_mem>>) src(%dma_wait3A_47 : memref<128x128xf32, #tpu.memory_space<vmem_shared>>) dst(%arg9 : memref<128x128xf32, #tpu.memory_space<vmem>>)
      tpu.yield
    }) : () -> ()
    %add3A_36 = arith.constant 384 : i32
    %add3A_37 = arith.addi %mul3A_0, %add3A_36 : i32
    "tpu.region"() ({
      %run_scoped3A = tpu.sem_alloc : memref<!tpu.dma_semaphore, #tpu.memory_space<semaphore_mem>>
      %dma_start3A = arith.constant 0 : i32
      %dma_start3A_42 = tpu.memref_slice %arg6[%arg0, %add3A_37, %dma_start3A] : memref<2x10112x128xf32, #tpu.memory_space<hbm>> -> memref<1x128x128xf32, #tpu.memory_space<hbm>>
      %dma_start3A_43 = tpu.memref_squeeze %dma_start3A_42 : memref<1x128x128xf32, #tpu.memory_space<hbm>> -> memref<128x128xf32, #tpu.memory_space<hbm>>
      %dma_start3A_44 = arith.constant 0 : i32
      %dma_start3A_45 = tpu.memref_slice %arg6[%arg0, %add3A_37, %dma_start3A_44] : memref<2x10112x128xf32, #tpu.memory_space<hbm>> -> memref<1x128x128xf32, #tpu.memory_space<hbm>>
      %dma_start3A_46 = tpu.memref_squeeze %dma_start3A_45 : memref<1x128x128xf32, #tpu.memory_space<hbm>> -> memref<128x128xf32, #tpu.memory_space<hbm>>
      tpu.enqueue_dma source(%arg9 : memref<128x128xf32, #tpu.memory_space<vmem>>) target(%dma_start3A_46 : memref<128x128xf32, #tpu.memory_space<hbm>>) target_semaphore(%run_scoped3A : memref<!tpu.dma_semaphore, #tpu.memory_space<semaphore_mem>>)
      %dma_wait3A = arith.constant 0 : i32
      %dma_wait3A_47 = tpu.memref_slice %arg6[%arg0, %add3A_37, %dma_wait3A] : memref<2x10112x128xf32, #tpu.memory_space<hbm>> -> memref<1x128x128xf32, #tpu.memory_space<hbm>>
      %dma_wait3A_48 = tpu.memref_squeeze %dma_wait3A_47 : memref<1x128x128xf32, #tpu.memory_space<hbm>> -> memref<128x128xf32, #tpu.memory_space<hbm>>
      %dma_wait3A_49 = arith.constant 0 : i32
      %dma_wait3A_50 = tpu.memref_slice %arg6[%arg0, %add3A_37, %dma_wait3A_49] : memref<2x10112x128xf32, #tpu.memory_space<hbm>> -> memref<1x128x128xf32, #tpu.memory_space<hbm>>
      %dma_wait3A_51 = tpu.memref_squeeze %dma_wait3A_50 : memref<1x128x128xf32, #tpu.memory_space<hbm>> -> memref<128x128xf32, #tpu.memory_space<hbm>>
      tpu.wait_dma2 semaphore(%run_scoped3A : memref<!tpu.dma_semaphore, #tpu.memory_space<semaphore_mem>>) src(%arg9 : memref<128x128xf32, #tpu.memory_space<vmem>>) dst(%dma_wait3A_51 : memref<128x128xf32, #tpu.memory_space<hbm>>)
      tpu.yield
    }) : () -> ()
    %add3A_38 = arith.constant 512 : i32
    %add3A_39 = arith.addi %mul3A_0, %add3A_38 : i32
    "tpu.region"() ({
      %run_scoped3A = tpu.sem_alloc : memref<!tpu.dma_semaphore, #tpu.memory_space<semaphore_mem>>
      %dma_start3A = arith.constant 0 : i32
      %dma_start3A_42 = arith.constant 0 : i32
      %dma_start3A_43 = tpu.memref_slice %arg9[%dma_start3A, %dma_start3A_42] : memref<128x128xf32, #tpu.memory_space<vmem>> -> memref<120x128xf32, #tpu.memory_space<vmem>>
      %dma_start3A_44 = arith.constant 0 : i32
      %dma_start3A_45 = tpu.memref_slice %arg10[%add3A_39, %dma_start3A_44] : memref<10112x128xf32, #tpu.memory_space<vmem_shared>> -> memref<120x128xf32, #tpu.memory_space<vmem_shared>>
      %dma_start3A_46 = arith.constant 0 : i32
      %dma_start3A_47 = arith.constant 0 : i32
      %dma_start3A_48 = tpu.memref_slice %arg9[%dma_start3A_46, %dma_start3A_47] : memref<128x128xf32, #tpu.memory_space<vmem>> -> memref<120x128xf32, #tpu.memory_space<vmem>>
      %dma_start3A_49 = arith.constant 0 : i32
      %dma_start3A_50 = tpu.memref_slice %arg10[%add3A_39, %dma_start3A_49] : memref<10112x128xf32, #tpu.memory_space<vmem_shared>> -> memref<120x128xf32, #tpu.memory_space<vmem_shared>>
      tpu.enqueue_dma source(%dma_start3A_50 : memref<120x128xf32, #tpu.memory_space<vmem_shared>>) target(%dma_start3A_48 : memref<120x128xf32, #tpu.memory_space<vmem>>) target_semaphore(%run_scoped3A : memref<!tpu.dma_semaphore, #tpu.memory_space<semaphore_mem>>)
      %dma_wait3A = arith.constant 0 : i32
      %dma_wait3A_51 = arith.constant 0 : i32
      %dma_wait3A_52 = tpu.memref_slice %arg9[%dma_wait3A, %dma_wait3A_51] : memref<128x128xf32, #tpu.memory_space<vmem>> -> memref<120x128xf32, #tpu.memory_space<vmem>>
      %dma_wait3A_53 = arith.constant 0 : i32
      %dma_wait3A_54 = tpu.memref_slice %arg10[%add3A_39, %dma_wait3A_53] : memref<10112x128xf32, #tpu.memory_space<vmem_shared>> -> memref<120x128xf32, #tpu.memory_space<vmem_shared>>
      %dma_wait3A_55 = arith.constant 0 : i32
      %dma_wait3A_56 = arith.constant 0 : i32
      %dma_wait3A_57 = tpu.memref_slice %arg9[%dma_wait3A_55, %dma_wait3A_56] : memref<128x128xf32, #tpu.memory_space<vmem>> -> memref<120x128xf32, #tpu.memory_space<vmem>>
      %dma_wait3A_58 = arith.constant 0 : i32
      %dma_wait3A_59 = tpu.memref_slice %arg10[%add3A_39, %dma_wait3A_58] : memref<10112x128xf32, #tpu.memory_space<vmem_shared>> -> memref<120x128xf32, #tpu.memory_space<vmem_shared>>
      tpu.wait_dma2 semaphore(%run_scoped3A : memref<!tpu.dma_semaphore, #tpu.memory_space<semaphore_mem>>) src(%dma_wait3A_59 : memref<120x128xf32, #tpu.memory_space<vmem_shared>>) dst(%dma_wait3A_57 : memref<120x128xf32, #tpu.memory_space<vmem>>)
      tpu.yield
    }) : () -> ()
    %add3A_40 = arith.constant 512 : i32
    %add3A_41 = arith.addi %mul3A_0, %add3A_40 : i32
    "tpu.region"() ({
      %run_scoped3A = tpu.sem_alloc : memref<!tpu.dma_semaphore, #tpu.memory_space<semaphore_mem>>
      %dma_start3A = arith.constant 0 : i32
      %dma_start3A_42 = arith.constant 0 : i32
      %dma_start3A_43 = tpu.memref_slice %arg9[%dma_start3A, %dma_start3A_42] : memref<128x128xf32, #tpu.memory_space<vmem>> -> memref<120x128xf32, #tpu.memory_space<vmem>>
      %dma_start3A_44 = arith.constant 0 : i32
      %dma_start3A_45 = tpu.memref_slice %arg6[%arg0, %add3A_41, %dma_start3A_44] : memref<2x10112x128xf32, #tpu.memory_space<hbm>> -> memref<1x120x128xf32, #tpu.memory_space<hbm>>
      %dma_start3A_46 = tpu.memref_squeeze %dma_start3A_45 : memref<1x120x128xf32, #tpu.memory_space<hbm>> -> memref<120x128xf32, #tpu.memory_space<hbm>>
      %dma_start3A_47 = arith.constant 0 : i32
      %dma_start3A_48 = tpu.memref_slice %arg6[%arg0, %add3A_41, %dma_start3A_47] : memref<2x10112x128xf32, #tpu.memory_space<hbm>> -> memref<1x120x128xf32, #tpu.memory_space<hbm>>
      %dma_start3A_49 = tpu.memref_squeeze %dma_start3A_48 : memref<1x120x128xf32, #tpu.memory_space<hbm>> -> memref<120x128xf32, #tpu.memory_space<hbm>>
      %dma_start3A_50 = arith.constant 0 : i32
      %dma_start3A_51 = arith.constant 0 : i32
      %dma_start3A_52 = tpu.memref_slice %arg9[%dma_start3A_50, %dma_start3A_51] : memref<128x128xf32, #tpu.memory_space<vmem>> -> memref<120x128xf32, #tpu.memory_space<vmem>>
      tpu.enqueue_dma source(%dma_start3A_52 : memref<120x128xf32, #tpu.memory_space<vmem>>) target(%dma_start3A_49 : memref<120x128xf32, #tpu.memory_space<hbm>>) target_semaphore(%run_scoped3A : memref<!tpu.dma_semaphore, #tpu.memory_space<semaphore_mem>>)
      %dma_wait3A = arith.constant 0 : i32
      %dma_wait3A_53 = arith.constant 0 : i32
      %dma_wait3A_54 = tpu.memref_slice %arg9[%dma_wait3A, %dma_wait3A_53] : memref<128x128xf32, #tpu.memory_space<vmem>> -> memref<120x128xf32, #tpu.memory_space<vmem>>
      %dma_wait3A_55 = arith.constant 0 : i32
      %dma_wait3A_56 = tpu.memref_slice %arg6[%arg0, %add3A_41, %dma_wait3A_55] : memref<2x10112x128xf32, #tpu.memory_space<hbm>> -> memref<1x120x128xf32, #tpu.memory_space<hbm>>
      %dma_wait3A_57 = tpu.memref_squeeze %dma_wait3A_56 : memref<1x120x128xf32, #tpu.memory_space<hbm>> -> memref<120x128xf32, #tpu.memory_space<hbm>>
      %dma_wait3A_58 = arith.constant 0 : i32
      %dma_wait3A_59 = tpu.memref_slice %arg6[%arg0, %add3A_41, %dma_wait3A_58] : memref<2x10112x128xf32, #tpu.memory_space<hbm>> -> memref<1x120x128xf32, #tpu.memory_space<hbm>>
      %dma_wait3A_60 = tpu.memref_squeeze %dma_wait3A_59 : memref<1x120x128xf32, #tpu.memory_space<hbm>> -> memref<120x128xf32, #tpu.memory_space<hbm>>
      %dma_wait3A_61 = arith.constant 0 : i32
      %dma_wait3A_62 = arith.constant 0 : i32
      %dma_wait3A_63 = tpu.memref_slice %arg9[%dma_wait3A_61, %dma_wait3A_62] : memref<128x128xf32, #tpu.memory_space<vmem>> -> memref<120x128xf32, #tpu.memory_space<vmem>>
      tpu.wait_dma2 semaphore(%run_scoped3A : memref<!tpu.dma_semaphore, #tpu.memory_space<semaphore_mem>>) src(%dma_wait3A_63 : memref<120x128xf32, #tpu.memory_space<vmem>>) dst(%dma_wait3A_60 : memref<120x128xf32, #tpu.memory_space<hbm>>)
      tpu.yield
    }) : () -> ()
    return
  }
}

module attributes {stable_mosaic.version = 14 : i64} {
  func.func @_hop0_body(%arg0: i32, %arg1: memref<1000x128xf32, #tpu.memory_space<vmem>>, %arg2: memref<1000x16xf32, #tpu.memory_space<vmem>>, %arg3: memref<1000x16xf32, #tpu.memory_space<vmem>>, %arg4: memref<128x128xf32, #tpu.memory_space<vmem>>, %arg5: memref<1x128xf32, #tpu.memory_space<vmem>>, %arg6: memref<1x128xf32, #tpu.memory_space<vmem>>, %arg7: memref<1x128xf32, #tpu.memory_space<vmem>>, %arg8: memref<1000x128xf32, #tpu.memory_space<vmem>>, %arg9: memref<1000x128xf32, #tpu.memory_space<vmem>>, %arg10: memref<1000x1xf32, #tpu.memory_space<vmem>>) attributes {dimension_semantics = [#tpu.dimension_semantics<arbitrary>], iteration_bounds = array<i64: 10>, scalar_prefetch = 0 : i64, scratch_operands = 0 : i64, tpu.core_type = #tpu.core_type<tc>, window_params = [{transform_indices = @transform_0, window_bounds = array<i64: 1000, 128>}, {transform_indices = @transform_1, window_bounds = array<i64: 1000, 16>}, {transform_indices = @transform_2, window_bounds = array<i64: 1000, 16>}, {pipeline_mode = #tpu.pipeline_mode<synchronous>, transform_indices = @transform_3, window_bounds = array<i64: 128, 128>}, {pipeline_mode = #tpu.pipeline_mode<synchronous>, transform_indices = @transform_4, window_bounds = array<i64: 1, 128>}, {pipeline_mode = #tpu.pipeline_mode<synchronous>, transform_indices = @transform_5, window_bounds = array<i64: 1, 128>}, {pipeline_mode = #tpu.pipeline_mode<synchronous>, transform_indices = @transform_6, window_bounds = array<i64: 1, 128>}, {transform_indices = @transform_7, window_bounds = array<i64: 1000, 128>}, {transform_indices = @transform_8, window_bounds = array<i64: 1000, 128>}, {transform_indices = @transform_9, window_bounds = array<i64: 1000, 1>}]} {
    %get3A = arith.constant 0 : index
    %get3A_0 = arith.constant 0 : index
    %get3A_1 = vector.load %arg2[%get3A, %get3A_0] : memref<1000x16xf32, #tpu.memory_space<vmem>>, vector<1000x1xf32>
    %add3A = arith.constant 1.000000e+00 : f32
    %add3A_2 = vector.broadcast %add3A : f32 to vector<1000x1xf32>
    %add3A_3 = arith.addf %add3A_2, %get3A_1 : vector<1000x1xf32>
    %get3A_4 = arith.constant 0 : index
    %get3A_5 = arith.constant 0 : index
    %get3A_6 = vector.load %arg3[%get3A_4, %get3A_5] : memref<1000x16xf32, #tpu.memory_space<vmem>>, vector<1000x1xf32>
    %add3A_7 = arith.addf %add3A_3, %get3A_6 : vector<1000x1xf32>
    %rsqrt3A = math.rsqrt %add3A_7 : vector<1000x1xf32>
    %get3A_8 = arith.constant 0 : index
    %get3A_9 = arith.constant 0 : index
    %get3A_10 = vector.load %arg1[%get3A_8, %get3A_9] : memref<1000x128xf32, #tpu.memory_space<vmem>>, vector<1000x128xf32>
    %get3A_11 = arith.constant 0 : index
    %get3A_12 = arith.constant 0 : index
    %get3A_13 = vector.load %arg4[%get3A_11, %get3A_12] : memref<128x128xf32, #tpu.memory_space<vmem>>, vector<128x128xf32>
    %get3A_14 = arith.constant 0 : index
    %get3A_15 = arith.constant 0 : index
    %get3A_16 = vector.load %arg5[%get3A_14, %get3A_15] : memref<1x128xf32, #tpu.memory_space<vmem>>, vector<1x128xf32>
    %get3A_17 = arith.constant 0 : index
    %get3A_18 = arith.constant 0 : index
    %get3A_19 = vector.load %arg6[%get3A_17, %get3A_18] : memref<1x128xf32, #tpu.memory_space<vmem>>, vector<1x128xf32>
    %get3A_20 = arith.constant 0 : index
    %get3A_21 = arith.constant 0 : index
    %get3A_22 = vector.load %arg7[%get3A_20, %get3A_21] : memref<1x128xf32, #tpu.memory_space<vmem>>, vector<1x128xf32>
    %dot_general3A = arith.constant dense<0.000000e+00> : vector<1000x128xf32>
    %dot_general3A_23 = tpu.matmul %get3A_10, %get3A_13, %dot_general3A {dimension_numbers = #tpu.dot_dimension_numbers<[1], [0], [0], [1], [0, 0, 1, 1], [], []>, transpose_lhs_hint = false} : vector<1000x128xf32>, vector<128x128xf32>, vector<1000x128xf32> -> vector<1000x128xf32>
    %add3A_24 = vector.broadcast %get3A_16 : vector<1x128xf32> to vector<1000x128xf32>
    %add3A_25 = arith.addf %dot_general3A_23, %add3A_24 : vector<1000x128xf32>
    %reduce_sum3A = arith.constant dense<0.000000e+00> : vector<1000xf32>
    %reduce_sum3A_26 = vector.multi_reduction <add>, %add3A_25, %reduce_sum3A [1] : vector<1000x128xf32> to vector<1000xf32>
    %broadcast_in_dim3A = vector.shape_cast %reduce_sum3A_26 : vector<1000xf32> to vector<1000x1xf32>
    %div3A = arith.constant 1.280000e+02 : f32
    %div3A_27 = vector.broadcast %div3A : f32 to vector<1000x1xf32>
    %div3A_28 = arith.divf %broadcast_in_dim3A, %div3A_27 : vector<1000x1xf32>
    %sub3A = vector.broadcast %div3A_28 : vector<1000x1xf32> to vector<1000x128xf32>
    %sub3A_29 = arith.subf %add3A_25, %sub3A : vector<1000x128xf32>
    %sub3A_30 = vector.broadcast %div3A_28 : vector<1000x1xf32> to vector<1000x128xf32>
    %sub3A_31 = arith.subf %add3A_25, %sub3A_30 : vector<1000x128xf32>
    %mul3A = arith.mulf %sub3A_29, %sub3A_31 : vector<1000x128xf32>
    %reduce_sum3A_32 = arith.constant dense<0.000000e+00> : vector<1000xf32>
    %reduce_sum3A_33 = vector.multi_reduction <add>, %mul3A, %reduce_sum3A_32 [1] : vector<1000x128xf32> to vector<1000xf32>
    %broadcast_in_dim3A_34 = vector.shape_cast %reduce_sum3A_33 : vector<1000xf32> to vector<1000x1xf32>
    %div3A_35 = arith.constant 1.280000e+02 : f32
    %div3A_36 = vector.broadcast %div3A_35 : f32 to vector<1000x1xf32>
    %div3A_37 = arith.divf %broadcast_in_dim3A_34, %div3A_36 : vector<1000x1xf32>
    %sub3A_38 = vector.broadcast %div3A_28 : vector<1000x1xf32> to vector<1000x128xf32>
    %sub3A_39 = arith.subf %add3A_25, %sub3A_38 : vector<1000x128xf32>
    %add3A_40 = arith.constant 9.99999974E-6 : f32
    %add3A_41 = vector.broadcast %add3A_40 : f32 to vector<1000x1xf32>
    %add3A_42 = arith.addf %div3A_37, %add3A_41 : vector<1000x1xf32>
    %rsqrt3A_43 = math.rsqrt %add3A_42 : vector<1000x1xf32>
    %mul3A_44 = vector.broadcast %rsqrt3A_43 : vector<1000x1xf32> to vector<1000x128xf32>
    %mul3A_45 = arith.mulf %sub3A_39, %mul3A_44 : vector<1000x128xf32>
    %mul3A_46 = vector.broadcast %get3A_19 : vector<1x128xf32> to vector<1000x128xf32>
    %mul3A_47 = arith.mulf %mul3A_45, %mul3A_46 : vector<1000x128xf32>
    %add3A_48 = vector.broadcast %get3A_22 : vector<1x128xf32> to vector<1000x128xf32>
    %add3A_49 = arith.addf %mul3A_47, %add3A_48 : vector<1000x128xf32>
    %max3A = arith.constant 0.000000e+00 : f32
    %max3A_50 = vector.broadcast %max3A : f32 to vector<1000x128xf32>
    %max3A_51 = arith.maximumf %add3A_49, %max3A_50 : vector<1000x128xf32>
    %swap3A = arith.constant 0 : index
    %swap3A_52 = arith.constant 0 : index
    %swap3A_53 = vector.load %arg8[%swap3A, %swap3A_52] : memref<1000x128xf32, #tpu.memory_space<vmem>>, vector<1000x128xf32>
    tpu.vector_store %arg8[%swap3A, %swap3A_52], %max3A_51 {strides = array<i32>} : memref<1000x128xf32, #tpu.memory_space<vmem>>, vector<1000x128xf32>,
    %mul3A_54 = vector.broadcast %rsqrt3A : vector<1000x1xf32> to vector<1000x128xf32>
    %mul3A_55 = arith.mulf %get3A_10, %mul3A_54 : vector<1000x128xf32>
    %swap3A_56 = arith.constant 0 : index
    %swap3A_57 = arith.constant 0 : index
    %swap3A_58 = vector.load %arg9[%swap3A_56, %swap3A_57] : memref<1000x128xf32, #tpu.memory_space<vmem>>, vector<1000x128xf32>
    tpu.vector_store %arg9[%swap3A_56, %swap3A_57], %mul3A_55 {strides = array<i32>} : memref<1000x128xf32, #tpu.memory_space<vmem>>, vector<1000x128xf32>,
    %swap3A_59 = arith.constant 0 : index
    %swap3A_60 = arith.constant 0 : index
    %swap3A_61 = vector.load %arg10[%swap3A_59, %swap3A_60] : memref<1000x1xf32, #tpu.memory_space<vmem>>, vector<1000x1xf32>
    tpu.vector_store %arg10[%swap3A_59, %swap3A_60], %rsqrt3A {strides = array<i32>} : memref<1000x1xf32, #tpu.memory_space<vmem>>, vector<1000x1xf32>,
    return
  }
  func.func @transform_0(%arg0: i32) -> (i32, i32) {
    %c0_i32 = arith.constant 0 : i32
    %c0_i32_0 = arith.constant 0 : i32
    return %arg0, %c0_i32 : i32, i32
  }
  func.func @transform_1(%arg0: i32) -> (i32, i32) {
    %c0_i32 = arith.constant 0 : i32
    %c0_i32_0 = arith.constant 0 : i32
    return %arg0, %c0_i32 : i32, i32
  }
  func.func @transform_2(%arg0: i32) -> (i32, i32) {
    %c0_i32 = arith.constant 0 : i32
    %c0_i32_0 = arith.constant 0 : i32
    return %arg0, %c0_i32 : i32, i32
  }
  func.func @transform_3(%arg0: i32) -> (i32, i32) {
    %c0_i32 = arith.constant 0 : i32
    %c0_i32_0 = arith.constant 0 : i32
    %c0_i32_1 = arith.constant 0 : i32
    return %c0_i32, %c0_i32_0 : i32, i32
  }
  func.func @transform_4(%arg0: i32) -> (i32, i32) {
    %c0_i32 = arith.constant 0 : i32
    %c0_i32_0 = arith.constant 0 : i32
    %c0_i32_1 = arith.constant 0 : i32
    return %c0_i32, %c0_i32_0 : i32, i32
  }
  func.func @transform_5(%arg0: i32) -> (i32, i32) {
    %c0_i32 = arith.constant 0 : i32
    %c0_i32_0 = arith.constant 0 : i32
    %c0_i32_1 = arith.constant 0 : i32
    return %c0_i32, %c0_i32_0 : i32, i32
  }
  func.func @transform_6(%arg0: i32) -> (i32, i32) {
    %c0_i32 = arith.constant 0 : i32
    %c0_i32_0 = arith.constant 0 : i32
    %c0_i32_1 = arith.constant 0 : i32
    return %c0_i32, %c0_i32_0 : i32, i32
  }
  func.func @transform_7(%arg0: i32) -> (i32, i32) {
    %c0_i32 = arith.constant 0 : i32
    %c0_i32_0 = arith.constant 0 : i32
    return %arg0, %c0_i32 : i32, i32
  }
  func.func @transform_8(%arg0: i32) -> (i32, i32) {
    %c0_i32 = arith.constant 0 : i32
    %c0_i32_0 = arith.constant 0 : i32
    return %arg0, %c0_i32 : i32, i32
  }
  func.func @transform_9(%arg0: i32) -> (i32, i32) {
    %c0_i32 = arith.constant 0 : i32
    %c0_i32_0 = arith.constant 0 : i32
    return %arg0, %c0_i32 : i32, i32
  }
}

module attributes {stable_mosaic.version = 14 : i64} {
  func.func @_hop_body(%arg0: i32, %arg1: memref<1000x128xf32, #tpu.memory_space<vmem>>, %arg2: memref<1000x128xf32, #tpu.memory_space<vmem>>, %arg3: memref<1000x128xf32, #tpu.memory_space<vmem>>, %arg4: memref<1000x1xf32, #tpu.memory_space<vmem>>, %arg5: memref<128x128xf32, #tpu.memory_space<vmem>>, %arg6: memref<1x128xf32, #tpu.memory_space<vmem>>, %arg7: memref<1x128xf32, #tpu.memory_space<vmem>>, %arg8: memref<1x128xf32, #tpu.memory_space<vmem>>, %arg9: memref<1000x128xf32, #tpu.memory_space<vmem>>, %arg10: memref<1000x128xf32, #tpu.memory_space<vmem>>) attributes {dimension_semantics = [#tpu.dimension_semantics<arbitrary>], iteration_bounds = array<i64: 10>, scalar_prefetch = 0 : i64, scratch_operands = 0 : i64, tpu.core_type = #tpu.core_type<tc>, window_params = [{transform_indices = @transform_0, window_bounds = array<i64: 1000, 128>}, {transform_indices = @transform_1, window_bounds = array<i64: 1000, 128>}, {transform_indices = @transform_2, window_bounds = array<i64: 1000, 128>}, {transform_indices = @transform_3, window_bounds = array<i64: 1000, 1>}, {pipeline_mode = #tpu.pipeline_mode<synchronous>, transform_indices = @transform_4, window_bounds = array<i64: 128, 128>}, {pipeline_mode = #tpu.pipeline_mode<synchronous>, transform_indices = @transform_5, window_bounds = array<i64: 1, 128>}, {pipeline_mode = #tpu.pipeline_mode<synchronous>, transform_indices = @transform_6, window_bounds = array<i64: 1, 128>}, {pipeline_mode = #tpu.pipeline_mode<synchronous>, transform_indices = @transform_7, window_bounds = array<i64: 1, 128>}, {transform_indices = @transform_8, window_bounds = array<i64: 1000, 128>}, {transform_indices = @transform_9, window_bounds = array<i64: 1000, 128>}]} {
    %get3A = arith.constant 0 : index
    %get3A_0 = arith.constant 0 : index
    %get3A_1 = vector.load %arg4[%get3A, %get3A_0] : memref<1000x1xf32, #tpu.memory_space<vmem>>, vector<1000x1xf32>
    %get3A_2 = arith.constant 0 : index
    %get3A_3 = arith.constant 0 : index
    %get3A_4 = vector.load %arg1[%get3A_2, %get3A_3] : memref<1000x128xf32, #tpu.memory_space<vmem>>, vector<1000x128xf32>
    %get3A_5 = arith.constant 0 : index
    %get3A_6 = arith.constant 0 : index
    %get3A_7 = vector.load %arg2[%get3A_5, %get3A_6] : memref<1000x128xf32, #tpu.memory_space<vmem>>, vector<1000x128xf32>
    %add3A = arith.addf %get3A_4, %get3A_7 : vector<1000x128xf32>
    %get3A_8 = arith.constant 0 : index
    %get3A_9 = arith.constant 0 : index
    %get3A_10 = vector.load %arg3[%get3A_8, %get3A_9] : memref<1000x128xf32, #tpu.memory_space<vmem>>, vector<1000x128xf32>
    %add3A_11 = arith.addf %add3A, %get3A_10 : vector<1000x128xf32>
    %mul3A = vector.broadcast %get3A_1 : vector<1000x1xf32> to vector<1000x128xf32>
    %mul3A_12 = arith.mulf %add3A_11, %mul3A : vector<1000x128xf32>
    %get3A_13 = arith.constant 0 : index
    %get3A_14 = arith.constant 0 : index
    %get3A_15 = vector.load %arg5[%get3A_13, %get3A_14] : memref<128x128xf32, #tpu.memory_space<vmem>>, vector<128x128xf32>
    %get3A_16 = arith.constant 0 : index
    %get3A_17 = arith.constant 0 : index
    %get3A_18 = vector.load %arg6[%get3A_16, %get3A_17] : memref<1x128xf32, #tpu.memory_space<vmem>>, vector<1x128xf32>
    %get3A_19 = arith.constant 0 : index
    %get3A_20 = arith.constant 0 : index
    %get3A_21 = vector.load %arg7[%get3A_19, %get3A_20] : memref<1x128xf32, #tpu.memory_space<vmem>>, vector<1x128xf32>
    %get3A_22 = arith.constant 0 : index
    %get3A_23 = arith.constant 0 : index
    %get3A_24 = vector.load %arg8[%get3A_22, %get3A_23] : memref<1x128xf32, #tpu.memory_space<vmem>>, vector<1x128xf32>
    %dot_general3A = arith.constant dense<0.000000e+00> : vector<1000x128xf32>
    %dot_general3A_25 = tpu.matmul %mul3A_12, %get3A_15, %dot_general3A {dimension_numbers = #tpu.dot_dimension_numbers<[1], [0], [0], [1], [0, 0, 1, 1], [], []>, transpose_lhs_hint = false} : vector<1000x128xf32>, vector<128x128xf32>, vector<1000x128xf32> -> vector<1000x128xf32>
    %add3A_26 = vector.broadcast %get3A_18 : vector<1x128xf32> to vector<1000x128xf32>
    %add3A_27 = arith.addf %dot_general3A_25, %add3A_26 : vector<1000x128xf32>
    %reduce_sum3A = arith.constant dense<0.000000e+00> : vector<1000xf32>
    %reduce_sum3A_28 = vector.multi_reduction <add>, %add3A_27, %reduce_sum3A [1] : vector<1000x128xf32> to vector<1000xf32>
    %broadcast_in_dim3A = vector.shape_cast %reduce_sum3A_28 : vector<1000xf32> to vector<1000x1xf32>
    %div3A = arith.constant 1.280000e+02 : f32
    %div3A_29 = vector.broadcast %div3A : f32 to vector<1000x1xf32>
    %div3A_30 = arith.divf %broadcast_in_dim3A, %div3A_29 : vector<1000x1xf32>
    %sub3A = vector.broadcast %div3A_30 : vector<1000x1xf32> to vector<1000x128xf32>
    %sub3A_31 = arith.subf %add3A_27, %sub3A : vector<1000x128xf32>
    %sub3A_32 = vector.broadcast %div3A_30 : vector<1000x1xf32> to vector<1000x128xf32>
    %sub3A_33 = arith.subf %add3A_27, %sub3A_32 : vector<1000x128xf32>
    %mul3A_34 = arith.mulf %sub3A_31, %sub3A_33 : vector<1000x128xf32>
    %reduce_sum3A_35 = arith.constant dense<0.000000e+00> : vector<1000xf32>
    %reduce_sum3A_36 = vector.multi_reduction <add>, %mul3A_34, %reduce_sum3A_35 [1] : vector<1000x128xf32> to vector<1000xf32>
    %broadcast_in_dim3A_37 = vector.shape_cast %reduce_sum3A_36 : vector<1000xf32> to vector<1000x1xf32>
    %div3A_38 = arith.constant 1.280000e+02 : f32
    %div3A_39 = vector.broadcast %div3A_38 : f32 to vector<1000x1xf32>
    %div3A_40 = arith.divf %broadcast_in_dim3A_37, %div3A_39 : vector<1000x1xf32>
    %sub3A_41 = vector.broadcast %div3A_30 : vector<1000x1xf32> to vector<1000x128xf32>
    %sub3A_42 = arith.subf %add3A_27, %sub3A_41 : vector<1000x128xf32>
    %add3A_43 = arith.constant 9.99999974E-6 : f32
    %add3A_44 = vector.broadcast %add3A_43 : f32 to vector<1000x1xf32>
    %add3A_45 = arith.addf %div3A_40, %add3A_44 : vector<1000x1xf32>
    %rsqrt3A = math.rsqrt %add3A_45 : vector<1000x1xf32>
    %mul3A_46 = vector.broadcast %rsqrt3A : vector<1000x1xf32> to vector<1000x128xf32>
    %mul3A_47 = arith.mulf %sub3A_42, %mul3A_46 : vector<1000x128xf32>
    %mul3A_48 = vector.broadcast %get3A_21 : vector<1x128xf32> to vector<1000x128xf32>
    %mul3A_49 = arith.mulf %mul3A_47, %mul3A_48 : vector<1000x128xf32>
    %add3A_50 = vector.broadcast %get3A_24 : vector<1x128xf32> to vector<1000x128xf32>
    %add3A_51 = arith.addf %mul3A_49, %add3A_50 : vector<1000x128xf32>
    %max3A = arith.constant 0.000000e+00 : f32
    %max3A_52 = vector.broadcast %max3A : f32 to vector<1000x128xf32>
    %max3A_53 = arith.maximumf %add3A_51, %max3A_52 : vector<1000x128xf32>
    %swap3A = arith.constant 0 : index
    %swap3A_54 = arith.constant 0 : index
    %swap3A_55 = vector.load %arg9[%swap3A, %swap3A_54] : memref<1000x128xf32, #tpu.memory_space<vmem>>, vector<1000x128xf32>
    tpu.vector_store %arg9[%swap3A, %swap3A_54], %max3A_53 {strides = array<i32>} : memref<1000x128xf32, #tpu.memory_space<vmem>>, vector<1000x128xf32>,
    %mul3A_56 = vector.broadcast %get3A_1 : vector<1000x1xf32> to vector<1000x128xf32>
    %mul3A_57 = arith.mulf %mul3A_12, %mul3A_56 : vector<1000x128xf32>
    %swap3A_58 = arith.constant 0 : index
    %swap3A_59 = arith.constant 0 : index
    %swap3A_60 = vector.load %arg10[%swap3A_58, %swap3A_59] : memref<1000x128xf32, #tpu.memory_space<vmem>>, vector<1000x128xf32>
    tpu.vector_store %arg10[%swap3A_58, %swap3A_59], %mul3A_57 {strides = array<i32>} : memref<1000x128xf32, #tpu.memory_space<vmem>>, vector<1000x128xf32>,
    return
  }
  func.func @transform_0(%arg0: i32) -> (i32, i32) {
    %c0_i32 = arith.constant 0 : i32
    %c0_i32_0 = arith.constant 0 : i32
    return %arg0, %c0_i32 : i32, i32
  }
  func.func @transform_1(%arg0: i32) -> (i32, i32) {
    %c0_i32 = arith.constant 0 : i32
    %c0_i32_0 = arith.constant 0 : i32
    return %arg0, %c0_i32 : i32, i32
  }
  func.func @transform_2(%arg0: i32) -> (i32, i32) {
    %c0_i32 = arith.constant 0 : i32
    %c0_i32_0 = arith.constant 0 : i32
    return %arg0, %c0_i32 : i32, i32
  }
  func.func @transform_3(%arg0: i32) -> (i32, i32) {
    %c0_i32 = arith.constant 0 : i32
    %c0_i32_0 = arith.constant 0 : i32
    return %arg0, %c0_i32 : i32, i32
  }
  func.func @transform_4(%arg0: i32) -> (i32, i32) {
    %c0_i32 = arith.constant 0 : i32
    %c0_i32_0 = arith.constant 0 : i32
    %c0_i32_1 = arith.constant 0 : i32
    return %c0_i32, %c0_i32_0 : i32, i32
  }
  func.func @transform_5(%arg0: i32) -> (i32, i32) {
    %c0_i32 = arith.constant 0 : i32
    %c0_i32_0 = arith.constant 0 : i32
    %c0_i32_1 = arith.constant 0 : i32
    return %c0_i32, %c0_i32_0 : i32, i32
  }
  func.func @transform_6(%arg0: i32) -> (i32, i32) {
    %c0_i32 = arith.constant 0 : i32
    %c0_i32_0 = arith.constant 0 : i32
    %c0_i32_1 = arith.constant 0 : i32
    return %c0_i32, %c0_i32_0 : i32, i32
  }
  func.func @transform_7(%arg0: i32) -> (i32, i32) {
    %c0_i32 = arith.constant 0 : i32
    %c0_i32_0 = arith.constant 0 : i32
    %c0_i32_1 = arith.constant 0 : i32
    return %c0_i32, %c0_i32_0 : i32, i32
  }
  func.func @transform_8(%arg0: i32) -> (i32, i32) {
    %c0_i32 = arith.constant 0 : i32
    %c0_i32_0 = arith.constant 0 : i32
    return %arg0, %c0_i32 : i32, i32
  }
  func.func @transform_9(%arg0: i32) -> (i32, i32) {
    %c0_i32 = arith.constant 0 : i32
    %c0_i32_0 = arith.constant 0 : i32
    return %arg0, %c0_i32 : i32, i32
  }
}

module attributes {stable_mosaic.version = 14 : i64} {
  func.func @_hop_body(%arg0: i32, %arg1: memref<1000x128xf32, #tpu.memory_space<vmem>>, %arg2: memref<1000x128xf32, #tpu.memory_space<vmem>>, %arg3: memref<1000x128xf32, #tpu.memory_space<vmem>>, %arg4: memref<1000x1xf32, #tpu.memory_space<vmem>>, %arg5: memref<128x128xf32, #tpu.memory_space<vmem>>, %arg6: memref<1x128xf32, #tpu.memory_space<vmem>>, %arg7: memref<1x128xf32, #tpu.memory_space<vmem>>, %arg8: memref<1x128xf32, #tpu.memory_space<vmem>>, %arg9: memref<1000x128xf32, #tpu.memory_space<vmem>>, %arg10: memref<1000x128xf32, #tpu.memory_space<vmem>>) attributes {dimension_semantics = [#tpu.dimension_semantics<arbitrary>], iteration_bounds = array<i64: 10>, scalar_prefetch = 0 : i64, scratch_operands = 0 : i64, tpu.core_type = #tpu.core_type<tc>, window_params = [{transform_indices = @transform_0, window_bounds = array<i64: 1000, 128>}, {transform_indices = @transform_1, window_bounds = array<i64: 1000, 128>}, {transform_indices = @transform_2, window_bounds = array<i64: 1000, 128>}, {transform_indices = @transform_3, window_bounds = array<i64: 1000, 1>}, {pipeline_mode = #tpu.pipeline_mode<synchronous>, transform_indices = @transform_4, window_bounds = array<i64: 128, 128>}, {pipeline_mode = #tpu.pipeline_mode<synchronous>, transform_indices = @transform_5, window_bounds = array<i64: 1, 128>}, {pipeline_mode = #tpu.pipeline_mode<synchronous>, transform_indices = @transform_6, window_bounds = array<i64: 1, 128>}, {pipeline_mode = #tpu.pipeline_mode<synchronous>, transform_indices = @transform_7, window_bounds = array<i64: 1, 128>}, {transform_indices = @transform_8, window_bounds = array<i64: 1000, 128>}, {transform_indices = @transform_9, window_bounds = array<i64: 1000, 128>}]} {
    %get3A = arith.constant 0 : index
    %get3A_0 = arith.constant 0 : index
    %get3A_1 = vector.load %arg4[%get3A, %get3A_0] : memref<1000x1xf32, #tpu.memory_space<vmem>>, vector<1000x1xf32>
    %get3A_2 = arith.constant 0 : index
    %get3A_3 = arith.constant 0 : index
    %get3A_4 = vector.load %arg1[%get3A_2, %get3A_3] : memref<1000x128xf32, #tpu.memory_space<vmem>>, vector<1000x128xf32>
    %get3A_5 = arith.constant 0 : index
    %get3A_6 = arith.constant 0 : index
    %get3A_7 = vector.load %arg2[%get3A_5, %get3A_6] : memref<1000x128xf32, #tpu.memory_space<vmem>>, vector<1000x128xf32>
    %add3A = arith.addf %get3A_4, %get3A_7 : vector<1000x128xf32>
    %get3A_8 = arith.constant 0 : index
    %get3A_9 = arith.constant 0 : index
    %get3A_10 = vector.load %arg3[%get3A_8, %get3A_9] : memref<1000x128xf32, #tpu.memory_space<vmem>>, vector<1000x128xf32>
    %add3A_11 = arith.addf %add3A, %get3A_10 : vector<1000x128xf32>
    %mul3A = vector.broadcast %get3A_1 : vector<1000x1xf32> to vector<1000x128xf32>
    %mul3A_12 = arith.mulf %add3A_11, %mul3A : vector<1000x128xf32>
    %get3A_13 = arith.constant 0 : index
    %get3A_14 = arith.constant 0 : index
    %get3A_15 = vector.load %arg5[%get3A_13, %get3A_14] : memref<128x128xf32, #tpu.memory_space<vmem>>, vector<128x128xf32>
    %get3A_16 = arith.constant 0 : index
    %get3A_17 = arith.constant 0 : index
    %get3A_18 = vector.load %arg6[%get3A_16, %get3A_17] : memref<1x128xf32, #tpu.memory_space<vmem>>, vector<1x128xf32>
    %get3A_19 = arith.constant 0 : index
    %get3A_20 = arith.constant 0 : index
    %get3A_21 = vector.load %arg7[%get3A_19, %get3A_20] : memref<1x128xf32, #tpu.memory_space<vmem>>, vector<1x128xf32>
    %get3A_22 = arith.constant 0 : index
    %get3A_23 = arith.constant 0 : index
    %get3A_24 = vector.load %arg8[%get3A_22, %get3A_23] : memref<1x128xf32, #tpu.memory_space<vmem>>, vector<1x128xf32>
    %dot_general3A = arith.constant dense<0.000000e+00> : vector<1000x128xf32>
    %dot_general3A_25 = tpu.matmul %mul3A_12, %get3A_15, %dot_general3A {dimension_numbers = #tpu.dot_dimension_numbers<[1], [0], [0], [1], [0, 0, 1, 1], [], []>, transpose_lhs_hint = false} : vector<1000x128xf32>, vector<128x128xf32>, vector<1000x128xf32> -> vector<1000x128xf32>
    %add3A_26 = vector.broadcast %get3A_18 : vector<1x128xf32> to vector<1000x128xf32>
    %add3A_27 = arith.addf %dot_general3A_25, %add3A_26 : vector<1000x128xf32>
    %reduce_sum3A = arith.constant dense<0.000000e+00> : vector<1000xf32>
    %reduce_sum3A_28 = vector.multi_reduction <add>, %add3A_27, %reduce_sum3A [1] : vector<1000x128xf32> to vector<1000xf32>
    %broadcast_in_dim3A = vector.shape_cast %reduce_sum3A_28 : vector<1000xf32> to vector<1000x1xf32>
    %div3A = arith.constant 1.280000e+02 : f32
    %div3A_29 = vector.broadcast %div3A : f32 to vector<1000x1xf32>
    %div3A_30 = arith.divf %broadcast_in_dim3A, %div3A_29 : vector<1000x1xf32>
    %sub3A = vector.broadcast %div3A_30 : vector<1000x1xf32> to vector<1000x128xf32>
    %sub3A_31 = arith.subf %add3A_27, %sub3A : vector<1000x128xf32>
    %sub3A_32 = vector.broadcast %div3A_30 : vector<1000x1xf32> to vector<1000x128xf32>
    %sub3A_33 = arith.subf %add3A_27, %sub3A_32 : vector<1000x128xf32>
    %mul3A_34 = arith.mulf %sub3A_31, %sub3A_33 : vector<1000x128xf32>
    %reduce_sum3A_35 = arith.constant dense<0.000000e+00> : vector<1000xf32>
    %reduce_sum3A_36 = vector.multi_reduction <add>, %mul3A_34, %reduce_sum3A_35 [1] : vector<1000x128xf32> to vector<1000xf32>
    %broadcast_in_dim3A_37 = vector.shape_cast %reduce_sum3A_36 : vector<1000xf32> to vector<1000x1xf32>
    %div3A_38 = arith.constant 1.280000e+02 : f32
    %div3A_39 = vector.broadcast %div3A_38 : f32 to vector<1000x1xf32>
    %div3A_40 = arith.divf %broadcast_in_dim3A_37, %div3A_39 : vector<1000x1xf32>
    %sub3A_41 = vector.broadcast %div3A_30 : vector<1000x1xf32> to vector<1000x128xf32>
    %sub3A_42 = arith.subf %add3A_27, %sub3A_41 : vector<1000x128xf32>
    %add3A_43 = arith.constant 9.99999974E-6 : f32
    %add3A_44 = vector.broadcast %add3A_43 : f32 to vector<1000x1xf32>
    %add3A_45 = arith.addf %div3A_40, %add3A_44 : vector<1000x1xf32>
    %rsqrt3A = math.rsqrt %add3A_45 : vector<1000x1xf32>
    %mul3A_46 = vector.broadcast %rsqrt3A : vector<1000x1xf32> to vector<1000x128xf32>
    %mul3A_47 = arith.mulf %sub3A_42, %mul3A_46 : vector<1000x128xf32>
    %mul3A_48 = vector.broadcast %get3A_21 : vector<1x128xf32> to vector<1000x128xf32>
    %mul3A_49 = arith.mulf %mul3A_47, %mul3A_48 : vector<1000x128xf32>
    %add3A_50 = vector.broadcast %get3A_24 : vector<1x128xf32> to vector<1000x128xf32>
    %add3A_51 = arith.addf %mul3A_49, %add3A_50 : vector<1000x128xf32>
    %max3A = arith.constant 0.000000e+00 : f32
    %max3A_52 = vector.broadcast %max3A : f32 to vector<1000x128xf32>
    %max3A_53 = arith.maximumf %add3A_51, %max3A_52 : vector<1000x128xf32>
    %swap3A = arith.constant 0 : index
    %swap3A_54 = arith.constant 0 : index
    %swap3A_55 = vector.load %arg9[%swap3A, %swap3A_54] : memref<1000x128xf32, #tpu.memory_space<vmem>>, vector<1000x128xf32>
    tpu.vector_store %arg9[%swap3A, %swap3A_54], %max3A_53 {strides = array<i32>} : memref<1000x128xf32, #tpu.memory_space<vmem>>, vector<1000x128xf32>,
    %mul3A_56 = vector.broadcast %get3A_1 : vector<1000x1xf32> to vector<1000x128xf32>
    %mul3A_57 = arith.mulf %mul3A_12, %mul3A_56 : vector<1000x128xf32>
    %swap3A_58 = arith.constant 0 : index
    %swap3A_59 = arith.constant 0 : index
    %swap3A_60 = vector.load %arg10[%swap3A_58, %swap3A_59] : memref<1000x128xf32, #tpu.memory_space<vmem>>, vector<1000x128xf32>
    tpu.vector_store %arg10[%swap3A_58, %swap3A_59], %mul3A_57 {strides = array<i32>} : memref<1000x128xf32, #tpu.memory_space<vmem>>, vector<1000x128xf32>,
    return
  }
  func.func @transform_0(%arg0: i32) -> (i32, i32) {
    %c0_i32 = arith.constant 0 : i32
    %c0_i32_0 = arith.constant 0 : i32
    return %arg0, %c0_i32 : i32, i32
  }
  func.func @transform_1(%arg0: i32) -> (i32, i32) {
    %c0_i32 = arith.constant 0 : i32
    %c0_i32_0 = arith.constant 0 : i32
    return %arg0, %c0_i32 : i32, i32
  }
  func.func @transform_2(%arg0: i32) -> (i32, i32) {
    %c0_i32 = arith.constant 0 : i32
    %c0_i32_0 = arith.constant 0 : i32
    return %arg0, %c0_i32 : i32, i32
  }
  func.func @transform_3(%arg0: i32) -> (i32, i32) {
    %c0_i32 = arith.constant 0 : i32
    %c0_i32_0 = arith.constant 0 : i32
    return %arg0, %c0_i32 : i32, i32
  }
  func.func @transform_4(%arg0: i32) -> (i32, i32) {
    %c0_i32 = arith.constant 0 : i32
    %c0_i32_0 = arith.constant 0 : i32
    %c0_i32_1 = arith.constant 0 : i32
    return %c0_i32, %c0_i32_0 : i32, i32
  }
  func.func @transform_5(%arg0: i32) -> (i32, i32) {
    %c0_i32 = arith.constant 0 : i32
    %c0_i32_0 = arith.constant 0 : i32
    %c0_i32_1 = arith.constant 0 : i32
    return %c0_i32, %c0_i32_0 : i32, i32
  }
  func.func @transform_6(%arg0: i32) -> (i32, i32) {
    %c0_i32 = arith.constant 0 : i32
    %c0_i32_0 = arith.constant 0 : i32
    %c0_i32_1 = arith.constant 0 : i32
    return %c0_i32, %c0_i32_0 : i32, i32
  }
  func.func @transform_7(%arg0: i32) -> (i32, i32) {
    %c0_i32 = arith.constant 0 : i32
    %c0_i32_0 = arith.constant 0 : i32
    %c0_i32_1 = arith.constant 0 : i32
    return %c0_i32, %c0_i32_0 : i32, i32
  }
  func.func @transform_8(%arg0: i32) -> (i32, i32) {
    %c0_i32 = arith.constant 0 : i32
    %c0_i32_0 = arith.constant 0 : i32
    return %arg0, %c0_i32 : i32, i32
  }
  func.func @transform_9(%arg0: i32) -> (i32, i32) {
    %c0_i32 = arith.constant 0 : i32
    %c0_i32_0 = arith.constant 0 : i32
    return %arg0, %c0_i32 : i32, i32
  }
}

module attributes {stable_mosaic.version = 14 : i64} {
  func.func @_final_body(%arg0: i32, %arg1: memref<1000x128xf32, #tpu.memory_space<vmem>>, %arg2: memref<1000x128xf32, #tpu.memory_space<vmem>>, %arg3: memref<1000x128xf32, #tpu.memory_space<vmem>>, %arg4: memref<1000x128xf32, #tpu.memory_space<vmem>>, %arg5: memref<512x128xf32, #tpu.memory_space<vmem>>, %arg6: memref<1x128xf32, #tpu.memory_space<vmem>>, %arg7: memref<1x128xf32, #tpu.memory_space<vmem>>, %arg8: memref<1x128xf32, #tpu.memory_space<vmem>>, %arg9: memref<1000x128xf32, #tpu.memory_space<vmem>>) attributes {dimension_semantics = [#tpu.dimension_semantics<arbitrary>], iteration_bounds = array<i64: 10>, scalar_prefetch = 0 : i64, scratch_operands = 0 : i64, tpu.core_type = #tpu.core_type<tc>, window_params = [{transform_indices = @transform_0, window_bounds = array<i64: 1000, 128>}, {transform_indices = @transform_1, window_bounds = array<i64: 1000, 128>}, {transform_indices = @transform_2, window_bounds = array<i64: 1000, 128>}, {transform_indices = @transform_3, window_bounds = array<i64: 1000, 128>}, {pipeline_mode = #tpu.pipeline_mode<synchronous>, transform_indices = @transform_4, window_bounds = array<i64: 512, 128>}, {pipeline_mode = #tpu.pipeline_mode<synchronous>, transform_indices = @transform_5, window_bounds = array<i64: 1, 128>}, {pipeline_mode = #tpu.pipeline_mode<synchronous>, transform_indices = @transform_6, window_bounds = array<i64: 1, 128>}, {pipeline_mode = #tpu.pipeline_mode<synchronous>, transform_indices = @transform_7, window_bounds = array<i64: 1, 128>}, {transform_indices = @transform_8, window_bounds = array<i64: 1000, 128>}]} {
    %get3A = arith.constant 0 : index
    %get3A_0 = arith.constant 0 : index
    %get3A_1 = vector.load %arg5[%get3A, %get3A_0] : memref<512x128xf32, #tpu.memory_space<vmem>>, vector<512x128xf32>
    %get3A_2 = arith.constant 0 : index
    %get3A_3 = arith.constant 0 : index
    %get3A_4 = vector.load %arg1[%get3A_2, %get3A_3] : memref<1000x128xf32, #tpu.memory_space<vmem>>, vector<1000x128xf32>
    %slice3A = vector.extract_strided_slice %get3A_1 {offsets = [0, 0], sizes = [128, 128], strides = [1, 1]} : vector<512x128xf32> to vector<128x128xf32>
    %dot_general3A = arith.constant dense<0.000000e+00> : vector<1000x128xf32>
    %dot_general3A_5 = tpu.matmul %get3A_4, %slice3A, %dot_general3A {dimension_numbers = #tpu.dot_dimension_numbers<[1], [0], [0], [1], [0, 0, 1, 1], [], []>, transpose_lhs_hint = false} : vector<1000x128xf32>, vector<128x128xf32>, vector<1000x128xf32> -> vector<1000x128xf32>
    %get3A_6 = arith.constant 0 : index
    %get3A_7 = arith.constant 0 : index
    %get3A_8 = vector.load %arg2[%get3A_6, %get3A_7] : memref<1000x128xf32, #tpu.memory_space<vmem>>, vector<1000x128xf32>
    %slice3A_9 = vector.extract_strided_slice %get3A_1 {offsets = [128, 0], sizes = [128, 128], strides = [1, 1]} : vector<512x128xf32> to vector<128x128xf32>
    %dot_general3A_10 = arith.constant dense<0.000000e+00> : vector<1000x128xf32>
    %dot_general3A_11 = tpu.matmul %get3A_8, %slice3A_9, %dot_general3A_10 {dimension_numbers = #tpu.dot_dimension_numbers<[1], [0], [0], [1], [0, 0, 1, 1], [], []>, transpose_lhs_hint = false} : vector<1000x128xf32>, vector<128x128xf32>, vector<1000x128xf32> -> vector<1000x128xf32>
    %add3A = arith.addf %dot_general3A_5, %dot_general3A_11 : vector<1000x128xf32>
    %get3A_12 = arith.constant 0 : index
    %get3A_13 = arith.constant 0 : index
    %get3A_14 = vector.load %arg3[%get3A_12, %get3A_13] : memref<1000x128xf32, #tpu.memory_space<vmem>>, vector<1000x128xf32>
    %slice3A_15 = vector.extract_strided_slice %get3A_1 {offsets = [256, 0], sizes = [128, 128], strides = [1, 1]} : vector<512x128xf32> to vector<128x128xf32>
    %dot_general3A_16 = arith.constant dense<0.000000e+00> : vector<1000x128xf32>
    %dot_general3A_17 = tpu.matmul %get3A_14, %slice3A_15, %dot_general3A_16 {dimension_numbers = #tpu.dot_dimension_numbers<[1], [0], [0], [1], [0, 0, 1, 1], [], []>, transpose_lhs_hint = false} : vector<1000x128xf32>, vector<128x128xf32>, vector<1000x128xf32> -> vector<1000x128xf32>
    %add3A_18 = arith.addf %add3A, %dot_general3A_17 : vector<1000x128xf32>
    %get3A_19 = arith.constant 0 : index
    %get3A_20 = arith.constant 0 : index
    %get3A_21 = vector.load %arg4[%get3A_19, %get3A_20] : memref<1000x128xf32, #tpu.memory_space<vmem>>, vector<1000x128xf32>
    %slice3A_22 = vector.extract_strided_slice %get3A_1 {offsets = [384, 0], sizes = [128, 128], strides = [1, 1]} : vector<512x128xf32> to vector<128x128xf32>
    %dot_general3A_23 = arith.constant dense<0.000000e+00> : vector<1000x128xf32>
    %dot_general3A_24 = tpu.matmul %get3A_21, %slice3A_22, %dot_general3A_23 {dimension_numbers = #tpu.dot_dimension_numbers<[1], [0], [0], [1], [0, 0, 1, 1], [], []>, transpose_lhs_hint = false} : vector<1000x128xf32>, vector<128x128xf32>, vector<1000x128xf32> -> vector<1000x128xf32>
    %add3A_25 = arith.addf %add3A_18, %dot_general3A_24 : vector<1000x128xf32>
    %get3A_26 = arith.constant 0 : index
    %get3A_27 = arith.constant 0 : index
    %get3A_28 = vector.load %arg6[%get3A_26, %get3A_27] : memref<1x128xf32, #tpu.memory_space<vmem>>, vector<1x128xf32>
    %add3A_29 = vector.broadcast %get3A_28 : vector<1x128xf32> to vector<1000x128xf32>
    %add3A_30 = arith.addf %add3A_25, %add3A_29 : vector<1000x128xf32>
    %reduce_sum3A = arith.constant dense<0.000000e+00> : vector<1000xf32>
    %reduce_sum3A_31 = vector.multi_reduction <add>, %add3A_30, %reduce_sum3A [1] : vector<1000x128xf32> to vector<1000xf32>
    %broadcast_in_dim3A = vector.shape_cast %reduce_sum3A_31 : vector<1000xf32> to vector<1000x1xf32>
    %div3A = arith.constant 1.280000e+02 : f32
    %div3A_32 = vector.broadcast %div3A : f32 to vector<1000x1xf32>
    %div3A_33 = arith.divf %broadcast_in_dim3A, %div3A_32 : vector<1000x1xf32>
    %sub3A = vector.broadcast %div3A_33 : vector<1000x1xf32> to vector<1000x128xf32>
    %sub3A_34 = arith.subf %add3A_30, %sub3A : vector<1000x128xf32>
    %sub3A_35 = vector.broadcast %div3A_33 : vector<1000x1xf32> to vector<1000x128xf32>
    %sub3A_36 = arith.subf %add3A_30, %sub3A_35 : vector<1000x128xf32>
    %mul3A = arith.mulf %sub3A_34, %sub3A_36 : vector<1000x128xf32>
    %reduce_sum3A_37 = arith.constant dense<0.000000e+00> : vector<1000xf32>
    %reduce_sum3A_38 = vector.multi_reduction <add>, %mul3A, %reduce_sum3A_37 [1] : vector<1000x128xf32> to vector<1000xf32>
    %broadcast_in_dim3A_39 = vector.shape_cast %reduce_sum3A_38 : vector<1000xf32> to vector<1000x1xf32>
    %div3A_40 = arith.constant 1.280000e+02 : f32
    %div3A_41 = vector.broadcast %div3A_40 : f32 to vector<1000x1xf32>
    %div3A_42 = arith.divf %broadcast_in_dim3A_39, %div3A_41 : vector<1000x1xf32>
    %sub3A_43 = vector.broadcast %div3A_33 : vector<1000x1xf32> to vector<1000x128xf32>
    %sub3A_44 = arith.subf %add3A_30, %sub3A_43 : vector<1000x128xf32>
    %add3A_45 = arith.constant 9.99999974E-6 : f32
    %add3A_46 = vector.broadcast %add3A_45 : f32 to vector<1000x1xf32>
    %add3A_47 = arith.addf %div3A_42, %add3A_46 : vector<1000x1xf32>
    %rsqrt3A = math.rsqrt %add3A_47 : vector<1000x1xf32>
    %mul3A_48 = vector.broadcast %rsqrt3A : vector<1000x1xf32> to vector<1000x128xf32>
    %mul3A_49 = arith.mulf %sub3A_44, %mul3A_48 : vector<1000x128xf32>
    %get3A_50 = arith.constant 0 : index
    %get3A_51 = arith.constant 0 : index
    %get3A_52 = vector.load %arg7[%get3A_50, %get3A_51] : memref<1x128xf32, #tpu.memory_space<vmem>>, vector<1x128xf32>
    %mul3A_53 = vector.broadcast %get3A_52 : vector<1x128xf32> to vector<1000x128xf32>
    %mul3A_54 = arith.mulf %mul3A_49, %mul3A_53 : vector<1000x128xf32>
    %get3A_55 = arith.constant 0 : index
    %get3A_56 = arith.constant 0 : index
    %get3A_57 = vector.load %arg8[%get3A_55, %get3A_56] : memref<1x128xf32, #tpu.memory_space<vmem>>, vector<1x128xf32>
    %add3A_58 = vector.broadcast %get3A_57 : vector<1x128xf32> to vector<1000x128xf32>
    %add3A_59 = arith.addf %mul3A_54, %add3A_58 : vector<1000x128xf32>
    %max3A = arith.constant 0.000000e+00 : f32
    %max3A_60 = vector.broadcast %max3A : f32 to vector<1000x128xf32>
    %max3A_61 = arith.maximumf %add3A_59, %max3A_60 : vector<1000x128xf32>
    %swap3A = arith.constant 0 : index
    %swap3A_62 = arith.constant 0 : index
    %swap3A_63 = vector.load %arg9[%swap3A, %swap3A_62] : memref<1000x128xf32, #tpu.memory_space<vmem>>, vector<1000x128xf32>
    tpu.vector_store %arg9[%swap3A, %swap3A_62], %max3A_61 {strides = array<i32>} : memref<1000x128xf32, #tpu.memory_space<vmem>>, vector<1000x128xf32>,
    return
  }
  func.func @transform_0(%arg0: i32) -> (i32, i32) {
    %c0_i32 = arith.constant 0 : i32
    %c0_i32_0 = arith.constant 0 : i32
    return %arg0, %c0_i32 : i32, i32
  }
  func.func @transform_1(%arg0: i32) -> (i32, i32) {
    %c0_i32 = arith.constant 0 : i32
    %c0_i32_0 = arith.constant 0 : i32
    return %arg0, %c0_i32 : i32, i32
  }
  func.func @transform_2(%arg0: i32) -> (i32, i32) {
    %c0_i32 = arith.constant 0 : i32
    %c0_i32_0 = arith.constant 0 : i32
    return %arg0, %c0_i32 : i32, i32
  }
  func.func @transform_3(%arg0: i32) -> (i32, i32) {
    %c0_i32 = arith.constant 0 : i32
    %c0_i32_0 = arith.constant 0 : i32
    return %arg0, %c0_i32 : i32, i32
  }
  func.func @transform_4(%arg0: i32) -> (i32, i32) {
    %c0_i32 = arith.constant 0 : i32
    %c0_i32_0 = arith.constant 0 : i32
    %c0_i32_1 = arith.constant 0 : i32
    return %c0_i32, %c0_i32_0 : i32, i32
  }
  func.func @transform_5(%arg0: i32) -> (i32, i32) {
    %c0_i32 = arith.constant 0 : i32
    %c0_i32_0 = arith.constant 0 : i32
    %c0_i32_1 = arith.constant 0 : i32
    return %c0_i32, %c0_i32_0 : i32, i32
  }
  func.func @transform_6(%arg0: i32) -> (i32, i32) {
    %c0_i32 = arith.constant 0 : i32
    %c0_i32_0 = arith.constant 0 : i32
    %c0_i32_1 = arith.constant 0 : i32
    return %c0_i32, %c0_i32_0 : i32, i32
  }
  func.func @transform_7(%arg0: i32) -> (i32, i32) {
    %c0_i32 = arith.constant 0 : i32
    %c0_i32_0 = arith.constant 0 : i32
    %c0_i32_1 = arith.constant 0 : i32
    return %c0_i32, %c0_i32_0 : i32, i32
  }
  func.func @transform_8(%arg0: i32) -> (i32, i32) {
    %c0_i32 = arith.constant 0 : i32
    %c0_i32_0 = arith.constant 0 : i32
    return %arg0, %c0_i32 : i32, i32
  }
}

</mosaic_0001>

<sc_bundles>
// kernel: kernel.11.cloned.1.call-start
scs
__scs_entry_jumppad:
0x0: {  	(pc) =	sbr.rel $0x88, $3  }
0x1: {  	(tag) =	ssettag $0x0;
	lr =	simm.s32 $0x1  }
0x2: {  	[smem:$0x3F97] =	sst lr;
	_ =	strace $0xD0000000  }
0x3: {  	_ = 	snop  }
0x4: {  	_ = 	snop  }
0x5: {  	_ = 	snop  }
0x6: {  	_ = 	snop  }
0x7: {  	_ = 	snop  }
__scs_overlays_trampoline_lowered:
0x8: {  	[smem:$0x3FA6] =	sst s0  }
0x9: {  	[smem:$0x3FA7] =	sst s1  }
0xa: {  	[smem:$0x3FA8] =	sst s2  }
0xb: {  	[smem:$0x3FA9] =	sst s3  }
0xc: {  	[smem:$0x3FAA] =	sst s4  }
0xd: {  	[smem:$0x3FAB] =	sst s5  }
0xe: {  	[smem:$0x3FAC] =	sst s6  }
0xf: {  	[smem:$0x3FAD] =	sst s7  }
0x10: {  	[smem:$0x3FAE] =	sst s8  }
0x11: {  	[smem:$0x3FAF] =	sst s9;
	s0 =	simm.s32 @!p0 $0x0  }
0x12: {  	s1 =	sld [smem:$0x3F95];
	s0 =	simm.s32 @p0 $0x1  }
0x13: {  	[smem:$0x3FB0] =	sst s0;
	s0 =	simm.s32 @!p1 $0x0  }
0x14: {  	s2 =	sld [smem:$0x3F94];
	s0 =	simm.s32 @p1 $0x1  }
0x15: {  	[smem:$0x3FB1] =	sst s0;
	s0 =	simm.s32 @!p2 $0x0  }
0x16: {  	s3 =	sld [smem:$0x3FDB];
	s0 =	simm.s32 @p2 $0x1  }
0x17: {  	s4 =	simm.s32 $0x1BF5;
	[smem:$0x3FB3] =	sst s0  }
0x18: {  	s0 =	sld [smem:$0x3F96];
	_ =	swait.ge [sflag:s4], $0x0  }
0x19: {  	s7 =	sld [smem:$0x3F97]  }
0x1a: {  	s8 =	sadd.s32 $0xFFFFE003, lr  }
0x1b: {  	s9 =	sadd.s32 $0xFFFFFEF7, lr;
	s5 =	simm.s32 $0xFFFFFFFF;
	p2 =	slt.u32 s8, $0xFFFFF086  }
0x1c: {  	p1 =	slt.u32 s9, $0xF7A;
	s5 =	simm.s32 @!p2 $0x0  }
0x1d: {  	s5 =	simm.s32 @p1 $0x1;
	p0 =	seq.s32 s7, s2  }
0x1e: {  	s7 =	smul.u32 @!p0 $0xF7A, s2;
	p2 =	seq.s32 @!p0 s5, $0x0  }
0x1f: {  	s9 =	smul.u32 $0xF7A, s1;
	s8 =	simm.s32 @!p0 $0x1BF5;
	p2 =	por !p2, p0  }
0x20: {  	[sflag:s8] =	ssyncset.s32 @!p0 $0xFFFFF086;
	s6 =	sadd.s32 @!p0 s3, s7;
	s7 =	simm.s32 @!p0 $0x108  }
0x21: {  	s3 =	sadd.s32 s3, s9;
	s6 =	sadd.s32 @!p0 $0x88, s6;
	s7 =	simm.s32 @p2 $0x1082  }
0x22: {  	[simem:s7], [sflag:s8] =	dma.local @!p0 [hbm:s6], $0xF7A  }
0x23: {  	s9 =	sor.u32 $0xD0000000, s2;
	s6 =	simm.s32 $0x108;
	_ =	swait.ge @!p0 [sflag:s8], $0x0  }
0x24: {  	s3 =	sadd.s32 $0x88, s3;
	s6 =	simm.s32 @!p1 $0x1082;
	[sflag:s4] =	ssyncset.s32 $0xFFFFF086  }
0x25: {  	[simem:s6], [sflag:s4] =	dma.local [hbm:s3], $0xF7A  }
0x26: {  	[smem:$0x3F97] =	sst s1;
	(tag) =	ssettag s2;
	_ =	strace s9  }
0x27: {  	s1 =	sld [smem:$0x3FA7]  }
0x28: {  	s2 =	sld [smem:$0x3FA8]  }
0x29: {  	s4 =	sld [smem:$0x3FAA]  }
0x2a: {  	p0 =	seq.s32 s5, $0x0;
	s5 =	sld [smem:$0x3FAB]  }
0x2b: {  	s6 =	sld [smem:$0x3FAC]  }
0x2c: {  	s7 =	sld [smem:$0x3FAD]  }
0x2d: {  	s3 =	simm.s32 $0x108;
	s8 =	sld [smem:$0x3FAE]  }
0x2e: {  	s3 =	simm.s32 @!p0 $0x1082;
	s9 =	sld [smem:$0x3FAF]  }
0x2f: {  	lr =	sadd.s32 s0, s3;
	s0 =	sld [smem:$0x3FA6]  }
0x30: {  	s3 =	sld [smem:$0x3FA9]  }
0x31: {  	[smem:$0x3FB2] =	sst s10  }
0x32: {  	s10 =	sld [smem:$0x3FB0];
	_ =	sdelay $0x3  }
0x33: {  	p0 =	seq.s32 s10, $0x1;
	s10 =	sld [smem:$0x3FB2];
	_ =	sdelay $0x3  }
0x34: {  	[smem:$0x3FB2] =	sst s10  }
0x35: {  	s10 =	sld [smem:$0x3FB1];
	_ =	sdelay $0x3  }
0x36: {  	p1 =	seq.s32 s10, $0x1;
	s10 =	sld [smem:$0x3FB2];
	_ =	sdelay $0x3  }
0x37: {  	[smem:$0x3FB2] =	sst s10  }
0x38: {  	s10 =	sld [smem:$0x3FB3]  }
0x39: {  	_ = 	snop;
	(pc) =	sbr.ind lr, $3  }
0x3a: {  	_ = 	snop  }
0x3b: {  	_ = 	snop  }
0x3c: {  	p2 =	seq.s32 s10, $0x1;
	s10 =	sld [smem:$0x3FB2]  }
0x3d: {  	_ =	shalt  }
0x3e: {  	_ =	shalt  }
0x3f: {  	_ =	shalt  }
0x40: {  	_ =	shalt  }
0x41: {  	_ =	shalt  }
0x42: {  	_ =	shalt  }
0x43: {  	_ =	shalt  }
0x44: {  	_ =	shalt  }
0x45: {  	_ =	shalt  }
0x46: {  	_ =	shalt  }
0x47: {  	_ =	shalt  }
0x48: {  	_ =	shalt  }
0x49: {  	_ =	shalt  }
0x4a: {  	_ =	shalt  }
0x4b: {  	_ =	shalt  }
0x4c: {  	_ =	shalt  }
0x4d: {  	_ =	shalt  }
0x4e: {  	_ =	shalt  }
0x4f: {  	_ =	shalt  }
0x50: {  	_ =	shalt  }
0x51: {  	_ =	shalt  }
0x52: {  	_ =	shalt  }
0x53: {  	_ =	shalt  }
0x54: {  	_ =	shalt  }
0x55: {  	_ =	shalt  }
0x56: {  	_ =	shalt  }
0x57: {  	_ =	shalt  }
0x58: {  	_ =	shalt  }
0x59: {  	_ =	shalt  }
0x5a: {  	_ =	shalt  }
0x5b: {  	_ =	shalt  }
0x5c: {  	_ =	shalt  }
0x5d: {  	_ =	shalt  }
0x5e: {  	_ =	shalt  }
0x5f: {  	_ =	shalt  }
0x60: {  	_ =	shalt  }
0x61: {  	_ =	shalt  }
0x62: {  	_ =	shalt  }
0x63: {  	_ =	shalt  }
0x64: {  	_ =	shalt  }
0x65: {  	_ =	shalt  }
0x66: {  	_ =	shalt  }
0x67: {  	_ =	shalt  }
0x68: {  	_ =	shalt  }
0x69: {  	_ =	shalt  }
0x6a: {  	_ =	shalt  }
0x6b: {  	_ =	shalt  }
0x6c: {  	_ =	shalt  }
0x6d: {  	_ =	shalt  }
0x6e: {  	_ =	shalt  }
0x6f: {  	_ =	shalt  }
0x70: {  	_ =	shalt  }
0x71: {  	_ =	shalt  }
0x72: {  	_ =	shalt  }
0x73: {  	_ =	shalt  }
0x74: {  	_ =	shalt  }
0x75: {  	_ =	shalt  }
0x76: {  	_ =	shalt  }
0x77: {  	_ =	shalt  }
0x78: {  	_ =	shalt  }
0x79: {  	_ =	shalt  }
0x7a: {  	_ =	shalt  }
0x7b: {  	_ =	shalt  }
0x7c: {  	_ =	shalt  }
0x7d: {  	_ =	shalt  }
0x7e: {  	_ =	shalt  }
0x7f: {  	_ =	shalt  }
0x80: {  	_ =	shalt  }
0x81: {  	_ =	shalt  }
0x82: {  	_ =	shalt  }
0x83: {  	_ =	shalt  }
0x84: {  	_ =	shalt  }
0x85: {  	_ =	shalt  }
0x86: {  	_ =	shalt  }
0x87: {  	_ =	shalt  }
.Lfunc_end0:
.L_simem_size_0:
called_computation_lowered:
.L_overlay_start_0:
0x88: {  	s2 =	sld [smem:$0x3FD9]  }
0x89: {  	s3 =	sld [smem:$0x3FFE];
	_ =	sdelay $0x1  }
0x8a: {  	s1 =	srdreg.scid  }
0x8b: {  	s0 =	sand.u32 $0x1, s1  }
0x8c: {  	s17 =	sshll.u32 s0, $0xA;
	s2 =	sadd.s32 s3, s2  }
0x8d: {  	s2 =	sadd.s32 s2, s17  }
0x8e: {  	[smem:$0x3FBE] =	sst s2  }
0x8f: {  	_ = 	snop  }
0x90: {  	s2 =	sld [smem:$0x3FD0];
	(tm) =	ssettm $0x1  }
0x91: {  	s18 =	sld [smem:$0x3FFB];
	_ =	sdelay $0x3  }
0x92: {  	_ =	strace s18  }
0x93: {  	s3 =	sld [smem:$0x3FFC];
	_ =	sdelay $0x3  }
0x94: {  	_ =	strace s3  }
0x95: {  	s3 =	sld [smem:$0x3FFD];
	_ =	sdelay $0x3  }
0x96: {  	_ =	strace s3  }
0x97: {  	_ =	strace $0x8FFFFFFF  }
0x98: {  	s19 =	sld [smem:$0x3FDB];
	_ =	sdelay $0x1  }
0x99: {  	s4 =	simm.s32 $_scs_section_size  }
0x9a: {  	s5 =	simm.s32 $_size__tile_overlayer_lowered;
	s6 =	simm.s32 $_tile_overlayer_lowered  }
0x9b: {  	s22 =	simm.s32 $0x1BFF;
	s21 =	sshll.u32 s6, $0x1;
	s3 =	sadd.s32 s4, s19  }
0x9c: {  	s7 =	simm.s32 $0x0;
	s20 =	sshll.u32 s5, $0x1;
	s5 =	sadd.s32 s21, s3  }
0x9d: {  	[timem:s7], [sflag:s22] =	dma.local [hbm:s5], s20  }
0x9e: {  	_ =	swait.ge [sflag:s22], s20  }
0x9f: {  	s4 =	ssub.s32 $0x0, s20;
	[sflag:s22] =	ssyncset.done $0x0  }
0xa0: {  	[sflag:s22] =	ssyncadd.s32 s4;
	_ =	sdelay $0x1  }
0xa1: {  	s23 =	simm.s32 $0x1B8B  }
0xa2: {  	_ =	swait.ge [sflag:s23], $0x1  }
0xa3: {  	[sflag:s23] =	ssyncset.done $0x0  }
0xa4: {  	s25 =	simm.s32 $0x1B8E;
	s24 =	sld [smem:$0x3FFE];
	[sflag:s23] =	ssyncadd.s32 $0xFFFFFFFF  }
0xa5: {  	s26 =	simm.s32 $execute0_lowered;
	[smem:$0x3FD2] =	sst s25  }
0xa6: {  	s5 =	sshll.u32 s26, $0x1;
	_ =	strace $0x80000046;
	[dreg:$0x1] =	wrdreg $0xFFFFFFFF  }
0xa7: {  	s28 =	simm.s32 $_size_execute0_lowered;
	s3 =	sadd.s32 s3, s5;
	[dreg:$0x0] =	wrdreg $0x0  }
0xa8: {  	s5 =	sshll.u32 s28, $0x1;
	[dreg:$0x2] =	wrdreg s3  }
0xa9: {  	[dreg:$0x3] =	wrdreg s5  }
0xaa: {  	[dreg:$0x4] =	wrdreg $0xC0  }
0xab: {  	_ =	task [dreg:s7], $0x5FFFF  }
0xac: {  	[dreg:$0x1] =	wrdreg $0xFFFFFFFF  }
0xad: {  	[dreg:$0x0] =	wrdreg $0x60  }
0xae: {  	[dreg:$0x2] =	wrdreg s24  }
0xaf: {  	[dreg:$0x3] =	wrdreg s2  }
0xb0: {  	[dreg:$0x4] =	wrdreg $0xB4000  }
0xb1: {  	[dreg:$0x5] =	wrdreg $0x9  }
0xb2: {  	_ =	task.clear_ibuf [dreg:s7], $0x6FFFF;
	_ =	strace $0x90000046  }
0xb3: {  	s29 =	simm.s32 $0x9;
	_ =	strace $0x80000048  }
0xb4: {  	_ =	swait.ge [sflag:s29], $0x1  }
0xb5: {  	[sflag:s29] =	ssyncadd.s32 $0xFFFFFFFF  }
0xb6: {  	_ =	strace $0x90000048  }
0xb7: {  	_ =	sfence  }
0xb8: {  	s30 =	sld [smem:$0x0];
	_ =	sdelay $0x2  }
0xb9: {  	s31 =	sshll.u32 s1, $0xD;
	s1 =	sshrl.u32 s1, $0x2  }
0xba: {  	s3 =	sand.u32 $0x4000, s31;
	s1 =	sadd.s32 s1, s30  }
0xbb: {  	s0 =	sor.u32 s3, s0;
	s1 =	sshll.u32 s1, $0x11  }
0xbc: {  	s0 =	sor.u32 s1, s0  }
0xbd: {  	s0 =	sadd.s32 $0x8F2B, s0  }
0xbe: {  	[sflag:s0] =	ssyncadd.remote.s32 $0x1  }
0xbf: {  	_ =	sfence.sel $0xFFFF  }
0xc0: {  	[dreg:$0x0] =	wrdreg $0xFFFFFFFF;
	(pc) =	sbr.abs _section_cstart, $3  }
0xc1: {  	[dreg:$0x1] =	wrdreg $0xFFFFFFFF  }
0xc2: {  	_ =	task.clear_ibuf [dreg:s7], $0x2FFFF;
	_ =	strace $0x9FFFFFFF  }
0xc3: {  	(tm) =	ssettm $0x7FFFFFFF  }
tec
execute0_lowered:
.L_overlay_start_1:
0x0: {  	(tag) =	ssettag $0x1  }
0x1: {  	s6 =	rddreg [dreg:$0x0]  }
0x2: {  	s2 =	rddreg [dreg:$0x1]  }
0x3: {  	s0 =	srdreg.scid;
	s3 =	rddreg [dreg:$0x2]  }
0x4: {  	s1 =	stileid.u32;
	s4 =	simm.s32 $0x0;
	s21 =	simm.s32 $0x7400  }
0x5: {  	s22 =	simm.s32 $0x80;
	s23 =	simm.s32 $0x0;
	s7 =	smul.u32 $0x3400, s1  }
0x6: {  	s12 =	sand.u32 $0x1, s0;
	s0 =	rddreg [dreg:$0x3];
	s8 =	smul.u32 $0x4F000, s1  }
0x7: {  	[smem:$0x7FF] =	sst s4;
	s13 =	smul.u32 $0x13C00, s1;
	s17 =	sadd.s32 $0x1E200, s6  }
0x8: {  	s5 =	smul.u32 $0x34000, s12;
	_ =	strace $0x80000047;
	s30 =	ssub.s32 $0x2, s12  }
0x9: {  	s20 =	smul.u32 $0x13C000, s12;
	p0 =	seq.s32 s12, $0x0;
	s12 =	simm.s32 $0x67  }
0xa: {  	s10 =	sshrl.u32 s30, $0x1;
	s31 =	sshrl.u32 s8, $0x2;
	s14 =	sadd.s32 $0x4000, s13  }
0xb: {  	s15 =	sadd.s32 $0x8000, s13;
	s16 =	sadd.s32 $0xC000, s13;
	s19 =	sadd.s32 $0x10000, s13  }
0xc: {  	s12 =	simm.s32 @!p0 $0x36;
	s5 =	sadd.s32 s7, s5;
	s18 =	ssub.s32 s30, s10  }
0xd: {  	s7 =	sadd.s32 s31, s3;
	s8 =	sadd.s32 s14, s3;
	s10 =	sadd.s32 s16, s3  }
0xe: {  	s11 =	sadd.s32 s19, s3;
	s13 =	sadd.s32 s13, s20;
	s14 =	sadd.s32 s20, s14  }
0xf: {  	s16 =	sadd.s32 s20, s16;
	s19 =	sadd.s32 s20, s19;
	s5 =	sshrl.u32 s5, $0x3  }
0x10: {  	s13 =	sshrl.u32 s13, $0x3;
	s14 =	sshrl.u32 s14, $0x3;
	s16 =	sshrl.u32 s16, $0x3  }
0x11: {  	s19 =	sshrl.u32 s19, $0x3;
	s18 =	smax.u32 s18, $0x1;
	s9 =	sadd.s32 s5, s6  }
0x12: {  	s5 =	sadd.s32 $0x1DA00, s6;
	s13 =	sadd.s32 s17, s13;
	s14 =	sadd.s32 s17, s14  }
0x13: {  	s6 =	sadd.s32 $0x3A00, s9;
	s9 =	sadd.s32 s15, s3;
	s15 =	sadd.s32 s20, s15  }
0x14: {  	s16 =	sadd.s32 s17, s16;
	s20 =	simm.s32 $0x3400;
	s15 =	sshrl.u32 s15, $0x3  }
0x15: {  	s15 =	sadd.s32 s17, s15;
	s17 =	sadd.s32 s17, s19;
	s19 =	simm.s32 $0x1  }
.LBB2_1:
0x16: {  	[tilespmem:s4], [sflag:$0x1] =	stream.linear.gather [hbm4b:s6+s4], $0x3380, $0x38;
	[tilespmem:$0x1F000] =	vst v63  }
0x17: {  	_ =	swait.ge [sflag:s19], $0x3380  }
0x18: {  	[sflag:s19] =	ssyncset.done $0x0  }
0x19: {  	[sflag:s19] =	ssyncadd.s32 $0xFFFFCC80  }
0x1a: {  	[tilespmem:s20], [sflag:$0x1] =	stream.linear.gather [hbm4b:s2+s4], $0x4000, $0x38;
	[tilespmem:$0x1F000] =	vst v63  }
0x1b: {  	_ =	swait.ge [sflag:s19], $0x4000  }
0x1c: {  	[sflag:s19] =	ssyncset.done $0x0  }
0x1d: {  	[sflag:s19] =	ssyncadd.s32 $0xFFFFC000  }
0x1e: {  	[tilespmem:s21], [sflag:$0x1] =	stream.linear.gather [hbm4b:s5+s4], $0x4000, $0x38;
	[tilespmem:$0x1F000] =	vst v63  }
0x1f: {  	_ =	swait.ge [sflag:s19], $0x4000  }
0x20: {  	[sflag:s19] =	ssyncset.done $0x0  }
0x21: {  	[sflag:s19] =	ssyncadd.s32 $0xFFFFC000  }
0x22: {  	[spmem:s7] =	stream.linear.scatter [tilespmem:s21], [sflag:$0x1], $0x4000, $0x38;
	[tilespmem:$0x1F000] =	vst v63  }
0x23: {  	_ =	swait.ge [sflag:s19], $0x4000  }
0x24: {  	[sflag:s19] =	ssyncset.done $0x0  }
0x25: {  	[sflag:s19] =	ssyncadd.s32 $0xFFFFC000  }
0x26: {  	[spmem:s8] =	stream.linear.scatter [tilespmem:s21], [sflag:$0x1], $0x4000, $0x38;
	[tilespmem:$0x1F000] =	vst v63  }
0x27: {  	_ =	swait.ge [sflag:s19], $0x4000  }
0x28: {  	[sflag:s19] =	ssyncset.done $0x0  }
0x29: {  	[sflag:s19] =	ssyncadd.s32 $0xFFFFC000  }
0x2a: {  	[spmem:s9] =	stream.linear.scatter [tilespmem:s21], [sflag:$0x1], $0x4000, $0x38;
	[tilespmem:$0x1F000] =	vst v63  }
0x2b: {  	_ =	swait.ge [sflag:s19], $0x4000  }
0x2c: {  	[sflag:s19] =	ssyncset.done $0x0  }
0x2d: {  	[sflag:s19] =	ssyncadd.s32 $0xFFFFC000  }
0x2e: {  	[spmem:s10] =	stream.linear.scatter [tilespmem:s21], [sflag:$0x1], $0x4000, $0x38;
	[tilespmem:$0x1F000] =	vst v63  }
0x2f: {  	_ =	swait.ge [sflag:s19], $0x4000  }
0x30: {  	[sflag:s19] =	ssyncset.done $0x0  }
0x31: {  	[sflag:s19] =	ssyncadd.s32 $0xFFFFC000  }
0x32: {  	[spmem:s11] =	stream.linear.scatter [tilespmem:s21], [sflag:$0x1], $0x3C00, $0x38;
	[tilespmem:$0x1F000] =	vst v63  }
0x33: {  	_ =	swait.ge [sflag:s19], $0x3C00  }
0x34: {  	p0 =	sne.s32 s12, $0x1;
	[sflag:s19] =	ssyncset.done $0x0  }
.Ltmp0:
0x35: {  	[sflag:s19] =	ssyncadd.s32 $0xFFFFC400;
	(pc) =	sbr.rel @!p0 .LBB2_3-.Ltmp0, $4  }
0x36: {  	[bflag:$0x0] =	sbarrier.arrive $0xFFFF  }
0x37: {  	[spmem:s3] =	stream.indirect.scatter.add.f32 [tilespmem:s20], [sflag:$0x1], $0x80, s4, s22, $0xb8;
	[tilespmem:$0x1F000] =	vst v63  }
0x38: {  	_ =	swait.ge [sflag:s19], $0x4000  }
0x39: {  	s24 =	sadd.s32 $0xFFFFFFFF, s12;
	s25 =	simm.s32 $0x0;
	[sflag:s19] =	ssyncset.done $0x0  }
.LBB2_2:
0x3a: {  	p0 =	sne.s32 s24, $0x1;
	[sflag:s19] =	ssyncadd.s32 $0xFFFFC000;
	s25 =	sadd.s32 $0x80, s25  }
.Ltmp1:
0x3b: {  	s24 =	sadd.s32 $0xFFFFFFFF, s24;
	(pc) =	sbr.rel @p0 .LBB2_2-.Ltmp1, $4  }
0x3c: {  	_ = 	snop  }
0x3d: {  	[spmem:s3] =	stream.indirect.scatter.add.f32 [tilespmem:s20], [sflag:$0x1], $0x80, s25, s22, $0xb8;
	[tilespmem:$0x1F000] =	vst v63  }
0x3e: {  	_ =	swait.ge [sflag:s19], $0x4000  }
0x3f: {  	[sflag:s19] =	ssyncset.done $0x0  }
.LBB2_3:
0x40: {  	[sflag:s19] =	ssyncadd.s32 $0xFFFFC000  }
0x41: {  	[bflag:$0x0] =	sbarrier.arrive $0xFFFF  }
0x42: {  	[tilespmem:s20], [sflag:$0x1] =	stream.linear.gather [spmem:s7], $0x4000, $0x38;
	[tilespmem:$0x1F000] =	vst v63  }
0x43: {  	_ =	swait.ge [sflag:s19], $0x4000  }
0x44: {  	[sflag:s19] =	ssyncset.done $0x0  }
0x45: {  	[sflag:s19] =	ssyncadd.s32 $0xFFFFC000  }
0x46: {  	[hbm4b:s13+s4] =	stream.linear.scatter [tilespmem:s20], [sflag:$0x1], $0x4000, $0x38;
	[tilespmem:$0x1F000] =	vst v63  }
0x47: {  	_ =	swait.ge [sflag:s19], $0x4000  }
0x48: {  	[sflag:s19] =	ssyncset.done $0x0  }
0x49: {  	[sflag:s19] =	ssyncadd.s32 $0xFFFFC000  }
0x4a: {  	[tilespmem:s20], [sflag:$0x1] =	stream.linear.gather [spmem:s8], $0x4000, $0x38;
	[tilespmem:$0x1F000] =	vst v63  }
0x4b: {  	_ =	swait.ge [sflag:s19], $0x4000  }
0x4c: {  	[sflag:s19] =	ssyncset.done $0x0  }
0x4d: {  	[sflag:s19] =	ssyncadd.s32 $0xFFFFC000  }
0x4e: {  	[hbm4b:s14+s4] =	stream.linear.scatter [tilespmem:s20], [sflag:$0x1], $0x4000, $0x38;
	[tilespmem:$0x1F000] =	vst v63  }
0x4f: {  	_ =	swait.ge [sflag:s19], $0x4000  }
0x50: {  	[sflag:s19] =	ssyncset.done $0x0  }
0x51: {  	[sflag:s19] =	ssyncadd.s32 $0xFFFFC000  }
0x52: {  	[tilespmem:s20], [sflag:$0x1] =	stream.linear.gather [spmem:s9], $0x4000, $0x38;
	[tilespmem:$0x1F000] =	vst v63  }
0x53: {  	_ =	swait.ge [sflag:s19], $0x4000  }
0x54: {  	[sflag:s19] =	ssyncset.done $0x0  }
0x55: {  	[sflag:s19] =	ssyncadd.s32 $0xFFFFC000  }
0x56: {  	[hbm4b:s15+s4] =	stream.linear.scatter [tilespmem:s20], [sflag:$0x1], $0x4000, $0x38;
	[tilespmem:$0x1F000] =	vst v63  }
0x57: {  	_ =	swait.ge [sflag:s19], $0x4000  }
0x58: {  	[sflag:s19] =	ssyncset.done $0x0  }
0x59: {  	[sflag:s19] =	ssyncadd.s32 $0xFFFFC000  }
0x5a: {  	[tilespmem:s20], [sflag:$0x1] =	stream.linear.gather [spmem:s10], $0x4000, $0x38;
	[tilespmem:$0x1F000] =	vst v63  }
0x5b: {  	_ =	swait.ge [sflag:s19], $0x4000  }
0x5c: {  	[sflag:s19] =	ssyncset.done $0x0  }
0x5d: {  	[sflag:s19] =	ssyncadd.s32 $0xFFFFC000  }
0x5e: {  	[hbm4b:s16+s4] =	stream.linear.scatter [tilespmem:s20], [sflag:$0x1], $0x4000, $0x38;
	[tilespmem:$0x1F000] =	vst v63  }
0x5f: {  	_ =	swait.ge [sflag:s19], $0x4000  }
0x60: {  	[sflag:s19] =	ssyncset.done $0x0  }
0x61: {  	[sflag:s19] =	ssyncadd.s32 $0xFFFFC000  }
0x62: {  	[tilespmem:s20], [sflag:$0x1] =	stream.linear.gather [spmem:s11], $0x3C00, $0x38;
	[tilespmem:$0x1F000] =	vst v63  }
0x63: {  	s23 =	sadd.s32 $0x1, s23;
	_ =	swait.ge [sflag:s19], $0x3C00  }
0x64: {  	p0 =	sne.s32 s23, s18;
	[sflag:s19] =	ssyncset.done $0x0  }
.Ltmp2:
0x65: {  	[sflag:s19] =	ssyncadd.s32 $0xFFFFC400;
	(pc) =	sbr.rel @p0 .LBB2_1-.Ltmp2, $4  }
0x66: {  	[hbm4b:s17+s4] =	stream.linear.scatter [tilespmem:s20], [sflag:$0x1], $0x3C00, $0x38;
	[tilespmem:$0x1F000] =	vst v63  }
0x67: {  	_ =	swait.ge [sflag:s19], $0x3C00  }
0x68: {  	[sflag:s19] =	ssyncset.done $0x0  }
0x69: {  	[sflag:s19] =	ssyncadd.s32 $0xFFFFC400  }
0x6a: {  	_ =	sfence.sel $0x180000  }
0x6b: {  	[bflag:$0x0] =	sbarrier.arrive $0xFFFF  }
0x6c: {  	p0 =	sne.s32 s1, $0x0;
	_ =	strace $0x90000047  }
0x6d: {  	s0 =	sadd.s32 @!p0 $0x100000, s0;
	[bflag:$0x2] =	sbarrier.arrive $0xFFFF  }
0x6e: {  	[sflag:s0] =	ssyncadd.tile.s32 @!p0 $0x1;
	_ =	shalt  }
.Lfunc_end2:
_tile_overlayer_lowered:
.L_overlay_start_2:
0x6f: {  	(tag) =	ssettag $0x2  }
0x70: {  	s0 =	rddreg [dreg:$0x0];
	s2 =	stileid.u32  }
0x71: {  	s1 =	rddreg [dreg:$0x1];
	p0 =	sne.s32 s2, $0x0  }
0x72: {  	s3 =	rddreg [dreg:$0x2];
	[bflag:$0x3] =	sbarrier.arrive $0xFFFF;
	s2 =	simm.s32 @!p0 $0x1C01  }
0x73: {  	[timem:s3], [sflag:s2] =	dma.local @!p0 [hbm:s0], s1  }
0x74: {  	s0 =	simm.s32 @!p0 $0x1  }
0x75: {  	_ =	swait.ge @!p0 [sflag:s0], s1  }
0x76: {  	s1 =	ssub.s32 @!p0 $0x0, s1;
	[sflag:s0] =	ssyncset.done @!p0 $0x0  }
0x77: {  	[sflag:s0] =	ssyncadd.s32 @!p0 s1  }
0x78: {  	[bflag:$0x3] =	sbarrier.arrive $0xFFFF  }
0x79: {  	_ =	shalt  }

// kernel: kernel.14.cloned.1.call-start
scs
__scs_entry_jumppad:
0x0: {  	(pc) =	sbr.rel $0x88, $3  }
0x1: {  	(tag) =	ssettag $0x0;
	lr =	simm.s32 $0x1  }
0x2: {  	[smem:$0x3F97] =	sst lr;
	_ =	strace $0xD0000000  }
0x3: {  	_ = 	snop  }
0x4: {  	_ = 	snop  }
0x5: {  	_ = 	snop  }
0x6: {  	_ = 	snop  }
0x7: {  	_ = 	snop  }
__scs_overlays_trampoline_lowered:
0x8: {  	[smem:$0x3FA6] =	sst s0  }
0x9: {  	[smem:$0x3FA7] =	sst s1  }
0xa: {  	[smem:$0x3FA8] =	sst s2  }
0xb: {  	[smem:$0x3FA9] =	sst s3  }
0xc: {  	[smem:$0x3FAA] =	sst s4  }
0xd: {  	[smem:$0x3FAB] =	sst s5  }
0xe: {  	[smem:$0x3FAC] =	sst s6  }
0xf: {  	[smem:$0x3FAD] =	sst s7  }
0x10: {  	[smem:$0x3FAE] =	sst s8  }
0x11: {  	[smem:$0x3FAF] =	sst s9;
	s0 =	simm.s32 @!p0 $0x0  }
0x12: {  	s1 =	sld [smem:$0x3F95];
	s0 =	simm.s32 @p0 $0x1  }
0x13: {  	[smem:$0x3FB0] =	sst s0;
	s0 =	simm.s32 @!p1 $0x0  }
0x14: {  	s2 =	sld [smem:$0x3F94];
	s0 =	simm.s32 @p1 $0x1  }
0x15: {  	[smem:$0x3FB1] =	sst s0;
	s0 =	simm.s32 @!p2 $0x0  }
0x16: {  	s3 =	sld [smem:$0x3FDB];
	s0 =	simm.s32 @p2 $0x1  }
0x17: {  	s4 =	simm.s32 $0x1BF5;
	[smem:$0x3FB3] =	sst s0  }
0x18: {  	s0 =	sld [smem:$0x3F96];
	_ =	swait.ge [sflag:s4], $0x0  }
0x19: {  	s7 =	sld [smem:$0x3F97]  }
0x1a: {  	s8 =	sadd.s32 $0xFFFFE003, lr  }
0x1b: {  	s9 =	sadd.s32 $0xFFFFFEF7, lr;
	s5 =	simm.s32 $0xFFFFFFFF;
	p2 =	slt.u32 s8, $0xFFFFF086  }
0x1c: {  	p1 =	slt.u32 s9, $0xF7A;
	s5 =	simm.s32 @!p2 $0x0  }
0x1d: {  	s5 =	simm.s32 @p1 $0x1;
	p0 =	seq.s32 s7, s2  }
0x1e: {  	s7 =	smul.u32 @!p0 $0xF7A, s2;
	p2 =	seq.s32 @!p0 s5, $0x0  }
0x1f: {  	s9 =	smul.u32 $0xF7A, s1;
	s8 =	simm.s32 @!p0 $0x1BF5;
	p2 =	por !p2, p0  }
0x20: {  	[sflag:s8] =	ssyncset.s32 @!p0 $0xFFFFF086;
	s6 =	sadd.s32 @!p0 s3, s7;
	s7 =	simm.s32 @!p0 $0x108  }
0x21: {  	s3 =	sadd.s32 s3, s9;
	s6 =	sadd.s32 @!p0 $0x88, s6;
	s7 =	simm.s32 @p2 $0x1082  }
0x22: {  	[simem:s7], [sflag:s8] =	dma.local @!p0 [hbm:s6], $0xF7A  }
0x23: {  	s9 =	sor.u32 $0xD0000000, s2;
	s6 =	simm.s32 $0x108;
	_ =	swait.ge @!p0 [sflag:s8], $0x0  }
0x24: {  	s3 =	sadd.s32 $0x88, s3;
	s6 =	simm.s32 @!p1 $0x1082;
	[sflag:s4] =	ssyncset.s32 $0xFFFFF086  }
0x25: {  	[simem:s6], [sflag:s4] =	dma.local [hbm:s3], $0xF7A  }
0x26: {  	[smem:$0x3F97] =	sst s1;
	(tag) =	ssettag s2;
	_ =	strace s9  }
0x27: {  	s1 =	sld [smem:$0x3FA7]  }
0x28: {  	s2 =	sld [smem:$0x3FA8]  }
0x29: {  	s4 =	sld [smem:$0x3FAA]  }
0x2a: {  	p0 =	seq.s32 s5, $0x0;
	s5 =	sld [smem:$0x3FAB]  }
0x2b: {  	s6 =	sld [smem:$0x3FAC]  }
0x2c: {  	s7 =	sld [smem:$0x3FAD]  }
0x2d: {  	s3 =	simm.s32 $0x108;
	s8 =	sld [smem:$0x3FAE]  }
0x2e: {  	s3 =	simm.s32 @!p0 $0x1082;
	s9 =	sld [smem:$0x3FAF]  }
0x2f: {  	lr =	sadd.s32 s0, s3;
	s0 =	sld [smem:$0x3FA6]  }
0x30: {  	s3 =	sld [smem:$0x3FA9]  }
0x31: {  	[smem:$0x3FB2] =	sst s10  }
0x32: {  	s10 =	sld [smem:$0x3FB0];
	_ =	sdelay $0x3  }
0x33: {  	p0 =	seq.s32 s10, $0x1;
	s10 =	sld [smem:$0x3FB2];
	_ =	sdelay $0x3  }
0x34: {  	[smem:$0x3FB2] =	sst s10  }
0x35: {  	s10 =	sld [smem:$0x3FB1];
	_ =	sdelay $0x3  }
0x36: {  	p1 =	seq.s32 s10, $0x1;
	s10 =	sld [smem:$0x3FB2];
	_ =	sdelay $0x3  }
0x37: {  	[smem:$0x3FB2] =	sst s10  }
0x38: {  	s10 =	sld [smem:$0x3FB3]  }
0x39: {  	_ = 	snop;
	(pc) =	sbr.ind lr, $3  }
0x3a: {  	_ = 	snop  }
0x3b: {  	_ = 	snop  }
0x3c: {  	p2 =	seq.s32 s10, $0x1;
	s10 =	sld [smem:$0x3FB2]  }
0x3d: {  	_ =	shalt  }
0x3e: {  	_ =	shalt  }
0x3f: {  	_ =	shalt  }
0x40: {  	_ =	shalt  }
0x41: {  	_ =	shalt  }
0x42: {  	_ =	shalt  }
0x43: {  	_ =	shalt  }
0x44: {  	_ =	shalt  }
0x45: {  	_ =	shalt  }
0x46: {  	_ =	shalt  }
0x47: {  	_ =	shalt  }
0x48: {  	_ =	shalt  }
0x49: {  	_ =	shalt  }
0x4a: {  	_ =	shalt  }
0x4b: {  	_ =	shalt  }
0x4c: {  	_ =	shalt  }
0x4d: {  	_ =	shalt  }
0x4e: {  	_ =	shalt  }
0x4f: {  	_ =	shalt  }
0x50: {  	_ =	shalt  }
0x51: {  	_ =	shalt  }
0x52: {  	_ =	shalt  }
0x53: {  	_ =	shalt  }
0x54: {  	_ =	shalt  }
0x55: {  	_ =	shalt  }
0x56: {  	_ =	shalt  }
0x57: {  	_ =	shalt  }
0x58: {  	_ =	shalt  }
0x59: {  	_ =	shalt  }
0x5a: {  	_ =	shalt  }
0x5b: {  	_ =	shalt  }
0x5c: {  	_ =	shalt  }
0x5d: {  	_ =	shalt  }
0x5e: {  	_ =	shalt  }
0x5f: {  	_ =	shalt  }
0x60: {  	_ =	shalt  }
0x61: {  	_ =	shalt  }
0x62: {  	_ =	shalt  }
0x63: {  	_ =	shalt  }
0x64: {  	_ =	shalt  }
0x65: {  	_ =	shalt  }
0x66: {  	_ =	shalt  }
0x67: {  	_ =	shalt  }
0x68: {  	_ =	shalt  }
0x69: {  	_ =	shalt  }
0x6a: {  	_ =	shalt  }
0x6b: {  	_ =	shalt  }
0x6c: {  	_ =	shalt  }
0x6d: {  	_ =	shalt  }
0x6e: {  	_ =	shalt  }
0x6f: {  	_ =	shalt  }
0x70: {  	_ =	shalt  }
0x71: {  	_ =	shalt  }
0x72: {  	_ =	shalt  }
0x73: {  	_ =	shalt  }
0x74: {  	_ =	shalt  }
0x75: {  	_ =	shalt  }
0x76: {  	_ =	shalt  }
0x77: {  	_ =	shalt  }
0x78: {  	_ =	shalt  }
0x79: {  	_ =	shalt  }
0x7a: {  	_ =	shalt  }
0x7b: {  	_ =	shalt  }
0x7c: {  	_ =	shalt  }
0x7d: {  	_ =	shalt  }
0x7e: {  	_ =	shalt  }
0x7f: {  	_ =	shalt  }
0x80: {  	_ =	shalt  }
0x81: {  	_ =	shalt  }
0x82: {  	_ =	shalt  }
0x83: {  	_ =	shalt  }
0x84: {  	_ =	shalt  }
0x85: {  	_ =	shalt  }
0x86: {  	_ =	shalt  }
0x87: {  	_ =	shalt  }
.Lfunc_end0:
.L_simem_size_0:
called_computation.1_lowered:
.L_overlay_start_0:
0x88: {  	s2 =	sld [smem:$0x3FD9]  }
0x89: {  	s3 =	sld [smem:$0x3FFE];
	_ =	sdelay $0x1  }
0x8a: {  	s1 =	srdreg.scid  }
0x8b: {  	s0 =	sand.u32 $0x1, s1  }
0x8c: {  	s17 =	sshll.u32 s0, $0xA;
	s2 =	sadd.s32 s3, s2  }
0x8d: {  	s2 =	sadd.s32 s2, s17  }
0x8e: {  	[smem:$0x3FBE] =	sst s2  }
0x8f: {  	_ = 	snop  }
0x90: {  	s2 =	sld [smem:$0x3FD0];
	(tm) =	ssettm $0x1  }
0x91: {  	s18 =	sld [smem:$0x3FFB];
	_ =	sdelay $0x3  }
0x92: {  	_ =	strace s18  }
0x93: {  	s3 =	sld [smem:$0x3FFC];
	_ =	sdelay $0x3  }
0x94: {  	_ =	strace s3  }
0x95: {  	s3 =	sld [smem:$0x3FFD];
	_ =	sdelay $0x3  }
0x96: {  	_ =	strace s3  }
0x97: {  	_ =	strace $0x8FFFFFFF  }
0x98: {  	s19 =	sld [smem:$0x3FDB];
	_ =	sdelay $0x1  }
0x99: {  	s4 =	simm.s32 $_scs_section_size  }
0x9a: {  	s5 =	simm.s32 $_size__tile_overlayer_lowered;
	s6 =	simm.s32 $_tile_overlayer_lowered  }
0x9b: {  	s22 =	simm.s32 $0x1BFF;
	s21 =	sshll.u32 s6, $0x1;
	s3 =	sadd.s32 s4, s19  }
0x9c: {  	s7 =	simm.s32 $0x0;
	s20 =	sshll.u32 s5, $0x1;
	s5 =	sadd.s32 s21, s3  }
0x9d: {  	[timem:s7], [sflag:s22] =	dma.local [hbm:s5], s20  }
0x9e: {  	_ =	swait.ge [sflag:s22], s20  }
0x9f: {  	s4 =	ssub.s32 $0x0, s20;
	[sflag:s22] =	ssyncset.done $0x0  }
0xa0: {  	[sflag:s22] =	ssyncadd.s32 s4;
	_ =	sdelay $0x1  }
0xa1: {  	s23 =	simm.s32 $0x1B8B  }
0xa2: {  	_ =	swait.ge [sflag:s23], $0x1  }
0xa3: {  	[sflag:s23] =	ssyncset.done $0x0  }
0xa4: {  	s25 =	simm.s32 $0x1B8E;
	s24 =	sld [smem:$0x3FFE];
	[sflag:s23] =	ssyncadd.s32 $0xFFFFFFFF  }
0xa5: {  	s26 =	simm.s32 $execute0_lowered;
	[smem:$0x3FD2] =	sst s25  }
0xa6: {  	s5 =	sshll.u32 s26, $0x1;
	_ =	strace $0x80000049;
	[dreg:$0x1] =	wrdreg $0xFFFFFFFF  }
0xa7: {  	s28 =	simm.s32 $_size_execute0_lowered;
	s3 =	sadd.s32 s3, s5;
	[dreg:$0x0] =	wrdreg $0x0  }
0xa8: {  	s5 =	sshll.u32 s28, $0x1;
	[dreg:$0x2] =	wrdreg s3  }
0xa9: {  	[dreg:$0x3] =	wrdreg s5  }
0xaa: {  	[dreg:$0x4] =	wrdreg $0xC0  }
0xab: {  	_ =	task [dreg:s7], $0x5FFFF  }
0xac: {  	[dreg:$0x1] =	wrdreg $0xFFFFFFFF  }
0xad: {  	[dreg:$0x0] =	wrdreg $0x60  }
0xae: {  	[dreg:$0x2] =	wrdreg s2  }
0xaf: {  	[dreg:$0x3] =	wrdreg s24  }
0xb0: {  	[dreg:$0x4] =	wrdreg $0xA8000  }
0xb1: {  	[dreg:$0x5] =	wrdreg $0x9  }
0xb2: {  	_ =	task.clear_ibuf [dreg:s7], $0x6FFFF;
	_ =	strace $0x90000049  }
0xb3: {  	s29 =	simm.s32 $0x9;
	_ =	strace $0x8000004B  }
0xb4: {  	_ =	swait.ge [sflag:s29], $0x1  }
0xb5: {  	[sflag:s29] =	ssyncadd.s32 $0xFFFFFFFF  }
0xb6: {  	_ =	strace $0x9000004B  }
0xb7: {  	_ =	sfence  }
0xb8: {  	s30 =	sld [smem:$0x0];
	_ =	sdelay $0x2  }
0xb9: {  	s31 =	sshll.u32 s1, $0xD;
	s1 =	sshrl.u32 s1, $0x2  }
0xba: {  	s3 =	sand.u32 $0x4000, s31;
	s1 =	sadd.s32 s1, s30  }
0xbb: {  	s0 =	sor.u32 s3, s0;
	s1 =	sshll.u32 s1, $0x11  }
0xbc: {  	s0 =	sor.u32 s1, s0  }
0xbd: {  	s0 =	sadd.s32 $0x8F2B, s0  }
0xbe: {  	[sflag:s0] =	ssyncadd.remote.s32 $0x1  }
0xbf: {  	_ =	sfence.sel $0xFFFF  }
0xc0: {  	[dreg:$0x0] =	wrdreg $0xFFFFFFFF;
	(pc) =	sbr.abs _section_cstart, $3  }
0xc1: {  	[dreg:$0x1] =	wrdreg $0xFFFFFFFF  }
0xc2: {  	_ =	task.clear_ibuf [dreg:s7], $0x2FFFF;
	_ =	strace $0x9FFFFFFF  }
0xc3: {  	(tm) =	ssettm $0x7FFFFFFF  }
tec
execute0_lowered:
.L_overlay_start_1:
0x0: {  	(tag) =	ssettag $0x1  }
0x1: {  	s1 =	rddreg [dreg:$0x0]  }
0x2: {  	s6 =	rddreg [dreg:$0x1]  }
0x3: {  	s0 =	srdreg.scid;
	s3 =	rddreg [dreg:$0x2]  }
0x4: {  	s2 =	rddreg [dreg:$0x3];
	s13 =	sand.u32 $0x1, s0  }
0x5: {  	s0 =	stileid.u32;
	s5 =	smul.u32 $0x34000, s13  }
0x6: {  	s4 =	simm.s32 $0x0;
	s22 =	simm.s32 $0x80;
	s7 =	smul.u32 $0x3400, s0  }
0x7: {  	s23 =	simm.s32 $0x1;
	s24 =	simm.s32 $0x0;
	s9 =	smul.u32 $0x4F000, s0  }
0x8: {  	[smem:$0x7FF] =	sst s4;
	s18 =	sadd.s32 $0x45400, s6;
	s14 =	smul.u32 $0x13C00, s0  }
0x9: {  	_ =	strace $0x8000004A;
	s8 =	ssub.s32 $0x2, s13;
	s21 =	smul.u32 $0x13C000, s13  }
0xa: {  	p0 =	seq.s32 s13, $0x0;
	s13 =	simm.s32 $0x67;
	s10 =	sshrl.u32 s8, $0x1  }
0xb: {  	s13 =	simm.s32 @!p0 $0x36;
	s5 =	sadd.s32 s7, s5;
	s19 =	ssub.s32 s8, s10  }
0xc: {  	s31 =	sshrl.u32 s9, $0x2;
	s15 =	sadd.s32 $0x4000, s14;
	s16 =	sadd.s32 $0x8000, s14  }
0xd: {  	s17 =	sadd.s32 $0xC000, s14;
	s20 =	sadd.s32 $0x10000, s14;
	s14 =	sadd.s32 s14, s21  }
0xe: {  	s5 =	sshrl.u32 s5, $0x3;
	s8 =	sadd.s32 s31, s3;
	s9 =	sadd.s32 s15, s3  }
0xf: {  	s10 =	sadd.s32 s16, s3;
	s11 =	sadd.s32 s17, s3;
	s12 =	sadd.s32 s20, s3  }
0x10: {  	s15 =	sadd.s32 s21, s15;
	s14 =	sshrl.u32 s14, $0x3;
	s16 =	sadd.s32 s21, s16  }
0x11: {  	s17 =	sadd.s32 s21, s17;
	s20 =	sadd.s32 s21, s20;
	s19 =	smax.u32 s19, $0x1  }
0x12: {  	s21 =	simm.s32 $0x6800;
	s30 =	sadd.s32 s5, s6;
	s5 =	sadd.s32 $0x1DA00, s6  }
0x13: {  	s15 =	sshrl.u32 s15, $0x3;
	s14 =	sadd.s32 s18, s14;
	s16 =	sshrl.u32 s16, $0x3  }
0x14: {  	s17 =	sshrl.u32 s17, $0x3;
	s20 =	sshrl.u32 s20, $0x3;
	s6 =	sadd.s32 $0x10A00, s30  }
0x15: {  	s7 =	sadd.s32 $0x3A00, s30;
	s15 =	sadd.s32 s18, s15;
	s16 =	sadd.s32 s18, s16  }
0x16: {  	s17 =	sadd.s32 s18, s17;
	s18 =	sadd.s32 s18, s20;
	s20 =	simm.s32 $0x2  }
.LBB2_1:
0x17: {  	[tilespmem:s4], [sflag:$0x2] =	stream.linear.gather [hbm4b:s6+s4], $0x3380, $0x38;
	[tilespmem:$0x1E400] =	vst v63  }
0x18: {  	_ =	swait.ge [sflag:s20], $0x3380  }
0x19: {  	[sflag:s20] =	ssyncset.done $0x0  }
0x1a: {  	s25 =	simm.s32 $0x3400;
	[sflag:s20] =	ssyncadd.s32 $0xFFFFCC80  }
0x1b: {  	[tilespmem:s25], [sflag:$0x2] =	stream.linear.gather [hbm4b:s7+s4], $0x3380, $0x38;
	[tilespmem:$0x1E400] =	vst v63  }
0x1c: {  	_ =	swait.ge [sflag:s20], $0x3380  }
0x1d: {  	[sflag:s20] =	ssyncset.done $0x0  }
0x1e: {  	[sflag:s20] =	ssyncadd.s32 $0xFFFFCC80  }
0x1f: {  	[tilespmem:s21], [sflag:$0x2] =	stream.linear.gather [hbm4b:s5+s4], $0x4000, $0x38;
	[tilespmem:$0x1E400] =	vst v63  }
0x20: {  	_ =	swait.ge [sflag:s20], $0x4000  }
0x21: {  	[sflag:s20] =	ssyncset.done $0x0  }
0x22: {  	[sflag:s20] =	ssyncadd.s32 $0xFFFFC000  }
0x23: {  	[spmem:s8] =	stream.linear.scatter [tilespmem:s21], [sflag:$0x2], $0x4000, $0x38;
	[tilespmem:$0x1E400] =	vst v63  }
0x24: {  	_ =	swait.ge [sflag:s20], $0x4000  }
0x25: {  	[sflag:s20] =	ssyncset.done $0x0  }
0x26: {  	[sflag:s20] =	ssyncadd.s32 $0xFFFFC000  }
0x27: {  	[spmem:s9] =	stream.linear.scatter [tilespmem:s21], [sflag:$0x2], $0x4000, $0x38;
	[tilespmem:$0x1E400] =	vst v63  }
0x28: {  	_ =	swait.ge [sflag:s20], $0x4000  }
0x29: {  	[sflag:s20] =	ssyncset.done $0x0  }
0x2a: {  	[sflag:s20] =	ssyncadd.s32 $0xFFFFC000  }
0x2b: {  	[spmem:s10] =	stream.linear.scatter [tilespmem:s21], [sflag:$0x2], $0x4000, $0x38;
	[tilespmem:$0x1E400] =	vst v63  }
0x2c: {  	_ =	swait.ge [sflag:s20], $0x4000  }
0x2d: {  	[sflag:s20] =	ssyncset.done $0x0  }
0x2e: {  	[sflag:s20] =	ssyncadd.s32 $0xFFFFC000  }
0x2f: {  	[spmem:s11] =	stream.linear.scatter [tilespmem:s21], [sflag:$0x2], $0x4000, $0x38;
	[tilespmem:$0x1E400] =	vst v63  }
0x30: {  	_ =	swait.ge [sflag:s20], $0x4000  }
0x31: {  	[sflag:s20] =	ssyncset.done $0x0  }
0x32: {  	[sflag:s20] =	ssyncadd.s32 $0xFFFFC000  }
0x33: {  	[spmem:s12] =	stream.linear.scatter [tilespmem:s21], [sflag:$0x2], $0x3C00, $0x38;
	[tilespmem:$0x1E400] =	vst v63  }
0x34: {  	_ =	swait.ge [sflag:s20], $0x3C00  }
0x35: {  	[sflag:s20] =	ssyncset.done $0x0  }
0x36: {  	[sflag:s20] =	ssyncadd.s32 $0xFFFFC400  }
0x37: {  	[bflag:$0x0] =	sbarrier.arrive $0xFFFF  }
0x38: {  	[tilespmem:s21], [sflag:$0x1] =	stream.indirect.gather [hbm4b:s1+s22], $0x80, s4, s22, $0xb8;
	[tilespmem:$0x1E400] =	vst v63  }
0x39: {  	p0 =	sne.s32 s13, $0x1;
	_ =	swait.ge [sflag:s23], $0x4000  }
.Ltmp0:
0x3a: {  	[sflag:s23] =	ssyncset.done $0x0;
	(pc) =	sbr.rel @!p0 .LBB2_3-.Ltmp0, $4  }
0x3b: {  	[sflag:s23] =	ssyncadd.s32 $0xFFFFC000  }
0x3c: {  	[spmem:s3] =	stream.indirect.scatter.add.f32 [tilespmem:s21], [sflag:$0x2], $0x80, s25, s22, $0xb8;
	[tilespmem:$0x1E400] =	vst v63  }
0x3d: {  	_ =	swait.ge [sflag:s20], $0x4000  }
0x3e: {  	s26 =	sadd.s32 $0xFFFFFFFF, s13;
	s28 =	simm.s32 $0x0;
	[sflag:s20] =	ssyncset.done $0x0  }
.LBB2_2:
0x3f: {  	[sflag:s20] =	ssyncadd.s32 $0xFFFFC000;
	s28 =	sadd.s32 $0x80, s28;
	s25 =	sadd.s32 $0x80, s25  }
0x40: {  	[tilespmem:s21], [sflag:$0x1] =	stream.indirect.gather [hbm4b:s1+s22], $0x80, s28, s22, $0xb8;
	[tilespmem:$0x1E400] =	vst v63  }
0x41: {  	p0 =	sne.s32 s26, $0x1;
	s26 =	sadd.s32 $0xFFFFFFFF, s26;
	_ =	swait.ge [sflag:s23], $0x4000  }
.Ltmp1:
0x42: {  	[sflag:s23] =	ssyncset.done $0x0;
	(pc) =	sbr.rel @p0 .LBB2_2-.Ltmp1, $4  }
0x43: {  	[sflag:s23] =	ssyncadd.s32 $0xFFFFC000  }
0x44: {  	[spmem:s3] =	stream.indirect.scatter.add.f32 [tilespmem:s21], [sflag:$0x2], $0x80, s25, s22, $0xb8;
	[tilespmem:$0x1E400] =	vst v63  }
0x45: {  	_ =	swait.ge [sflag:s20], $0x4000  }
0x46: {  	[sflag:s20] =	ssyncset.done $0x0  }
.LBB2_3:
0x47: {  	[sflag:s20] =	ssyncadd.s32 $0xFFFFC000  }
0x48: {  	[bflag:$0x0] =	sbarrier.arrive $0xFFFF  }
0x49: {  	[tilespmem:s21], [sflag:$0x2] =	stream.linear.gather [spmem:s8], $0x4000, $0x38;
	[tilespmem:$0x1E400] =	vst v63  }
0x4a: {  	_ =	swait.ge [sflag:s20], $0x4000  }
0x4b: {  	[sflag:s20] =	ssyncset.done $0x0  }
0x4c: {  	[sflag:s20] =	ssyncadd.s32 $0xFFFFC000  }
0x4d: {  	[hbm4b:s14+s4] =	stream.linear.scatter [tilespmem:s21], [sflag:$0x2], $0x4000, $0x38;
	[tilespmem:$0x1E400] =	vst v63  }
0x4e: {  	_ =	swait.ge [sflag:s20], $0x4000  }
0x4f: {  	[sflag:s20] =	ssyncset.done $0x0  }
0x50: {  	[sflag:s20] =	ssyncadd.s32 $0xFFFFC000  }
0x51: {  	[tilespmem:s21], [sflag:$0x2] =	stream.linear.gather [spmem:s9], $0x4000, $0x38;
	[tilespmem:$0x1E400] =	vst v63  }
0x52: {  	_ =	swait.ge [sflag:s20], $0x4000  }
0x53: {  	[sflag:s20] =	ssyncset.done $0x0  }
0x54: {  	[sflag:s20] =	ssyncadd.s32 $0xFFFFC000  }
0x55: {  	[hbm4b:s15+s4] =	stream.linear.scatter [tilespmem:s21], [sflag:$0x2], $0x4000, $0x38;
	[tilespmem:$0x1E400] =	vst v63  }
0x56: {  	_ =	swait.ge [sflag:s20], $0x4000  }
0x57: {  	[sflag:s20] =	ssyncset.done $0x0  }
0x58: {  	[sflag:s20] =	ssyncadd.s32 $0xFFFFC000  }
0x59: {  	[tilespmem:s21], [sflag:$0x2] =	stream.linear.gather [spmem:s10], $0x4000, $0x38;
	[tilespmem:$0x1E400] =	vst v63  }
0x5a: {  	_ =	swait.ge [sflag:s20], $0x4000  }
0x5b: {  	[sflag:s20] =	ssyncset.done $0x0  }
0x5c: {  	[sflag:s20] =	ssyncadd.s32 $0xFFFFC000  }
0x5d: {  	[hbm4b:s16+s4] =	stream.linear.scatter [tilespmem:s21], [sflag:$0x2], $0x4000, $0x38;
	[tilespmem:$0x1E400] =	vst v63  }
0x5e: {  	_ =	swait.ge [sflag:s20], $0x4000  }
0x5f: {  	[sflag:s20] =	ssyncset.done $0x0  }
0x60: {  	[sflag:s20] =	ssyncadd.s32 $0xFFFFC000  }
0x61: {  	[tilespmem:s21], [sflag:$0x2] =	stream.linear.gather [spmem:s11], $0x4000, $0x38;
	[tilespmem:$0x1E400] =	vst v63  }
0x62: {  	_ =	swait.ge [sflag:s20], $0x4000  }
0x63: {  	[sflag:s20] =	ssyncset.done $0x0  }
0x64: {  	[sflag:s20] =	ssyncadd.s32 $0xFFFFC000  }
0x65: {  	[hbm4b:s17+s4] =	stream.linear.scatter [tilespmem:s21], [sflag:$0x2], $0x4000, $0x38;
	[tilespmem:$0x1E400] =	vst v63  }
0x66: {  	_ =	swait.ge [sflag:s20], $0x4000  }
0x67: {  	[sflag:s20] =	ssyncset.done $0x0  }
0x68: {  	[sflag:s20] =	ssyncadd.s32 $0xFFFFC000  }
0x69: {  	[tilespmem:s21], [sflag:$0x2] =	stream.linear.gather [spmem:s12], $0x3C00, $0x38;
	[tilespmem:$0x1E400] =	vst v63  }
0x6a: {  	s24 =	sadd.s32 $0x1, s24;
	_ =	swait.ge [sflag:s20], $0x3C00  }
0x6b: {  	p0 =	sne.s32 s24, s19;
	[sflag:s20] =	ssyncset.done $0x0  }
.Ltmp2:
0x6c: {  	[sflag:s20] =	ssyncadd.s32 $0xFFFFC400;
	(pc) =	sbr.rel @p0 .LBB2_1-.Ltmp2, $4  }
0x6d: {  	[hbm4b:s18+s4] =	stream.linear.scatter [tilespmem:s21], [sflag:$0x2], $0x3C00, $0x38;
	[tilespmem:$0x1E400] =	vst v63  }
0x6e: {  	_ =	swait.ge [sflag:s20], $0x3C00  }
0x6f: {  	[sflag:s20] =	ssyncset.done $0x0  }
0x70: {  	[sflag:s20] =	ssyncadd.s32 $0xFFFFC400  }
0x71: {  	_ =	sfence.sel $0x180000  }
0x72: {  	[bflag:$0x0] =	sbarrier.arrive $0xFFFF  }
0x73: {  	p0 =	sne.s32 s0, $0x0;
	_ =	strace $0x9000004A  }
0x74: {  	s0 =	sadd.s32 @!p0 $0x100000, s2;
	[bflag:$0x2] =	sbarrier.arrive $0xFFFF  }
0x75: {  	[sflag:s0] =	ssyncadd.tile.s32 @!p0 $0x1;
	_ =	shalt  }
.Lfunc_end2:
_tile_overlayer_lowered:
.L_overlay_start_2:
0x76: {  	(tag) =	ssettag $0x2  }
0x77: {  	s0 =	rddreg [dreg:$0x0];
	s2 =	stileid.u32  }
0x78: {  	s1 =	rddreg [dreg:$0x1];
	p0 =	sne.s32 s2, $0x0  }
0x79: {  	s3 =	rddreg [dreg:$0x2];
	[bflag:$0x3] =	sbarrier.arrive $0xFFFF;
	s2 =	simm.s32 @!p0 $0x1C02  }
0x7a: {  	[timem:s3], [sflag:s2] =	dma.local @!p0 [hbm:s0], s1  }
0x7b: {  	s0 =	simm.s32 @!p0 $0x2  }
0x7c: {  	_ =	swait.ge @!p0 [sflag:s0], s1  }
0x7d: {  	s1 =	ssub.s32 @!p0 $0x0, s1;
	[sflag:s0] =	ssyncset.done @!p0 $0x0  }
0x7e: {  	[sflag:s0] =	ssyncadd.s32 @!p0 s1  }
0x7f: {  	[bflag:$0x3] =	sbarrier.arrive $0xFFFF  }
0x80: {  	_ =	shalt  }

// kernel: kernel.17.cloned.1.call-start
scs
__scs_entry_jumppad:
0x0: {  	(pc) =	sbr.rel $0x88, $3  }
0x1: {  	(tag) =	ssettag $0x0;
	lr =	simm.s32 $0x1  }
0x2: {  	[smem:$0x3F97] =	sst lr;
	_ =	strace $0xD0000000  }
0x3: {  	_ = 	snop  }
0x4: {  	_ = 	snop  }
0x5: {  	_ = 	snop  }
0x6: {  	_ = 	snop  }
0x7: {  	_ = 	snop  }
__scs_overlays_trampoline_lowered:
0x8: {  	[smem:$0x3FA6] =	sst s0  }
0x9: {  	[smem:$0x3FA7] =	sst s1  }
0xa: {  	[smem:$0x3FA8] =	sst s2  }
0xb: {  	[smem:$0x3FA9] =	sst s3  }
0xc: {  	[smem:$0x3FAA] =	sst s4  }
0xd: {  	[smem:$0x3FAB] =	sst s5  }
0xe: {  	[smem:$0x3FAC] =	sst s6  }
0xf: {  	[smem:$0x3FAD] =	sst s7  }
0x10: {  	[smem:$0x3FAE] =	sst s8  }
0x11: {  	[smem:$0x3FAF] =	sst s9;
	s0 =	simm.s32 @!p0 $0x0  }
0x12: {  	s1 =	sld [smem:$0x3F95];
	s0 =	simm.s32 @p0 $0x1  }
0x13: {  	[smem:$0x3FB0] =	sst s0;
	s0 =	simm.s32 @!p1 $0x0  }
0x14: {  	s2 =	sld [smem:$0x3F94];
	s0 =	simm.s32 @p1 $0x1  }
0x15: {  	[smem:$0x3FB1] =	sst s0;
	s0 =	simm.s32 @!p2 $0x0  }
0x16: {  	s3 =	sld [smem:$0x3FDB];
	s0 =	simm.s32 @p2 $0x1  }
0x17: {  	s4 =	simm.s32 $0x1BF5;
	[smem:$0x3FB3] =	sst s0  }
0x18: {  	s0 =	sld [smem:$0x3F96];
	_ =	swait.ge [sflag:s4], $0x0  }
0x19: {  	s7 =	sld [smem:$0x3F97]  }
0x1a: {  	s8 =	sadd.s32 $0xFFFFE003, lr  }
0x1b: {  	s9 =	sadd.s32 $0xFFFFFEF7, lr;
	s5 =	simm.s32 $0xFFFFFFFF;
	p2 =	slt.u32 s8, $0xFFFFF086  }
0x1c: {  	p1 =	slt.u32 s9, $0xF7A;
	s5 =	simm.s32 @!p2 $0x0  }
0x1d: {  	s5 =	simm.s32 @p1 $0x1;
	p0 =	seq.s32 s7, s2  }
0x1e: {  	s7 =	smul.u32 @!p0 $0xF7A, s2;
	p2 =	seq.s32 @!p0 s5, $0x0  }
0x1f: {  	s9 =	smul.u32 $0xF7A, s1;
	s8 =	simm.s32 @!p0 $0x1BF5;
	p2 =	por !p2, p0  }
0x20: {  	[sflag:s8] =	ssyncset.s32 @!p0 $0xFFFFF086;
	s6 =	sadd.s32 @!p0 s3, s7;
	s7 =	simm.s32 @!p0 $0x108  }
0x21: {  	s3 =	sadd.s32 s3, s9;
	s6 =	sadd.s32 @!p0 $0x88, s6;
	s7 =	simm.s32 @p2 $0x1082  }
0x22: {  	[simem:s7], [sflag:s8] =	dma.local @!p0 [hbm:s6], $0xF7A  }
0x23: {  	s9 =	sor.u32 $0xD0000000, s2;
	s6 =	simm.s32 $0x108;
	_ =	swait.ge @!p0 [sflag:s8], $0x0  }
0x24: {  	s3 =	sadd.s32 $0x88, s3;
	s6 =	simm.s32 @!p1 $0x1082;
	[sflag:s4] =	ssyncset.s32 $0xFFFFF086  }
0x25: {  	[simem:s6], [sflag:s4] =	dma.local [hbm:s3], $0xF7A  }
0x26: {  	[smem:$0x3F97] =	sst s1;
	(tag) =	ssettag s2;
	_ =	strace s9  }
0x27: {  	s1 =	sld [smem:$0x3FA7]  }
0x28: {  	s2 =	sld [smem:$0x3FA8]  }
0x29: {  	s4 =	sld [smem:$0x3FAA]  }
0x2a: {  	p0 =	seq.s32 s5, $0x0;
	s5 =	sld [smem:$0x3FAB]  }
0x2b: {  	s6 =	sld [smem:$0x3FAC]  }
0x2c: {  	s7 =	sld [smem:$0x3FAD]  }
0x2d: {  	s3 =	simm.s32 $0x108;
	s8 =	sld [smem:$0x3FAE]  }
0x2e: {  	s3 =	simm.s32 @!p0 $0x1082;
	s9 =	sld [smem:$0x3FAF]  }
0x2f: {  	lr =	sadd.s32 s0, s3;
	s0 =	sld [smem:$0x3FA6]  }
0x30: {  	s3 =	sld [smem:$0x3FA9]  }
0x31: {  	[smem:$0x3FB2] =	sst s10  }
0x32: {  	s10 =	sld [smem:$0x3FB0];
	_ =	sdelay $0x3  }
0x33: {  	p0 =	seq.s32 s10, $0x1;
	s10 =	sld [smem:$0x3FB2];
	_ =	sdelay $0x3  }
0x34: {  	[smem:$0x3FB2] =	sst s10  }
0x35: {  	s10 =	sld [smem:$0x3FB1];
	_ =	sdelay $0x3  }
0x36: {  	p1 =	seq.s32 s10, $0x1;
	s10 =	sld [smem:$0x3FB2];
	_ =	sdelay $0x3  }
0x37: {  	[smem:$0x3FB2] =	sst s10  }
0x38: {  	s10 =	sld [smem:$0x3FB3]  }
0x39: {  	_ = 	snop;
	(pc) =	sbr.ind lr, $3  }
0x3a: {  	_ = 	snop  }
0x3b: {  	_ = 	snop  }
0x3c: {  	p2 =	seq.s32 s10, $0x1;
	s10 =	sld [smem:$0x3FB2]  }
0x3d: {  	_ =	shalt  }
0x3e: {  	_ =	shalt  }
0x3f: {  	_ =	shalt  }
0x40: {  	_ =	shalt  }
0x41: {  	_ =	shalt  }
0x42: {  	_ =	shalt  }
0x43: {  	_ =	shalt  }
0x44: {  	_ =	shalt  }
0x45: {  	_ =	shalt  }
0x46: {  	_ =	shalt  }
0x47: {  	_ =	shalt  }
0x48: {  	_ =	shalt  }
0x49: {  	_ =	shalt  }
0x4a: {  	_ =	shalt  }
0x4b: {  	_ =	shalt  }
0x4c: {  	_ =	shalt  }
0x4d: {  	_ =	shalt  }
0x4e: {  	_ =	shalt  }
0x4f: {  	_ =	shalt  }
0x50: {  	_ =	shalt  }
0x51: {  	_ =	shalt  }
0x52: {  	_ =	shalt  }
0x53: {  	_ =	shalt  }
0x54: {  	_ =	shalt  }
0x55: {  	_ =	shalt  }
0x56: {  	_ =	shalt  }
0x57: {  	_ =	shalt  }
0x58: {  	_ =	shalt  }
0x59: {  	_ =	shalt  }
0x5a: {  	_ =	shalt  }
0x5b: {  	_ =	shalt  }
0x5c: {  	_ =	shalt  }
0x5d: {  	_ =	shalt  }
0x5e: {  	_ =	shalt  }
0x5f: {  	_ =	shalt  }
0x60: {  	_ =	shalt  }
0x61: {  	_ =	shalt  }
0x62: {  	_ =	shalt  }
0x63: {  	_ =	shalt  }
0x64: {  	_ =	shalt  }
0x65: {  	_ =	shalt  }
0x66: {  	_ =	shalt  }
0x67: {  	_ =	shalt  }
0x68: {  	_ =	shalt  }
0x69: {  	_ =	shalt  }
0x6a: {  	_ =	shalt  }
0x6b: {  	_ =	shalt  }
0x6c: {  	_ =	shalt  }
0x6d: {  	_ =	shalt  }
0x6e: {  	_ =	shalt  }
0x6f: {  	_ =	shalt  }
0x70: {  	_ =	shalt  }
0x71: {  	_ =	shalt  }
0x72: {  	_ =	shalt  }
0x73: {  	_ =	shalt  }
0x74: {  	_ =	shalt  }
0x75: {  	_ =	shalt  }
0x76: {  	_ =	shalt  }
0x77: {  	_ =	shalt  }
0x78: {  	_ =	shalt  }
0x79: {  	_ =	shalt  }
0x7a: {  	_ =	shalt  }
0x7b: {  	_ =	shalt  }
0x7c: {  	_ =	shalt  }
0x7d: {  	_ =	shalt  }
0x7e: {  	_ =	shalt  }
0x7f: {  	_ =	shalt  }
0x80: {  	_ =	shalt  }
0x81: {  	_ =	shalt  }
0x82: {  	_ =	shalt  }
0x83: {  	_ =	shalt  }
0x84: {  	_ =	shalt  }
0x85: {  	_ =	shalt  }
0x86: {  	_ =	shalt  }
0x87: {  	_ =	shalt  }
.Lfunc_end0:
.L_simem_size_0:
called_computation.2_lowered:
.L_overlay_start_0:
0x88: {  	s2 =	sld [smem:$0x3FD9]  }
0x89: {  	s3 =	sld [smem:$0x3FFE];
	_ =	sdelay $0x1  }
0x8a: {  	s1 =	srdreg.scid  }
0x8b: {  	s0 =	sand.u32 $0x1, s1  }
0x8c: {  	s17 =	sshll.u32 s0, $0xA;
	s2 =	sadd.s32 s3, s2  }
0x8d: {  	s2 =	sadd.s32 s2, s17  }
0x8e: {  	[smem:$0x3FBE] =	sst s2  }
0x8f: {  	_ = 	snop  }
0x90: {  	s2 =	sld [smem:$0x3FD0];
	(tm) =	ssettm $0x1  }
0x91: {  	s18 =	sld [smem:$0x3FFB];
	_ =	sdelay $0x3  }
0x92: {  	_ =	strace s18  }
0x93: {  	s3 =	sld [smem:$0x3FFC];
	_ =	sdelay $0x3  }
0x94: {  	_ =	strace s3  }
0x95: {  	s3 =	sld [smem:$0x3FFD];
	_ =	sdelay $0x3  }
0x96: {  	_ =	strace s3  }
0x97: {  	_ =	strace $0x8FFFFFFF  }
0x98: {  	s19 =	sld [smem:$0x3FDB];
	_ =	sdelay $0x1  }
0x99: {  	s4 =	simm.s32 $_scs_section_size  }
0x9a: {  	s5 =	simm.s32 $_size__tile_overlayer_lowered;
	s6 =	simm.s32 $_tile_overlayer_lowered  }
0x9b: {  	s22 =	simm.s32 $0x1BFF;
	s21 =	sshll.u32 s6, $0x1;
	s3 =	sadd.s32 s4, s19  }
0x9c: {  	s7 =	simm.s32 $0x0;
	s20 =	sshll.u32 s5, $0x1;
	s5 =	sadd.s32 s21, s3  }
0x9d: {  	[timem:s7], [sflag:s22] =	dma.local [hbm:s5], s20  }
0x9e: {  	_ =	swait.ge [sflag:s22], s20  }
0x9f: {  	s4 =	ssub.s32 $0x0, s20;
	[sflag:s22] =	ssyncset.done $0x0  }
0xa0: {  	[sflag:s22] =	ssyncadd.s32 s4;
	_ =	sdelay $0x1  }
0xa1: {  	s23 =	simm.s32 $0x1B8B  }
0xa2: {  	_ =	swait.ge [sflag:s23], $0x1  }
0xa3: {  	[sflag:s23] =	ssyncset.done $0x0  }
0xa4: {  	s25 =	simm.s32 $0x1B8E;
	s24 =	sld [smem:$0x3FFE];
	[sflag:s23] =	ssyncadd.s32 $0xFFFFFFFF  }
0xa5: {  	s26 =	simm.s32 $execute0_lowered;
	[smem:$0x3FD2] =	sst s25  }
0xa6: {  	s5 =	sshll.u32 s26, $0x1;
	_ =	strace $0x8000004C;
	[dreg:$0x1] =	wrdreg $0xFFFFFFFF  }
0xa7: {  	s28 =	simm.s32 $_size_execute0_lowered;
	s3 =	sadd.s32 s3, s5;
	[dreg:$0x0] =	wrdreg $0x0  }
0xa8: {  	s5 =	sshll.u32 s28, $0x1;
	[dreg:$0x2] =	wrdreg s3  }
0xa9: {  	[dreg:$0x3] =	wrdreg s5  }
0xaa: {  	[dreg:$0x4] =	wrdreg $0xC0  }
0xab: {  	_ =	task [dreg:s7], $0x5FFFF  }
0xac: {  	[dreg:$0x1] =	wrdreg $0xFFFFFFFF  }
0xad: {  	[dreg:$0x0] =	wrdreg $0x60  }
0xae: {  	[dreg:$0x2] =	wrdreg s2  }
0xaf: {  	[dreg:$0x3] =	wrdreg s24  }
0xb0: {  	[dreg:$0x4] =	wrdreg $0xA8000  }
0xb1: {  	[dreg:$0x5] =	wrdreg $0x9  }
0xb2: {  	_ =	task.clear_ibuf [dreg:s7], $0x6FFFF;
	_ =	strace $0x9000004C  }
0xb3: {  	s29 =	simm.s32 $0x9;
	_ =	strace $0x8000004E  }
0xb4: {  	_ =	swait.ge [sflag:s29], $0x1  }
0xb5: {  	[sflag:s29] =	ssyncadd.s32 $0xFFFFFFFF  }
0xb6: {  	_ =	strace $0x9000004E  }
0xb7: {  	_ =	sfence  }
0xb8: {  	s30 =	sld [smem:$0x0];
	_ =	sdelay $0x2  }
0xb9: {  	s31 =	sshll.u32 s1, $0xD;
	s1 =	sshrl.u32 s1, $0x2  }
0xba: {  	s3 =	sand.u32 $0x4000, s31;
	s1 =	sadd.s32 s1, s30  }
0xbb: {  	s0 =	sor.u32 s3, s0;
	s1 =	sshll.u32 s1, $0x11  }
0xbc: {  	s0 =	sor.u32 s1, s0  }
0xbd: {  	s0 =	sadd.s32 $0x8F2B, s0  }
0xbe: {  	[sflag:s0] =	ssyncadd.remote.s32 $0x1  }
0xbf: {  	_ =	sfence.sel $0xFFFF  }
0xc0: {  	[dreg:$0x0] =	wrdreg $0xFFFFFFFF;
	(pc) =	sbr.abs _section_cstart, $3  }
0xc1: {  	[dreg:$0x1] =	wrdreg $0xFFFFFFFF  }
0xc2: {  	_ =	task.clear_ibuf [dreg:s7], $0x2FFFF;
	_ =	strace $0x9FFFFFFF  }
0xc3: {  	(tm) =	ssettm $0x7FFFFFFF  }
tec
execute0_lowered:
.L_overlay_start_1:
0x0: {  	(tag) =	ssettag $0x1  }
0x1: {  	s1 =	rddreg [dreg:$0x0]  }
0x2: {  	s6 =	rddreg [dreg:$0x1]  }
0x3: {  	s0 =	srdreg.scid;
	s3 =	rddreg [dreg:$0x2]  }
0x4: {  	s2 =	rddreg [dreg:$0x3];
	s13 =	sand.u32 $0x1, s0  }
0x5: {  	s0 =	stileid.u32;
	s5 =	smul.u32 $0x34000, s13  }
0x6: {  	s4 =	simm.s32 $0x0;
	s22 =	simm.s32 $0x80;
	s7 =	smul.u32 $0x3400, s0  }
0x7: {  	s23 =	simm.s32 $0x1;
	s24 =	simm.s32 $0x0;
	s9 =	smul.u32 $0x4F000, s0  }
0x8: {  	[smem:$0x7FF] =	sst s4;
	s18 =	sadd.s32 $0x45400, s6;
	s14 =	smul.u32 $0x13C00, s0  }
0x9: {  	_ =	strace $0x8000004D;
	s8 =	ssub.s32 $0x2, s13;
	s21 =	smul.u32 $0x13C000, s13  }
0xa: {  	p0 =	seq.s32 s13, $0x0;
	s13 =	simm.s32 $0x67;
	s10 =	sshrl.u32 s8, $0x1  }
0xb: {  	s13 =	simm.s32 @!p0 $0x36;
	s5 =	sadd.s32 s7, s5;
	s19 =	ssub.s32 s8, s10  }
0xc: {  	s31 =	sshrl.u32 s9, $0x2;
	s15 =	sadd.s32 $0x4000, s14;
	s16 =	sadd.s32 $0x8000, s14  }
0xd: {  	s17 =	sadd.s32 $0xC000, s14;
	s20 =	sadd.s32 $0x10000, s14;
	s14 =	sadd.s32 s14, s21  }
0xe: {  	s5 =	sshrl.u32 s5, $0x3;
	s8 =	sadd.s32 s31, s3;
	s9 =	sadd.s32 s15, s3  }
0xf: {  	s10 =	sadd.s32 s16, s3;
	s11 =	sadd.s32 s17, s3;
	s12 =	sadd.s32 s20, s3  }
0x10: {  	s15 =	sadd.s32 s21, s15;
	s14 =	sshrl.u32 s14, $0x3;
	s16 =	sadd.s32 s21, s16  }
0x11: {  	s17 =	sadd.s32 s21, s17;
	s20 =	sadd.s32 s21, s20;
	s19 =	smax.u32 s19, $0x1  }
0x12: {  	s21 =	simm.s32 $0x6800;
	s30 =	sadd.s32 s5, s6;
	s5 =	sadd.s32 $0x1DA00, s6  }
0x13: {  	s15 =	sshrl.u32 s15, $0x3;
	s14 =	sadd.s32 s18, s14;
	s16 =	sshrl.u32 s16, $0x3  }
0x14: {  	s17 =	sshrl.u32 s17, $0x3;
	s20 =	sshrl.u32 s20, $0x3;
	s6 =	sadd.s32 $0x10A00, s30  }
0x15: {  	s7 =	sadd.s32 $0x3A00, s30;
	s15 =	sadd.s32 s18, s15;
	s16 =	sadd.s32 s18, s16  }
0x16: {  	s17 =	sadd.s32 s18, s17;
	s18 =	sadd.s32 s18, s20;
	s20 =	simm.s32 $0x2  }
.LBB2_1:
0x17: {  	[tilespmem:s4], [sflag:$0x2] =	stream.linear.gather [hbm4b:s6+s4], $0x3380, $0x38;
	[tilespmem:$0x1E400] =	vst v63  }
0x18: {  	_ =	swait.ge [sflag:s20], $0x3380  }
0x19: {  	[sflag:s20] =	ssyncset.done $0x0  }
0x1a: {  	s25 =	simm.s32 $0x3400;
	[sflag:s20] =	ssyncadd.s32 $0xFFFFCC80  }
0x1b: {  	[tilespmem:s25], [sflag:$0x2] =	stream.linear.gather [hbm4b:s7+s4], $0x3380, $0x38;
	[tilespmem:$0x1E400] =	vst v63  }
0x1c: {  	_ =	swait.ge [sflag:s20], $0x3380  }
0x1d: {  	[sflag:s20] =	ssyncset.done $0x0  }
0x1e: {  	[sflag:s20] =	ssyncadd.s32 $0xFFFFCC80  }
0x1f: {  	[tilespmem:s21], [sflag:$0x2] =	stream.linear.gather [hbm4b:s5+s4], $0x4000, $0x38;
	[tilespmem:$0x1E400] =	vst v63  }
0x20: {  	_ =	swait.ge [sflag:s20], $0x4000  }
0x21: {  	[sflag:s20] =	ssyncset.done $0x0  }
0x22: {  	[sflag:s20] =	ssyncadd.s32 $0xFFFFC000  }
0x23: {  	[spmem:s8] =	stream.linear.scatter [tilespmem:s21], [sflag:$0x2], $0x4000, $0x38;
	[tilespmem:$0x1E400] =	vst v63  }
0x24: {  	_ =	swait.ge [sflag:s20], $0x4000  }
0x25: {  	[sflag:s20] =	ssyncset.done $0x0  }
0x26: {  	[sflag:s20] =	ssyncadd.s32 $0xFFFFC000  }
0x27: {  	[spmem:s9] =	stream.linear.scatter [tilespmem:s21], [sflag:$0x2], $0x4000, $0x38;
	[tilespmem:$0x1E400] =	vst v63  }
0x28: {  	_ =	swait.ge [sflag:s20], $0x4000  }
0x29: {  	[sflag:s20] =	ssyncset.done $0x0  }
0x2a: {  	[sflag:s20] =	ssyncadd.s32 $0xFFFFC000  }
0x2b: {  	[spmem:s10] =	stream.linear.scatter [tilespmem:s21], [sflag:$0x2], $0x4000, $0x38;
	[tilespmem:$0x1E400] =	vst v63  }
0x2c: {  	_ =	swait.ge [sflag:s20], $0x4000  }
0x2d: {  	[sflag:s20] =	ssyncset.done $0x0  }
0x2e: {  	[sflag:s20] =	ssyncadd.s32 $0xFFFFC000  }
0x2f: {  	[spmem:s11] =	stream.linear.scatter [tilespmem:s21], [sflag:$0x2], $0x4000, $0x38;
	[tilespmem:$0x1E400] =	vst v63  }
0x30: {  	_ =	swait.ge [sflag:s20], $0x4000  }
0x31: {  	[sflag:s20] =	ssyncset.done $0x0  }
0x32: {  	[sflag:s20] =	ssyncadd.s32 $0xFFFFC000  }
0x33: {  	[spmem:s12] =	stream.linear.scatter [tilespmem:s21], [sflag:$0x2], $0x3C00, $0x38;
	[tilespmem:$0x1E400] =	vst v63  }
0x34: {  	_ =	swait.ge [sflag:s20], $0x3C00  }
0x35: {  	[sflag:s20] =	ssyncset.done $0x0  }
0x36: {  	[sflag:s20] =	ssyncadd.s32 $0xFFFFC400  }
0x37: {  	[bflag:$0x0] =	sbarrier.arrive $0xFFFF  }
0x38: {  	[tilespmem:s21], [sflag:$0x1] =	stream.indirect.gather [hbm4b:s1+s22], $0x80, s4, s22, $0xb8;
	[tilespmem:$0x1E400] =	vst v63  }
0x39: {  	p0 =	sne.s32 s13, $0x1;
	_ =	swait.ge [sflag:s23], $0x4000  }
.Ltmp0:
0x3a: {  	[sflag:s23] =	ssyncset.done $0x0;
	(pc) =	sbr.rel @!p0 .LBB2_3-.Ltmp0, $4  }
0x3b: {  	[sflag:s23] =	ssyncadd.s32 $0xFFFFC000  }
0x3c: {  	[spmem:s3] =	stream.indirect.scatter.add.f32 [tilespmem:s21], [sflag:$0x2], $0x80, s25, s22, $0xb8;
	[tilespmem:$0x1E400] =	vst v63  }
0x3d: {  	_ =	swait.ge [sflag:s20], $0x4000  }
0x3e: {  	s26 =	sadd.s32 $0xFFFFFFFF, s13;
	s28 =	simm.s32 $0x0;
	[sflag:s20] =	ssyncset.done $0x0  }
.LBB2_2:
0x3f: {  	[sflag:s20] =	ssyncadd.s32 $0xFFFFC000;
	s28 =	sadd.s32 $0x80, s28;
	s25 =	sadd.s32 $0x80, s25  }
0x40: {  	[tilespmem:s21], [sflag:$0x1] =	stream.indirect.gather [hbm4b:s1+s22], $0x80, s28, s22, $0xb8;
	[tilespmem:$0x1E400] =	vst v63  }
0x41: {  	p0 =	sne.s32 s26, $0x1;
	s26 =	sadd.s32 $0xFFFFFFFF, s26;
	_ =	swait.ge [sflag:s23], $0x4000  }
.Ltmp1:
0x42: {  	[sflag:s23] =	ssyncset.done $0x0;
	(pc) =	sbr.rel @p0 .LBB2_2-.Ltmp1, $4  }
0x43: {  	[sflag:s23] =	ssyncadd.s32 $0xFFFFC000  }
0x44: {  	[spmem:s3] =	stream.indirect.scatter.add.f32 [tilespmem:s21], [sflag:$0x2], $0x80, s25, s22, $0xb8;
	[tilespmem:$0x1E400] =	vst v63  }
0x45: {  	_ =	swait.ge [sflag:s20], $0x4000  }
0x46: {  	[sflag:s20] =	ssyncset.done $0x0  }
.LBB2_3:
0x47: {  	[sflag:s20] =	ssyncadd.s32 $0xFFFFC000  }
0x48: {  	[bflag:$0x0] =	sbarrier.arrive $0xFFFF  }
0x49: {  	[tilespmem:s21], [sflag:$0x2] =	stream.linear.gather [spmem:s8], $0x4000, $0x38;
	[tilespmem:$0x1E400] =	vst v63  }
0x4a: {  	_ =	swait.ge [sflag:s20], $0x4000  }
0x4b: {  	[sflag:s20] =	ssyncset.done $0x0  }
0x4c: {  	[sflag:s20] =	ssyncadd.s32 $0xFFFFC000  }
0x4d: {  	[hbm4b:s14+s4] =	stream.linear.scatter [tilespmem:s21], [sflag:$0x2], $0x4000, $0x38;
	[tilespmem:$0x1E400] =	vst v63  }
0x4e: {  	_ =	swait.ge [sflag:s20], $0x4000  }
0x4f: {  	[sflag:s20] =	ssyncset.done $0x0  }
0x50: {  	[sflag:s20] =	ssyncadd.s32 $0xFFFFC000  }
0x51: {  	[tilespmem:s21], [sflag:$0x2] =	stream.linear.gather [spmem:s9], $0x4000, $0x38;
	[tilespmem:$0x1E400] =	vst v63  }
0x52: {  	_ =	swait.ge [sflag:s20], $0x4000  }
0x53: {  	[sflag:s20] =	ssyncset.done $0x0  }
0x54: {  	[sflag:s20] =	ssyncadd.s32 $0xFFFFC000  }
0x55: {  	[hbm4b:s15+s4] =	stream.linear.scatter [tilespmem:s21], [sflag:$0x2], $0x4000, $0x38;
	[tilespmem:$0x1E400] =	vst v63  }
0x56: {  	_ =	swait.ge [sflag:s20], $0x4000  }
0x57: {  	[sflag:s20] =	ssyncset.done $0x0  }
0x58: {  	[sflag:s20] =	ssyncadd.s32 $0xFFFFC000  }
0x59: {  	[tilespmem:s21], [sflag:$0x2] =	stream.linear.gather [spmem:s10], $0x4000, $0x38;
	[tilespmem:$0x1E400] =	vst v63  }
0x5a: {  	_ =	swait.ge [sflag:s20], $0x4000  }
0x5b: {  	[sflag:s20] =	ssyncset.done $0x0  }
0x5c: {  	[sflag:s20] =	ssyncadd.s32 $0xFFFFC000  }
0x5d: {  	[hbm4b:s16+s4] =	stream.linear.scatter [tilespmem:s21], [sflag:$0x2], $0x4000, $0x38;
	[tilespmem:$0x1E400] =	vst v63  }
0x5e: {  	_ =	swait.ge [sflag:s20], $0x4000  }
0x5f: {  	[sflag:s20] =	ssyncset.done $0x0  }
0x60: {  	[sflag:s20] =	ssyncadd.s32 $0xFFFFC000  }
0x61: {  	[tilespmem:s21], [sflag:$0x2] =	stream.linear.gather [spmem:s11], $0x4000, $0x38;
	[tilespmem:$0x1E400] =	vst v63  }
0x62: {  	_ =	swait.ge [sflag:s20], $0x4000  }
0x63: {  	[sflag:s20] =	ssyncset.done $0x0  }
0x64: {  	[sflag:s20] =	ssyncadd.s32 $0xFFFFC000  }
0x65: {  	[hbm4b:s17+s4] =	stream.linear.scatter [tilespmem:s21], [sflag:$0x2], $0x4000, $0x38;
	[tilespmem:$0x1E400] =	vst v63  }
0x66: {  	_ =	swait.ge [sflag:s20], $0x4000  }
0x67: {  	[sflag:s20] =	ssyncset.done $0x0  }
0x68: {  	[sflag:s20] =	ssyncadd.s32 $0xFFFFC000  }
0x69: {  	[tilespmem:s21], [sflag:$0x2] =	stream.linear.gather [spmem:s12], $0x3C00, $0x38;
	[tilespmem:$0x1E400] =	vst v63  }
0x6a: {  	s24 =	sadd.s32 $0x1, s24;
	_ =	swait.ge [sflag:s20], $0x3C00  }
0x6b: {  	p0 =	sne.s32 s24, s19;
	[sflag:s20] =	ssyncset.done $0x0  }
.Ltmp2:
0x6c: {  	[sflag:s20] =	ssyncadd.s32 $0xFFFFC400;
	(pc) =	sbr.rel @p0 .LBB2_1-.Ltmp2, $4  }
0x6d: {  	[hbm4b:s18+s4] =	stream.linear.scatter [tilespmem:s21], [sflag:$0x2], $0x3C00, $0x38;
	[tilespmem:$0x1E400] =	vst v63  }
0x6e: {  	_ =	swait.ge [sflag:s20], $0x3C00  }
0x6f: {  	[sflag:s20] =	ssyncset.done $0x0  }
0x70: {  	[sflag:s20] =	ssyncadd.s32 $0xFFFFC400  }
0x71: {  	_ =	sfence.sel $0x180000  }
0x72: {  	[bflag:$0x0] =	sbarrier.arrive $0xFFFF  }
0x73: {  	p0 =	sne.s32 s0, $0x0;
	_ =	strace $0x9000004D  }
0x74: {  	s0 =	sadd.s32 @!p0 $0x100000, s2;
	[bflag:$0x2] =	sbarrier.arrive $0xFFFF  }
0x75: {  	[sflag:s0] =	ssyncadd.tile.s32 @!p0 $0x1;
	_ =	shalt  }
.Lfunc_end2:
_tile_overlayer_lowered:
.L_overlay_start_2:
0x76: {  	(tag) =	ssettag $0x2  }
0x77: {  	s0 =	rddreg [dreg:$0x0];
	s2 =	stileid.u32  }
0x78: {  	s1 =	rddreg [dreg:$0x1];
	p0 =	sne.s32 s2, $0x0  }
0x79: {  	s3 =	rddreg [dreg:$0x2];
	[bflag:$0x3] =	sbarrier.arrive $0xFFFF;
	s2 =	simm.s32 @!p0 $0x1C02  }
0x7a: {  	[timem:s3], [sflag:s2] =	dma.local @!p0 [hbm:s0], s1  }
0x7b: {  	s0 =	simm.s32 @!p0 $0x2  }
0x7c: {  	_ =	swait.ge @!p0 [sflag:s0], s1  }
0x7d: {  	s1 =	ssub.s32 @!p0 $0x0, s1;
	[sflag:s0] =	ssyncset.done @!p0 $0x0  }
0x7e: {  	[sflag:s0] =	ssyncadd.s32 @!p0 s1  }
0x7f: {  	[bflag:$0x3] =	sbarrier.arrive $0xFFFF  }
0x80: {  	_ =	shalt  }

// kernel: kernel.20.cloned.1.call-start
scs
__scs_entry_jumppad:
0x0: {  	(pc) =	sbr.rel $0x88, $3  }
0x1: {  	(tag) =	ssettag $0x0;
	lr =	simm.s32 $0x1  }
0x2: {  	[smem:$0x3F97] =	sst lr;
	_ =	strace $0xD0000000  }
0x3: {  	_ = 	snop  }
0x4: {  	_ = 	snop  }
0x5: {  	_ = 	snop  }
0x6: {  	_ = 	snop  }
0x7: {  	_ = 	snop  }
__scs_overlays_trampoline_lowered:
0x8: {  	[smem:$0x3FA6] =	sst s0  }
0x9: {  	[smem:$0x3FA7] =	sst s1  }
0xa: {  	[smem:$0x3FA8] =	sst s2  }
0xb: {  	[smem:$0x3FA9] =	sst s3  }
0xc: {  	[smem:$0x3FAA] =	sst s4  }
0xd: {  	[smem:$0x3FAB] =	sst s5  }
0xe: {  	[smem:$0x3FAC] =	sst s6  }
0xf: {  	[smem:$0x3FAD] =	sst s7  }
0x10: {  	[smem:$0x3FAE] =	sst s8  }
0x11: {  	[smem:$0x3FAF] =	sst s9;
	s0 =	simm.s32 @!p0 $0x0  }
0x12: {  	s1 =	sld [smem:$0x3F95];
	s0 =	simm.s32 @p0 $0x1  }
0x13: {  	[smem:$0x3FB0] =	sst s0;
	s0 =	simm.s32 @!p1 $0x0  }
0x14: {  	s2 =	sld [smem:$0x3F94];
	s0 =	simm.s32 @p1 $0x1  }
0x15: {  	[smem:$0x3FB1] =	sst s0;
	s0 =	simm.s32 @!p2 $0x0  }
0x16: {  	s3 =	sld [smem:$0x3FDB];
	s0 =	simm.s32 @p2 $0x1  }
0x17: {  	s4 =	simm.s32 $0x1BF5;
	[smem:$0x3FB3] =	sst s0  }
0x18: {  	s0 =	sld [smem:$0x3F96];
	_ =	swait.ge [sflag:s4], $0x0  }
0x19: {  	s7 =	sld [smem:$0x3F97]  }
0x1a: {  	s8 =	sadd.s32 $0xFFFFE003, lr  }
0x1b: {  	s9 =	sadd.s32 $0xFFFFFEF7, lr;
	s5 =	simm.s32 $0xFFFFFFFF;
	p2 =	slt.u32 s8, $0xFFFFF086  }
0x1c: {  	p1 =	slt.u32 s9, $0xF7A;
	s5 =	simm.s32 @!p2 $0x0  }
0x1d: {  	s5 =	simm.s32 @p1 $0x1;
	p0 =	seq.s32 s7, s2  }
0x1e: {  	s7 =	smul.u32 @!p0 $0xF7A, s2;
	p2 =	seq.s32 @!p0 s5, $0x0  }
0x1f: {  	s9 =	smul.u32 $0xF7A, s1;
	s8 =	simm.s32 @!p0 $0x1BF5;
	p2 =	por !p2, p0  }
0x20: {  	[sflag:s8] =	ssyncset.s32 @!p0 $0xFFFFF086;
	s6 =	sadd.s32 @!p0 s3, s7;
	s7 =	simm.s32 @!p0 $0x108  }
0x21: {  	s3 =	sadd.s32 s3, s9;
	s6 =	sadd.s32 @!p0 $0x88, s6;
	s7 =	simm.s32 @p2 $0x1082  }
0x22: {  	[simem:s7], [sflag:s8] =	dma.local @!p0 [hbm:s6], $0xF7A  }
0x23: {  	s9 =	sor.u32 $0xD0000000, s2;
	s6 =	simm.s32 $0x108;
	_ =	swait.ge @!p0 [sflag:s8], $0x0  }
0x24: {  	s3 =	sadd.s32 $0x88, s3;
	s6 =	simm.s32 @!p1 $0x1082;
	[sflag:s4] =	ssyncset.s32 $0xFFFFF086  }
0x25: {  	[simem:s6], [sflag:s4] =	dma.local [hbm:s3], $0xF7A  }
0x26: {  	[smem:$0x3F97] =	sst s1;
	(tag) =	ssettag s2;
	_ =	strace s9  }
0x27: {  	s1 =	sld [smem:$0x3FA7]  }
0x28: {  	s2 =	sld [smem:$0x3FA8]  }
0x29: {  	s4 =	sld [smem:$0x3FAA]  }
0x2a: {  	p0 =	seq.s32 s5, $0x0;
	s5 =	sld [smem:$0x3FAB]  }
0x2b: {  	s6 =	sld [smem:$0x3FAC]  }
0x2c: {  	s7 =	sld [smem:$0x3FAD]  }
0x2d: {  	s3 =	simm.s32 $0x108;
	s8 =	sld [smem:$0x3FAE]  }
0x2e: {  	s3 =	simm.s32 @!p0 $0x1082;
	s9 =	sld [smem:$0x3FAF]  }
0x2f: {  	lr =	sadd.s32 s0, s3;
	s0 =	sld [smem:$0x3FA6]  }
0x30: {  	s3 =	sld [smem:$0x3FA9]  }
0x31: {  	[smem:$0x3FB2] =	sst s10  }
0x32: {  	s10 =	sld [smem:$0x3FB0];
	_ =	sdelay $0x3  }
0x33: {  	p0 =	seq.s32 s10, $0x1;
	s10 =	sld [smem:$0x3FB2];
	_ =	sdelay $0x3  }
0x34: {  	[smem:$0x3FB2] =	sst s10  }
0x35: {  	s10 =	sld [smem:$0x3FB1];
	_ =	sdelay $0x3  }
0x36: {  	p1 =	seq.s32 s10, $0x1;
	s10 =	sld [smem:$0x3FB2];
	_ =	sdelay $0x3  }
0x37: {  	[smem:$0x3FB2] =	sst s10  }
0x38: {  	s10 =	sld [smem:$0x3FB3]  }
0x39: {  	_ = 	snop;
	(pc) =	sbr.ind lr, $3  }
0x3a: {  	_ = 	snop  }
0x3b: {  	_ = 	snop  }
0x3c: {  	p2 =	seq.s32 s10, $0x1;
	s10 =	sld [smem:$0x3FB2]  }
0x3d: {  	_ =	shalt  }
0x3e: {  	_ =	shalt  }
0x3f: {  	_ =	shalt  }
0x40: {  	_ =	shalt  }
0x41: {  	_ =	shalt  }
0x42: {  	_ =	shalt  }
0x43: {  	_ =	shalt  }
0x44: {  	_ =	shalt  }
0x45: {  	_ =	shalt  }
0x46: {  	_ =	shalt  }
0x47: {  	_ =	shalt  }
0x48: {  	_ =	shalt  }
0x49: {  	_ =	shalt  }
0x4a: {  	_ =	shalt  }
0x4b: {  	_ =	shalt  }
0x4c: {  	_ =	shalt  }
0x4d: {  	_ =	shalt  }
0x4e: {  	_ =	shalt  }
0x4f: {  	_ =	shalt  }
0x50: {  	_ =	shalt  }
0x51: {  	_ =	shalt  }
0x52: {  	_ =	shalt  }
0x53: {  	_ =	shalt  }
0x54: {  	_ =	shalt  }
0x55: {  	_ =	shalt  }
0x56: {  	_ =	shalt  }
0x57: {  	_ =	shalt  }
0x58: {  	_ =	shalt  }
0x59: {  	_ =	shalt  }
0x5a: {  	_ =	shalt  }
0x5b: {  	_ =	shalt  }
0x5c: {  	_ =	shalt  }
0x5d: {  	_ =	shalt  }
0x5e: {  	_ =	shalt  }
0x5f: {  	_ =	shalt  }
0x60: {  	_ =	shalt  }
0x61: {  	_ =	shalt  }
0x62: {  	_ =	shalt  }
0x63: {  	_ =	shalt  }
0x64: {  	_ =	shalt  }
0x65: {  	_ =	shalt  }
0x66: {  	_ =	shalt  }
0x67: {  	_ =	shalt  }
0x68: {  	_ =	shalt  }
0x69: {  	_ =	shalt  }
0x6a: {  	_ =	shalt  }
0x6b: {  	_ =	shalt  }
0x6c: {  	_ =	shalt  }
0x6d: {  	_ =	shalt  }
0x6e: {  	_ =	shalt  }
0x6f: {  	_ =	shalt  }
0x70: {  	_ =	shalt  }
0x71: {  	_ =	shalt  }
0x72: {  	_ =	shalt  }
0x73: {  	_ =	shalt  }
0x74: {  	_ =	shalt  }
0x75: {  	_ =	shalt  }
0x76: {  	_ =	shalt  }
0x77: {  	_ =	shalt  }
0x78: {  	_ =	shalt  }
0x79: {  	_ =	shalt  }
0x7a: {  	_ =	shalt  }
0x7b: {  	_ =	shalt  }
0x7c: {  	_ =	shalt  }
0x7d: {  	_ =	shalt  }
0x7e: {  	_ =	shalt  }
0x7f: {  	_ =	shalt  }
0x80: {  	_ =	shalt  }
0x81: {  	_ =	shalt  }
0x82: {  	_ =	shalt  }
0x83: {  	_ =	shalt  }
0x84: {  	_ =	shalt  }
0x85: {  	_ =	shalt  }
0x86: {  	_ =	shalt  }
0x87: {  	_ =	shalt  }
.Lfunc_end0:
.L_simem_size_0:
called_computation.3_lowered:
.L_overlay_start_0:
0x88: {  	s2 =	sld [smem:$0x3FD9]  }
0x89: {  	s3 =	sld [smem:$0x3FFE];
	_ =	sdelay $0x1  }
0x8a: {  	s1 =	srdreg.scid  }
0x8b: {  	s0 =	sand.u32 $0x1, s1  }
0x8c: {  	s16 =	sshll.u32 s0, $0xA;
	s2 =	sadd.s32 s3, s2  }
0x8d: {  	s2 =	sadd.s32 s2, s16  }
0x8e: {  	[smem:$0x3FBE] =	sst s2  }
0x8f: {  	_ = 	snop  }
0x90: {  	(tm) =	ssettm $0x1  }
0x91: {  	s17 =	sld [smem:$0x3FFB];
	_ =	sdelay $0x3  }
0x92: {  	_ =	strace s17  }
0x93: {  	s2 =	sld [smem:$0x3FFC];
	_ =	sdelay $0x3  }
0x94: {  	_ =	strace s2  }
0x95: {  	s2 =	sld [smem:$0x3FFD];
	_ =	sdelay $0x3  }
0x96: {  	_ =	strace s2  }
0x97: {  	_ =	strace $0x8FFFFFFF  }
0x98: {  	s18 =	sld [smem:$0x3FDB];
	_ =	sdelay $0x1  }
0x99: {  	s19 =	simm.s32 $_scs_section_size  }
0x9a: {  	s4 =	simm.s32 $_size__tile_overlayer_lowered;
	s5 =	simm.s32 $_tile_overlayer_lowered  }
0x9b: {  	s22 =	simm.s32 $0x1BFF;
	s21 =	sshll.u32 s5, $0x1;
	s2 =	sadd.s32 s19, s18  }
0x9c: {  	s6 =	simm.s32 $0x0;
	s20 =	sshll.u32 s4, $0x1;
	s4 =	sadd.s32 s21, s2  }
0x9d: {  	[timem:s6], [sflag:s22] =	dma.local [hbm:s4], s20  }
0x9e: {  	_ =	swait.ge [sflag:s22], s20  }
0x9f: {  	s3 =	ssub.s32 $0x0, s20;
	[sflag:s22] =	ssyncset.done $0x0  }
0xa0: {  	[sflag:s22] =	ssyncadd.s32 s3;
	_ =	sdelay $0x1  }
0xa1: {  	s23 =	simm.s32 $0x1B8B  }
0xa2: {  	_ =	swait.ge [sflag:s23], $0x1  }
0xa3: {  	[sflag:s23] =	ssyncset.done $0x0  }
0xa4: {  	s25 =	simm.s32 $0x1B8E;
	s24 =	sld [smem:$0x3FFE];
	[sflag:s23] =	ssyncadd.s32 $0xFFFFFFFF  }
0xa5: {  	s26 =	simm.s32 $execute0_lowered;
	[smem:$0x3FD2] =	sst s25  }
0xa6: {  	s4 =	sshll.u32 s26, $0x1;
	_ =	strace $0x8000004F;
	[dreg:$0x1] =	wrdreg $0xFFFFFFFF  }
0xa7: {  	s28 =	simm.s32 $_size_execute0_lowered;
	s2 =	sadd.s32 s2, s4;
	[dreg:$0x0] =	wrdreg $0x0  }
0xa8: {  	s4 =	sshll.u32 s28, $0x1;
	[dreg:$0x2] =	wrdreg s2  }
0xa9: {  	[dreg:$0x3] =	wrdreg s4  }
0xaa: {  	[dreg:$0x4] =	wrdreg $0xC0  }
0xab: {  	_ =	task [dreg:s6], $0x5FFFF  }
0xac: {  	[dreg:$0x1] =	wrdreg $0xFFFFFFFF  }
0xad: {  	[dreg:$0x0] =	wrdreg $0x60  }
0xae: {  	[dreg:$0x2] =	wrdreg s24  }
0xaf: {  	[dreg:$0x3] =	wrdreg $0xA8000  }
0xb0: {  	[dreg:$0x4] =	wrdreg $0x9  }
0xb1: {  	_ =	task.clear_ibuf [dreg:s6], $0x5FFFF;
	_ =	strace $0x9000004F  }
0xb2: {  	s29 =	simm.s32 $0x9;
	_ =	strace $0x80000051  }
0xb3: {  	_ =	swait.ge [sflag:s29], $0x1  }
0xb4: {  	[sflag:s29] =	ssyncadd.s32 $0xFFFFFFFF  }
0xb5: {  	_ =	strace $0x90000051  }
0xb6: {  	_ =	sfence  }
0xb7: {  	s30 =	sld [smem:$0x0];
	_ =	sdelay $0x2  }
0xb8: {  	s31 =	sshll.u32 s1, $0xD;
	s1 =	sshrl.u32 s1, $0x2  }
0xb9: {  	s3 =	sand.u32 $0x4000, s31;
	s1 =	sadd.s32 s1, s30  }
0xba: {  	s0 =	sor.u32 s3, s0;
	s1 =	sshll.u32 s1, $0x11  }
0xbb: {  	s0 =	sor.u32 s1, s0  }
0xbc: {  	s0 =	sadd.s32 $0x8F2B, s0  }
0xbd: {  	[sflag:s0] =	ssyncadd.remote.s32 $0x1  }
0xbe: {  	_ =	sfence.sel $0xFFFF  }
0xbf: {  	[dreg:$0x0] =	wrdreg $0xFFFFFFFF;
	(pc) =	sbr.abs _section_cstart, $3  }
0xc0: {  	[dreg:$0x1] =	wrdreg $0xFFFFFFFF  }
0xc1: {  	_ =	task.clear_ibuf [dreg:s6], $0x2FFFF;
	_ =	strace $0x9FFFFFFF  }
0xc2: {  	(tm) =	ssettm $0x7FFFFFFF  }
0xc3: {  	_ =	shalt  }
tec
execute0_lowered:
.L_overlay_start_1:
0x0: {  	(tag) =	ssettag $0x1  }
0x1: {  	s6 =	rddreg [dreg:$0x0]  }
0x2: {  	s2 =	rddreg [dreg:$0x1]  }
0x3: {  	s0 =	srdreg.scid;
	s1 =	rddreg [dreg:$0x2];
	s3 =	simm.s32 $0x0  }
0x4: {  	s22 =	simm.s32 $0x80;
	s23 =	simm.s32 $0x1;
	s13 =	sand.u32 $0x1, s0  }
0x5: {  	s24 =	simm.s32 $0x0;
	s0 =	stileid.u32;
	s4 =	smul.u32 $0x34000, s13  }
0x6: {  	[smem:$0x7FF] =	sst s3;
	s18 =	sadd.s32 $0x6C600, s6;
	s5 =	smul.u32 $0x3400, s0  }
0x7: {  	_ =	strace $0x80000050;
	s8 =	ssub.s32 $0x2, s13;
	s9 =	smul.u32 $0x4F000, s0  }
0x8: {  	s21 =	smul.u32 $0x13C000, s13;
	p0 =	seq.s32 s13, $0x0;
	s13 =	simm.s32 $0x67  }
0x9: {  	s14 =	smul.u32 $0x13C00, s0;
	s10 =	sshrl.u32 s8, $0x1;
	s13 =	simm.s32 @!p0 $0x36  }
0xa: {  	s5 =	sadd.s32 s5, s4;
	s4 =	sadd.s32 $0x45400, s6;
	s19 =	ssub.s32 s8, s10  }
0xb: {  	s31 =	sshrl.u32 s9, $0x2;
	s15 =	sadd.s32 $0x4000, s14;
	s16 =	sadd.s32 $0x8000, s14  }
0xc: {  	s17 =	sadd.s32 $0xC000, s14;
	s20 =	sadd.s32 $0x10000, s14;
	s14 =	sadd.s32 s14, s21  }
0xd: {  	s5 =	sshrl.u32 s5, $0x3;
	s8 =	sadd.s32 s31, s2;
	s9 =	sadd.s32 s15, s2  }
0xe: {  	s10 =	sadd.s32 s16, s2;
	s11 =	sadd.s32 s17, s2;
	s12 =	sadd.s32 s20, s2  }
0xf: {  	s15 =	sadd.s32 s21, s15;
	s14 =	sshrl.u32 s14, $0x3;
	s16 =	sadd.s32 s21, s16  }
0x10: {  	s17 =	sadd.s32 s21, s17;
	s20 =	sadd.s32 s21, s20;
	s19 =	smax.u32 s19, $0x1  }
0x11: {  	s21 =	simm.s32 $0x6800;
	s7 =	sadd.s32 s5, s6;
	s5 =	sadd.s32 $0x1DA00, s6  }
0x12: {  	s15 =	sshrl.u32 s15, $0x3;
	s14 =	sadd.s32 s18, s14;
	s16 =	sshrl.u32 s16, $0x3  }
0x13: {  	s17 =	sshrl.u32 s17, $0x3;
	s20 =	sshrl.u32 s20, $0x3;
	s6 =	sadd.s32 $0x10A00, s7  }
0x14: {  	s7 =	sadd.s32 $0x3A00, s7;
	s15 =	sadd.s32 s18, s15;
	s16 =	sadd.s32 s18, s16  }
0x15: {  	s17 =	sadd.s32 s18, s17;
	s18 =	sadd.s32 s18, s20;
	s20 =	simm.s32 $0x2  }
.LBB2_1:
0x16: {  	[tilespmem:s3], [sflag:$0x2] =	stream.linear.gather [hbm4b:s6+s3], $0x3380, $0x38;
	[tilespmem:$0x1E400] =	vst v63  }
0x17: {  	_ =	swait.ge [sflag:s20], $0x3380  }
0x18: {  	[sflag:s20] =	ssyncset.done $0x0  }
0x19: {  	s25 =	simm.s32 $0x3400;
	[sflag:s20] =	ssyncadd.s32 $0xFFFFCC80  }
0x1a: {  	[tilespmem:s25], [sflag:$0x2] =	stream.linear.gather [hbm4b:s7+s3], $0x3380, $0x38;
	[tilespmem:$0x1E400] =	vst v63  }
0x1b: {  	_ =	swait.ge [sflag:s20], $0x3380  }
0x1c: {  	[sflag:s20] =	ssyncset.done $0x0  }
0x1d: {  	[sflag:s20] =	ssyncadd.s32 $0xFFFFCC80  }
0x1e: {  	[tilespmem:s21], [sflag:$0x2] =	stream.linear.gather [hbm4b:s5+s3], $0x4000, $0x38;
	[tilespmem:$0x1E400] =	vst v63  }
0x1f: {  	_ =	swait.ge [sflag:s20], $0x4000  }
0x20: {  	[sflag:s20] =	ssyncset.done $0x0  }
0x21: {  	[sflag:s20] =	ssyncadd.s32 $0xFFFFC000  }
0x22: {  	[spmem:s8] =	stream.linear.scatter [tilespmem:s21], [sflag:$0x2], $0x4000, $0x38;
	[tilespmem:$0x1E400] =	vst v63  }
0x23: {  	_ =	swait.ge [sflag:s20], $0x4000  }
0x24: {  	[sflag:s20] =	ssyncset.done $0x0  }
0x25: {  	[sflag:s20] =	ssyncadd.s32 $0xFFFFC000  }
0x26: {  	[spmem:s9] =	stream.linear.scatter [tilespmem:s21], [sflag:$0x2], $0x4000, $0x38;
	[tilespmem:$0x1E400] =	vst v63  }
0x27: {  	_ =	swait.ge [sflag:s20], $0x4000  }
0x28: {  	[sflag:s20] =	ssyncset.done $0x0  }
0x29: {  	[sflag:s20] =	ssyncadd.s32 $0xFFFFC000  }
0x2a: {  	[spmem:s10] =	stream.linear.scatter [tilespmem:s21], [sflag:$0x2], $0x4000, $0x38;
	[tilespmem:$0x1E400] =	vst v63  }
0x2b: {  	_ =	swait.ge [sflag:s20], $0x4000  }
0x2c: {  	[sflag:s20] =	ssyncset.done $0x0  }
0x2d: {  	[sflag:s20] =	ssyncadd.s32 $0xFFFFC000  }
0x2e: {  	[spmem:s11] =	stream.linear.scatter [tilespmem:s21], [sflag:$0x2], $0x4000, $0x38;
	[tilespmem:$0x1E400] =	vst v63  }
0x2f: {  	_ =	swait.ge [sflag:s20], $0x4000  }
0x30: {  	[sflag:s20] =	ssyncset.done $0x0  }
0x31: {  	[sflag:s20] =	ssyncadd.s32 $0xFFFFC000  }
0x32: {  	[spmem:s12] =	stream.linear.scatter [tilespmem:s21], [sflag:$0x2], $0x3C00, $0x38;
	[tilespmem:$0x1E400] =	vst v63  }
0x33: {  	_ =	swait.ge [sflag:s20], $0x3C00  }
0x34: {  	[sflag:s20] =	ssyncset.done $0x0  }
0x35: {  	[sflag:s20] =	ssyncadd.s32 $0xFFFFC400  }
0x36: {  	[bflag:$0x0] =	sbarrier.arrive $0xFFFF  }
0x37: {  	[tilespmem:s21], [sflag:$0x1] =	stream.indirect.gather [hbm4b:s4+s22], $0x80, s3, s22, $0xb8;
	[tilespmem:$0x1E400] =	vst v63  }
0x38: {  	p0 =	sne.s32 s13, $0x1;
	_ =	swait.ge [sflag:s23], $0x4000  }
.Ltmp0:
0x39: {  	[sflag:s23] =	ssyncset.done $0x0;
	(pc) =	sbr.rel @!p0 .LBB2_3-.Ltmp0, $4  }
0x3a: {  	[sflag:s23] =	ssyncadd.s32 $0xFFFFC000  }
0x3b: {  	[spmem:s2] =	stream.indirect.scatter.add.f32 [tilespmem:s21], [sflag:$0x2], $0x80, s25, s22, $0xb8;
	[tilespmem:$0x1E400] =	vst v63  }
0x3c: {  	_ =	swait.ge [sflag:s20], $0x4000  }
0x3d: {  	s26 =	sadd.s32 $0xFFFFFFFF, s13;
	s28 =	simm.s32 $0x0;
	[sflag:s20] =	ssyncset.done $0x0  }
.LBB2_2:
0x3e: {  	[sflag:s20] =	ssyncadd.s32 $0xFFFFC000;
	s28 =	sadd.s32 $0x80, s28;
	s25 =	sadd.s32 $0x80, s25  }
0x3f: {  	[tilespmem:s21], [sflag:$0x1] =	stream.indirect.gather [hbm4b:s4+s22], $0x80, s28, s22, $0xb8;
	[tilespmem:$0x1E400] =	vst v63  }
0x40: {  	p0 =	sne.s32 s26, $0x1;
	s26 =	sadd.s32 $0xFFFFFFFF, s26;
	_ =	swait.ge [sflag:s23], $0x4000  }
.Ltmp1:
0x41: {  	[sflag:s23] =	ssyncset.done $0x0;
	(pc) =	sbr.rel @p0 .LBB2_2-.Ltmp1, $4  }
0x42: {  	[sflag:s23] =	ssyncadd.s32 $0xFFFFC000  }
0x43: {  	[spmem:s2] =	stream.indirect.scatter.add.f32 [tilespmem:s21], [sflag:$0x2], $0x80, s25, s22, $0xb8;
	[tilespmem:$0x1E400] =	vst v63  }
0x44: {  	_ =	swait.ge [sflag:s20], $0x4000  }
0x45: {  	[sflag:s20] =	ssyncset.done $0x0  }
.LBB2_3:
0x46: {  	[sflag:s20] =	ssyncadd.s32 $0xFFFFC000  }
0x47: {  	[bflag:$0x0] =	sbarrier.arrive $0xFFFF  }
0x48: {  	[tilespmem:s21], [sflag:$0x2] =	stream.linear.gather [spmem:s8], $0x4000, $0x38;
	[tilespmem:$0x1E400] =	vst v63  }
0x49: {  	_ =	swait.ge [sflag:s20], $0x4000  }
0x4a: {  	[sflag:s20] =	ssyncset.done $0x0  }
0x4b: {  	[sflag:s20] =	ssyncadd.s32 $0xFFFFC000  }
0x4c: {  	[hbm4b:s14+s3] =	stream.linear.scatter [tilespmem:s21], [sflag:$0x2], $0x4000, $0x38;
	[tilespmem:$0x1E400] =	vst v63  }
0x4d: {  	_ =	swait.ge [sflag:s20], $0x4000  }
0x4e: {  	[sflag:s20] =	ssyncset.done $0x0  }
0x4f: {  	[sflag:s20] =	ssyncadd.s32 $0xFFFFC000  }
0x50: {  	[tilespmem:s21], [sflag:$0x2] =	stream.linear.gather [spmem:s9], $0x4000, $0x38;
	[tilespmem:$0x1E400] =	vst v63  }
0x51: {  	_ =	swait.ge [sflag:s20], $0x4000  }
0x52: {  	[sflag:s20] =	ssyncset.done $0x0  }
0x53: {  	[sflag:s20] =	ssyncadd.s32 $0xFFFFC000  }
0x54: {  	[hbm4b:s15+s3] =	stream.linear.scatter [tilespmem:s21], [sflag:$0x2], $0x4000, $0x38;
	[tilespmem:$0x1E400] =	vst v63  }
0x55: {  	_ =	swait.ge [sflag:s20], $0x4000  }
0x56: {  	[sflag:s20] =	ssyncset.done $0x0  }
0x57: {  	[sflag:s20] =	ssyncadd.s32 $0xFFFFC000  }
0x58: {  	[tilespmem:s21], [sflag:$0x2] =	stream.linear.gather [spmem:s10], $0x4000, $0x38;
	[tilespmem:$0x1E400] =	vst v63  }
0x59: {  	_ =	swait.ge [sflag:s20], $0x4000  }
0x5a: {  	[sflag:s20] =	ssyncset.done $0x0  }
0x5b: {  	[sflag:s20] =	ssyncadd.s32 $0xFFFFC000  }
0x5c: {  	[hbm4b:s16+s3] =	stream.linear.scatter [tilespmem:s21], [sflag:$0x2], $0x4000, $0x38;
	[tilespmem:$0x1E400] =	vst v63  }
0x5d: {  	_ =	swait.ge [sflag:s20], $0x4000  }
0x5e: {  	[sflag:s20] =	ssyncset.done $0x0  }
0x5f: {  	[sflag:s20] =	ssyncadd.s32 $0xFFFFC000  }
0x60: {  	[tilespmem:s21], [sflag:$0x2] =	stream.linear.gather [spmem:s11], $0x4000, $0x38;
	[tilespmem:$0x1E400] =	vst v63  }
0x61: {  	_ =	swait.ge [sflag:s20], $0x4000  }
0x62: {  	[sflag:s20] =	ssyncset.done $0x0  }
0x63: {  	[sflag:s20] =	ssyncadd.s32 $0xFFFFC000  }
0x64: {  	[hbm4b:s17+s3] =	stream.linear.scatter [tilespmem:s21], [sflag:$0x2], $0x4000, $0x38;
	[tilespmem:$0x1E400] =	vst v63  }
0x65: {  	_ =	swait.ge [sflag:s20], $0x4000  }
0x66: {  	[sflag:s20] =	ssyncset.done $0x0  }
0x67: {  	[sflag:s20] =	ssyncadd.s32 $0xFFFFC000  }
0x68: {  	[tilespmem:s21], [sflag:$0x2] =	stream.linear.gather [spmem:s12], $0x3C00, $0x38;
	[tilespmem:$0x1E400] =	vst v63  }
0x69: {  	s24 =	sadd.s32 $0x1, s24;
	_ =	swait.ge [sflag:s20], $0x3C00  }
0x6a: {  	p0 =	sne.s32 s24, s19;
	[sflag:s20] =	ssyncset.done $0x0  }
.Ltmp2:
0x6b: {  	[sflag:s20] =	ssyncadd.s32 $0xFFFFC400;
	(pc) =	sbr.rel @p0 .LBB2_1-.Ltmp2, $4  }
0x6c: {  	[hbm4b:s18+s3] =	stream.linear.scatter [tilespmem:s21], [sflag:$0x2], $0x3C00, $0x38;
	[tilespmem:$0x1E400] =	vst v63  }
0x6d: {  	_ =	swait.ge [sflag:s20], $0x3C00  }
0x6e: {  	[sflag:s20] =	ssyncset.done $0x0  }
0x6f: {  	[sflag:s20] =	ssyncadd.s32 $0xFFFFC400  }
0x70: {  	_ =	sfence.sel $0x180000  }
0x71: {  	[bflag:$0x0] =	sbarrier.arrive $0xFFFF  }
0x72: {  	p0 =	sne.s32 s0, $0x0;
	_ =	strace $0x90000050  }
0x73: {  	s0 =	sadd.s32 @!p0 $0x100000, s1;
	[bflag:$0x2] =	sbarrier.arrive $0xFFFF  }
0x74: {  	[sflag:s0] =	ssyncadd.tile.s32 @!p0 $0x1;
	_ =	shalt  }
.Lfunc_end2:
_tile_overlayer_lowered:
.L_overlay_start_2:
0x75: {  	(tag) =	ssettag $0x2  }
0x76: {  	s0 =	rddreg [dreg:$0x0];
	s2 =	stileid.u32  }
0x77: {  	s1 =	rddreg [dreg:$0x1];
	p0 =	sne.s32 s2, $0x0  }
0x78: {  	s3 =	rddreg [dreg:$0x2];
	[bflag:$0x3] =	sbarrier.arrive $0xFFFF;
	s2 =	simm.s32 @!p0 $0x1C02  }
0x79: {  	[timem:s3], [sflag:s2] =	dma.local @!p0 [hbm:s0], s1  }
0x7a: {  	s0 =	simm.s32 @!p0 $0x2  }
0x7b: {  	_ =	swait.ge @!p0 [sflag:s0], s1  }
0x7c: {  	s1 =	ssub.s32 @!p0 $0x0, s1;
	[sflag:s0] =	ssyncset.done @!p0 $0x0  }
0x7d: {  	[sflag:s0] =	ssyncadd.s32 @!p0 s1  }
0x7e: {  	[bflag:$0x3] =	sbarrier.arrive $0xFFFF  }
0x7f: {  	_ =	shalt  }

</sc_bundles>
